<compile_context>
chip_gen: v7x
topology: tpu7x:2x2x1
jax: 0.10.2.dev20260603
libtpu: 0.0.44.dev20260713+nightly
codegen_flags: <defaults>
</compile_context>

<pallas_src>
import functools

import jax
import jax.numpy as jnp
from jax import lax
from jax.experimental import pallas as pl
from jax.experimental.pallas import tpu as pltpu
from jax.experimental.pallas import tpu_sc as plsc

NUM_ENTITIES = 1000000
NUM_RELATIONS = 1000
DIM = 64
BATCH = 16384

_info = plsc.get_sparse_core_info()
NC, NS, L = _info.num_cores, _info.num_subcores, _info.num_lanes
NW = NC * NS
B_PER_W = BATCH // NW
CHUNK = 128
N_CHUNKS = B_PER_W // CHUNK


def _row_buf_types():
  return [
      pltpu.VMEM((CHUNK, 2 * DIM), jnp.float32),
      pltpu.VMEM((CHUNK, 2 * DIM), jnp.float32),
      pltpu.VMEM((CHUNK, DIM), jnp.bfloat16),
      pltpu.VMEM((CHUNK, DIM), jnp.bfloat16),
      pltpu.VMEM((CHUNK,), jnp.float32),
      pltpu.SemaphoreType.DMA,
  ]


def _make_kernel():
  mesh = plsc.VectorSubcoreMesh(core_axis_name="c", subcore_axis_name="s")

  @functools.partial(
      pl.kernel,
      mesh=mesh,
      compiler_params=pltpu.CompilerParams(
          needs_layout_passes=False, use_tc_tiling_on_sc=False),
      out_type=jax.ShapeDtypeStruct((BATCH,), jnp.float32),
      scratch_types=[
          pltpu.VMEM((N_CHUNKS, CHUNK), jnp.int32),
          pltpu.VMEM((N_CHUNKS, CHUNK), jnp.int32),
          pltpu.VMEM((N_CHUNKS, CHUNK), jnp.int32),
          pltpu.SemaphoreType.DMA,
          pltpu.SemaphoreType.DMA,
          pltpu.SemaphoreType.DMA,
          pltpu.SemaphoreType.DMA,
          pltpu.SemaphoreType.DMA,
          pltpu.SemaphoreType.DMA,
      ] + _row_buf_types() + _row_buf_types(),
  )
  def scores(enc_h, h_h, r_h, t_h, rre_h, rim_h, out_h,
             idxh_v, idxt_v, idxr_v, si0, si1, si2, si3, so0, so1, *scratch):
    bufs = (scratch[:6], scratch[6:])
    isems = (si0, si1, si2, si3)
    osems = (so0, so1)
    wid = lax.axis_index("s") * NC + lax.axis_index("c")
    lanes = lax.iota(jnp.int32, L)

    icps = []
    for j in range(N_CHUNKS):
      base = wid * B_PER_W + j * CHUNK
      icps.append((
          pltpu.async_copy(h_h.at[pl.ds(base, CHUNK)], idxh_v.at[j], isems[j]),
          pltpu.async_copy(t_h.at[pl.ds(base, CHUNK)], idxt_v.at[j], isems[j]),
          pltpu.async_copy(r_h.at[pl.ds(base, CHUNK)], idxr_v.at[j], isems[j]),
      ))

    def fire(j):
      eh, et, rr, ri, _, sem = bufs[j % 2]
      for cp in icps[j]:
        cp.wait()
      return (pltpu.async_copy(enc_h.at[idxh_v.at[j]], eh, sem),
              pltpu.async_copy(enc_h.at[idxt_v.at[j]], et, sem),
              pltpu.async_copy(rre_h.at[idxr_v.at[j]], rr, sem),
              pltpu.async_copy(rim_h.at[idxr_v.at[j]], ri, sem))

    cps = fire(0)
    ocps = [None, None]
    for j in range(N_CHUNKS):
      eh_v, et_v, rr_v, ri_v, out_v, _ = bufs[j % 2]
      nxt = fire(j + 1) if j + 1 < N_CHUNKS else None
      for cp in cps:
        cp.wait()
      if ocps[j % 2] is not None:
        ocps[j % 2].wait()

      @plsc.parallel_loop(0, CHUNK // L)
      def group(g):
        gbase = g * L

        @plsc.parallel_loop(0, L, unroll=8, carry=jnp.zeros((L,), jnp.float32))
        def out_vec(tt, ovec):
          i = gbase + tt
          acc = jnp.zeros((L,), jnp.float32)
          for c2 in range(DIM // (2 * L)):
            rr_ab = plsc.unpack(rr_v[i, pl.ds(c2 * 2 * L, 2 * L)],
                                format=plsc.PackFormat.INTERLEAVED)
            ri_ab = plsc.unpack(ri_v[i, pl.ds(c2 * 2 * L, 2 * L)],
                                format=plsc.PackFormat.INTERLEAVED)
            for k in range(2):
              lo = c2 * 2 * L + k * L
              rre = rr_ab[k]
              rim = ri_ab[k]
              ehr = eh_v[i, pl.ds(lo, L)]
              ehi = eh_v[i, pl.ds(DIM + lo, L)]
              etr = et_v[i, pl.ds(lo, L)]
              eti = et_v[i, pl.ds(DIM + lo, L)]
              acc = acc + ehr * (rre * etr + rim * eti) + ehi * (rre * eti - rim * etr)
          s = jnp.sum(acc)
          return ovec + jnp.where(lanes == tt, s, jnp.float32(0))

        out_v[pl.ds(gbase, L)] = out_vec

      ocps[j % 2] = pltpu.async_copy(
          out_v, out_h.at[pl.ds(wid * B_PER_W + j * CHUNK, CHUNK)], osems[j % 2])
      cps = nxt

    for ocp in ocps:
      if ocp is not None:
        ocp.wait()

  return scores


_scores = _make_kernel()


_PERM = []
for _b in range(DIM // 32):
  for _l in range(16):
    _PERM.extend([_b * 32 + _l, _b * 32 + 16 + _l])
_PERM_ARR = tuple(_PERM)


@jax.jit
def kernel(enc, h, r, t, rel_re, rel_im):
  h = h.astype(jnp.int32)
  r = r.astype(jnp.int32)
  t = t.astype(jnp.int32)
  perm = jnp.array(_PERM_ARR, dtype=jnp.int32)
  rel_re_p = rel_re[:, perm].astype(jnp.bfloat16)
  rel_im_p = rel_im[:, perm].astype(jnp.bfloat16)
  return _scores(enc, h, r, t, rel_re_p, rel_im_p)

# --- scband reference (transcript-rebuilt; emitter-appended) ---
"""Pipeline reference for scband-compl-ex-decoder-85323820303222 (READ-ONLY COPY).

The authoritative reference and input builder live on the scoring server;
editing this copy changes nothing except your own understanding.
"""

import jax, jax.numpy as jnp
import numpy as np

NUM_ENTITIES = 1000000
NUM_RELATIONS = 1000
DIM = 64
BATCH = 16384

def setup_inputs(seed: int = 0) -> dict:
    key = jax.random.key(seed)
    k_enc, k_h, k_r, k_t, k_rre, k_rim = jax.random.split(key, 6)
    enc = jax.random.normal(k_enc, (NUM_ENTITIES, 2 * DIM), dtype=jnp.float32)
    h = jax.random.randint(k_h, (BATCH,), 0, NUM_ENTITIES, dtype=jnp.int64) if jax.config.read('jax_enable_x64') else jax.random.randint(k_h, (BATCH,), 0, NUM_ENTITIES).astype(jnp.int32)
    r = jax.random.randint(k_r, (BATCH,), 0, NUM_RELATIONS).astype(jnp.int32)
    t = jax.random.randint(k_t, (BATCH,), 0, NUM_ENTITIES).astype(jnp.int32)
    rel_re = jax.random.normal(k_rre, (NUM_RELATIONS, DIM), dtype=jnp.float32)
    rel_im = jax.random.normal(k_rim, (NUM_RELATIONS, DIM), dtype=jnp.float32)
    return {"enc": enc, "h": h, "r": r, "t": t, "rel_re": rel_re, "rel_im": rel_im}

def reference(enc, h, r, t, rel_re, rel_im):
    d2 = enc.shape[1] // 2
    e_re = enc[:, :d2]
    e_im = enc[:, d2:]
    eh_re = jnp.take(e_re, h, axis=0)
    eh_im = jnp.take(e_im, h, axis=0)
    et_re = jnp.take(e_re, t, axis=0)
    et_im = jnp.take(e_im, t, axis=0)
    rr_re = jnp.take(rel_re, r, axis=0)
    rr_im = jnp.take(rel_im, r, axis=0)
    term1 = (eh_re * rr_re - eh_im * rr_im) * et_re
    term2 = (eh_re * rr_im + eh_im * rr_re) * et_im
    return (term1 + term2).sum(axis=-1)

if __name__ == "__main__":
    import jax
    _d = setup_inputs()
    print(jax.jit(kernel)(*tuple(_d.values())))

</pallas_src>

<mosaic_0001>
#map = affine_map<(d0, d1) -> (0, 0)>
#map1 = affine_map<(d0, d1) -> (0)>
module attributes {stable_mosaic.version = 14 : i64} {
  func.func @scores(%arg0: i32, %arg1: i32, %arg2: memref<1000000x128xf32, #tpu.memory_space<hbm>>, %arg3: memref<16384xi32, #tpu.memory_space<hbm>>, %arg4: memref<16384xi32, #tpu.memory_space<hbm>>, %arg5: memref<16384xi32, #tpu.memory_space<hbm>>, %arg6: memref<1000x64xbf16, #tpu.memory_space<hbm>>, %arg7: memref<1000x64xbf16, #tpu.memory_space<hbm>>, %arg8: memref<16384xf32, #tpu.memory_space<hbm>>, %arg9: memref<4x128xi32, #tpu.memory_space<vmem>>, %arg10: memref<4x128xi32, #tpu.memory_space<vmem>>, %arg11: memref<4x128xi32, #tpu.memory_space<vmem>>, %arg12: memref<!tpu.dma_semaphore, #tpu.memory_space<semaphore_mem>>, %arg13: memref<!tpu.dma_semaphore, #tpu.memory_space<semaphore_mem>>, %arg14: memref<!tpu.dma_semaphore, #tpu.memory_space<semaphore_mem>>, %arg15: memref<!tpu.dma_semaphore, #tpu.memory_space<semaphore_mem>>, %arg16: memref<!tpu.dma_semaphore, #tpu.memory_space<semaphore_mem>>, %arg17: memref<!tpu.dma_semaphore, #tpu.memory_space<semaphore_mem>>, %arg18: memref<128x128xf32, #tpu.memory_space<vmem>>, %arg19: memref<128x128xf32, #tpu.memory_space<vmem>>, %arg20: memref<128x64xbf16, #tpu.memory_space<vmem>>, %arg21: memref<128x64xbf16, #tpu.memory_space<vmem>>, %arg22: memref<128xf32, #tpu.memory_space<vmem>>, %arg23: memref<!tpu.dma_semaphore, #tpu.memory_space<semaphore_mem>>, %arg24: memref<128x128xf32, #tpu.memory_space<vmem>>, %arg25: memref<128x128xf32, #tpu.memory_space<vmem>>, %arg26: memref<128x64xbf16, #tpu.memory_space<vmem>>, %arg27: memref<128x64xbf16, #tpu.memory_space<vmem>>, %arg28: memref<128xf32, #tpu.memory_space<vmem>>, %arg29: memref<!tpu.dma_semaphore, #tpu.memory_space<semaphore_mem>>) attributes {dimension_semantics = [#tpu.dimension_semantics<core_parallel>, #tpu.dimension_semantics<subcore_parallel>], iteration_bounds = array<i64: 2, 16>, scalar_prefetch = 0 : i64, scratch_operands = 21 : i64, tpu.core_type = #tpu.core_type<sc_vector_subcore>, window_params = [{transform_indices = #map}, {transform_indices = #map1}, {transform_indices = #map1}, {transform_indices = #map1}, {transform_indices = #map}, {transform_indices = #map}, {transform_indices = #map1}]} {
    %mul3A = arith.constant 2 : i32
    %mul3A_0 = arith.muli %arg1, %mul3A : i32
    %add3A = arith.addi %mul3A_0, %arg0 : i32
    %iota3A = tpu.iota {dimensions = array<i32: 0>} : vector<16xi32>
    %mul3A_1 = arith.constant 512 : i32
    %mul3A_2 = arith.muli %add3A, %mul3A_1 : i32
    %add3A_3 = arith.constant 0 : i32
    %add3A_4 = arith.addi %mul3A_2, %add3A_3 : i32
    %dma_start3A = arith.constant 0 : i32
    %dma_start3A_5 = arith.constant 0 : i32
    %dma_start3A_6 = tpu.memref_slice %arg9[%dma_start3A, %dma_start3A_5] : memref<4x128xi32, #tpu.memory_space<vmem>> -> memref<1x128xi32, #tpu.memory_space<vmem>>
    %dma_start3A_7 = tpu.memref_squeeze %dma_start3A_6 : memref<1x128xi32, #tpu.memory_space<vmem>> -> memref<128xi32, #tpu.memory_space<vmem>>
    %dma_start3A_8 = tpu.memref_slice %arg3[%add3A_4] : memref<16384xi32, #tpu.memory_space<hbm>> -> memref<128xi32, #tpu.memory_space<hbm>>
    %dma_start3A_9 = arith.constant 0 : i32
    %dma_start3A_10 = tpu.memref_slice %arg9[%dma_start3A, %dma_start3A_9] : memref<4x128xi32, #tpu.memory_space<vmem>> -> memref<1x128xi32, #tpu.memory_space<vmem>>
    %dma_start3A_11 = tpu.memref_squeeze %dma_start3A_10 : memref<1x128xi32, #tpu.memory_space<vmem>> -> memref<128xi32, #tpu.memory_space<vmem>>
    %dma_start3A_12 = tpu.memref_slice %arg3[%add3A_4] : memref<16384xi32, #tpu.memory_space<hbm>> -> memref<128xi32, #tpu.memory_space<hbm>>
    tpu.enqueue_dma source(%dma_start3A_12 : memref<128xi32, #tpu.memory_space<hbm>>) target(%dma_start3A_11 : memref<128xi32, #tpu.memory_space<vmem>>) target_semaphore(%arg12 : memref<!tpu.dma_semaphore, #tpu.memory_space<semaphore_mem>>)
    %dma_start3A_13 = arith.constant 0 : i32
    %dma_start3A_14 = arith.constant 0 : i32
    %dma_start3A_15 = tpu.memref_slice %arg10[%dma_start3A_13, %dma_start3A_14] : memref<4x128xi32, #tpu.memory_space<vmem>> -> memref<1x128xi32, #tpu.memory_space<vmem>>
    %dma_start3A_16 = tpu.memref_squeeze %dma_start3A_15 : memref<1x128xi32, #tpu.memory_space<vmem>> -> memref<128xi32, #tpu.memory_space<vmem>>
    %dma_start3A_17 = tpu.memref_slice %arg5[%add3A_4] : memref<16384xi32, #tpu.memory_space<hbm>> -> memref<128xi32, #tpu.memory_space<hbm>>
    %dma_start3A_18 = arith.constant 0 : i32
    %dma_start3A_19 = tpu.memref_slice %arg10[%dma_start3A_13, %dma_start3A_18] : memref<4x128xi32, #tpu.memory_space<vmem>> -> memref<1x128xi32, #tpu.memory_space<vmem>>
    %dma_start3A_20 = tpu.memref_squeeze %dma_start3A_19 : memref<1x128xi32, #tpu.memory_space<vmem>> -> memref<128xi32, #tpu.memory_space<vmem>>
    %dma_start3A_21 = tpu.memref_slice %arg5[%add3A_4] : memref<16384xi32, #tpu.memory_space<hbm>> -> memref<128xi32, #tpu.memory_space<hbm>>
    tpu.enqueue_dma source(%dma_start3A_21 : memref<128xi32, #tpu.memory_space<hbm>>) target(%dma_start3A_20 : memref<128xi32, #tpu.memory_space<vmem>>) target_semaphore(%arg12 : memref<!tpu.dma_semaphore, #tpu.memory_space<semaphore_mem>>)
    %dma_start3A_22 = arith.constant 0 : i32
    %dma_start3A_23 = arith.constant 0 : i32
    %dma_start3A_24 = tpu.memref_slice %arg11[%dma_start3A_22, %dma_start3A_23] : memref<4x128xi32, #tpu.memory_space<vmem>> -> memref<1x128xi32, #tpu.memory_space<vmem>>
    %dma_start3A_25 = tpu.memref_squeeze %dma_start3A_24 : memref<1x128xi32, #tpu.memory_space<vmem>> -> memref<128xi32, #tpu.memory_space<vmem>>
    %dma_start3A_26 = tpu.memref_slice %arg4[%add3A_4] : memref<16384xi32, #tpu.memory_space<hbm>> -> memref<128xi32, #tpu.memory_space<hbm>>
    %dma_start3A_27 = arith.constant 0 : i32
    %dma_start3A_28 = tpu.memref_slice %arg11[%dma_start3A_22, %dma_start3A_27] : memref<4x128xi32, #tpu.memory_space<vmem>> -> memref<1x128xi32, #tpu.memory_space<vmem>>
    %dma_start3A_29 = tpu.memref_squeeze %dma_start3A_28 : memref<1x128xi32, #tpu.memory_space<vmem>> -> memref<128xi32, #tpu.memory_space<vmem>>
    %dma_start3A_30 = tpu.memref_slice %arg4[%add3A_4] : memref<16384xi32, #tpu.memory_space<hbm>> -> memref<128xi32, #tpu.memory_space<hbm>>
    tpu.enqueue_dma source(%dma_start3A_30 : memref<128xi32, #tpu.memory_space<hbm>>) target(%dma_start3A_29 : memref<128xi32, #tpu.memory_space<vmem>>) target_semaphore(%arg12 : memref<!tpu.dma_semaphore, #tpu.memory_space<semaphore_mem>>)
    %mul3A_31 = arith.constant 512 : i32
    %mul3A_32 = arith.muli %add3A, %mul3A_31 : i32
    %add3A_33 = arith.constant 128 : i32
    %add3A_34 = arith.addi %mul3A_32, %add3A_33 : i32
    %dma_start3A_35 = arith.constant 1 : i32
    %dma_start3A_36 = arith.constant 0 : i32
    %dma_start3A_37 = tpu.memref_slice %arg9[%dma_start3A_35, %dma_start3A_36] : memref<4x128xi32, #tpu.memory_space<vmem>> -> memref<1x128xi32, #tpu.memory_space<vmem>>
    %dma_start3A_38 = tpu.memref_squeeze %dma_start3A_37 : memref<1x128xi32, #tpu.memory_space<vmem>> -> memref<128xi32, #tpu.memory_space<vmem>>
    %dma_start3A_39 = tpu.memref_slice %arg3[%add3A_34] : memref<16384xi32, #tpu.memory_space<hbm>> -> memref<128xi32, #tpu.memory_space<hbm>>
    %dma_start3A_40 = arith.constant 0 : i32
    %dma_start3A_41 = tpu.memref_slice %arg9[%dma_start3A_35, %dma_start3A_40] : memref<4x128xi32, #tpu.memory_space<vmem>> -> memref<1x128xi32, #tpu.memory_space<vmem>>
    %dma_start3A_42 = tpu.memref_squeeze %dma_start3A_41 : memref<1x128xi32, #tpu.memory_space<vmem>> -> memref<128xi32, #tpu.memory_space<vmem>>
    %dma_start3A_43 = tpu.memref_slice %arg3[%add3A_34] : memref<16384xi32, #tpu.memory_space<hbm>> -> memref<128xi32, #tpu.memory_space<hbm>>
    tpu.enqueue_dma source(%dma_start3A_43 : memref<128xi32, #tpu.memory_space<hbm>>) target(%dma_start3A_42 : memref<128xi32, #tpu.memory_space<vmem>>) target_semaphore(%arg13 : memref<!tpu.dma_semaphore, #tpu.memory_space<semaphore_mem>>)
    %dma_start3A_44 = arith.constant 1 : i32
    %dma_start3A_45 = arith.constant 0 : i32
    %dma_start3A_46 = tpu.memref_slice %arg10[%dma_start3A_44, %dma_start3A_45] : memref<4x128xi32, #tpu.memory_space<vmem>> -> memref<1x128xi32, #tpu.memory_space<vmem>>
    %dma_start3A_47 = tpu.memref_squeeze %dma_start3A_46 : memref<1x128xi32, #tpu.memory_space<vmem>> -> memref<128xi32, #tpu.memory_space<vmem>>
    %dma_start3A_48 = tpu.memref_slice %arg5[%add3A_34] : memref<16384xi32, #tpu.memory_space<hbm>> -> memref<128xi32, #tpu.memory_space<hbm>>
    %dma_start3A_49 = arith.constant 0 : i32
    %dma_start3A_50 = tpu.memref_slice %arg10[%dma_start3A_44, %dma_start3A_49] : memref<4x128xi32, #tpu.memory_space<vmem>> -> memref<1x128xi32, #tpu.memory_space<vmem>>
    %dma_start3A_51 = tpu.memref_squeeze %dma_start3A_50 : memref<1x128xi32, #tpu.memory_space<vmem>> -> memref<128xi32, #tpu.memory_space<vmem>>
    %dma_start3A_52 = tpu.memref_slice %arg5[%add3A_34] : memref<16384xi32, #tpu.memory_space<hbm>> -> memref<128xi32, #tpu.memory_space<hbm>>
    tpu.enqueue_dma source(%dma_start3A_52 : memref<128xi32, #tpu.memory_space<hbm>>) target(%dma_start3A_51 : memref<128xi32, #tpu.memory_space<vmem>>) target_semaphore(%arg13 : memref<!tpu.dma_semaphore, #tpu.memory_space<semaphore_mem>>)
    %dma_start3A_53 = arith.constant 1 : i32
    %dma_start3A_54 = arith.constant 0 : i32
    %dma_start3A_55 = tpu.memref_slice %arg11[%dma_start3A_53, %dma_start3A_54] : memref<4x128xi32, #tpu.memory_space<vmem>> -> memref<1x128xi32, #tpu.memory_space<vmem>>
    %dma_start3A_56 = tpu.memref_squeeze %dma_start3A_55 : memref<1x128xi32, #tpu.memory_space<vmem>> -> memref<128xi32, #tpu.memory_space<vmem>>
    %dma_start3A_57 = tpu.memref_slice %arg4[%add3A_34] : memref<16384xi32, #tpu.memory_space<hbm>> -> memref<128xi32, #tpu.memory_space<hbm>>
    %dma_start3A_58 = arith.constant 0 : i32
    %dma_start3A_59 = tpu.memref_slice %arg11[%dma_start3A_53, %dma_start3A_58] : memref<4x128xi32, #tpu.memory_space<vmem>> -> memref<1x128xi32, #tpu.memory_space<vmem>>
    %dma_start3A_60 = tpu.memref_squeeze %dma_start3A_59 : memref<1x128xi32, #tpu.memory_space<vmem>> -> memref<128xi32, #tpu.memory_space<vmem>>
    %dma_start3A_61 = tpu.memref_slice %arg4[%add3A_34] : memref<16384xi32, #tpu.memory_space<hbm>> -> memref<128xi32, #tpu.memory_space<hbm>>
    tpu.enqueue_dma source(%dma_start3A_61 : memref<128xi32, #tpu.memory_space<hbm>>) target(%dma_start3A_60 : memref<128xi32, #tpu.memory_space<vmem>>) target_semaphore(%arg13 : memref<!tpu.dma_semaphore, #tpu.memory_space<semaphore_mem>>)
    %mul3A_62 = arith.constant 512 : i32
    %mul3A_63 = arith.muli %add3A, %mul3A_62 : i32
    %add3A_64 = arith.constant 256 : i32
    %add3A_65 = arith.addi %mul3A_63, %add3A_64 : i32
    %dma_start3A_66 = arith.constant 2 : i32
    %dma_start3A_67 = arith.constant 0 : i32
    %dma_start3A_68 = tpu.memref_slice %arg9[%dma_start3A_66, %dma_start3A_67] : memref<4x128xi32, #tpu.memory_space<vmem>> -> memref<1x128xi32, #tpu.memory_space<vmem>>
    %dma_start3A_69 = tpu.memref_squeeze %dma_start3A_68 : memref<1x128xi32, #tpu.memory_space<vmem>> -> memref<128xi32, #tpu.memory_space<vmem>>
    %dma_start3A_70 = tpu.memref_slice %arg3[%add3A_65] : memref<16384xi32, #tpu.memory_space<hbm>> -> memref<128xi32, #tpu.memory_space<hbm>>
    %dma_start3A_71 = arith.constant 0 : i32
    %dma_start3A_72 = tpu.memref_slice %arg9[%dma_start3A_66, %dma_start3A_71] : memref<4x128xi32, #tpu.memory_space<vmem>> -> memref<1x128xi32, #tpu.memory_space<vmem>>
    %dma_start3A_73 = tpu.memref_squeeze %dma_start3A_72 : memref<1x128xi32, #tpu.memory_space<vmem>> -> memref<128xi32, #tpu.memory_space<vmem>>
    %dma_start3A_74 = tpu.memref_slice %arg3[%add3A_65] : memref<16384xi32, #tpu.memory_space<hbm>> -> memref<128xi32, #tpu.memory_space<hbm>>
    tpu.enqueue_dma source(%dma_start3A_74 : memref<128xi32, #tpu.memory_space<hbm>>) target(%dma_start3A_73 : memref<128xi32, #tpu.memory_space<vmem>>) target_semaphore(%arg14 : memref<!tpu.dma_semaphore, #tpu.memory_space<semaphore_mem>>)
    %dma_start3A_75 = arith.constant 2 : i32
    %dma_start3A_76 = arith.constant 0 : i32
    %dma_start3A_77 = tpu.memref_slice %arg10[%dma_start3A_75, %dma_start3A_76] : memref<4x128xi32, #tpu.memory_space<vmem>> -> memref<1x128xi32, #tpu.memory_space<vmem>>
    %dma_start3A_78 = tpu.memref_squeeze %dma_start3A_77 : memref<1x128xi32, #tpu.memory_space<vmem>> -> memref<128xi32, #tpu.memory_space<vmem>>
    %dma_start3A_79 = tpu.memref_slice %arg5[%add3A_65] : memref<16384xi32, #tpu.memory_space<hbm>> -> memref<128xi32, #tpu.memory_space<hbm>>
    %dma_start3A_80 = arith.constant 0 : i32
    %dma_start3A_81 = tpu.memref_slice %arg10[%dma_start3A_75, %dma_start3A_80] : memref<4x128xi32, #tpu.memory_space<vmem>> -> memref<1x128xi32, #tpu.memory_space<vmem>>
    %dma_start3A_82 = tpu.memref_squeeze %dma_start3A_81 : memref<1x128xi32, #tpu.memory_space<vmem>> -> memref<128xi32, #tpu.memory_space<vmem>>
    %dma_start3A_83 = tpu.memref_slice %arg5[%add3A_65] : memref<16384xi32, #tpu.memory_space<hbm>> -> memref<128xi32, #tpu.memory_space<hbm>>
    tpu.enqueue_dma source(%dma_start3A_83 : memref<128xi32, #tpu.memory_space<hbm>>) target(%dma_start3A_82 : memref<128xi32, #tpu.memory_space<vmem>>) target_semaphore(%arg14 : memref<!tpu.dma_semaphore, #tpu.memory_space<semaphore_mem>>)
    %dma_start3A_84 = arith.constant 2 : i32
    %dma_start3A_85 = arith.constant 0 : i32
    %dma_start3A_86 = tpu.memref_slice %arg11[%dma_start3A_84, %dma_start3A_85] : memref<4x128xi32, #tpu.memory_space<vmem>> -> memref<1x128xi32, #tpu.memory_space<vmem>>
    %dma_start3A_87 = tpu.memref_squeeze %dma_start3A_86 : memref<1x128xi32, #tpu.memory_space<vmem>> -> memref<128xi32, #tpu.memory_space<vmem>>
    %dma_start3A_88 = tpu.memref_slice %arg4[%add3A_65] : memref<16384xi32, #tpu.memory_space<hbm>> -> memref<128xi32, #tpu.memory_space<hbm>>
    %dma_start3A_89 = arith.constant 0 : i32
    %dma_start3A_90 = tpu.memref_slice %arg11[%dma_start3A_84, %dma_start3A_89] : memref<4x128xi32, #tpu.memory_space<vmem>> -> memref<1x128xi32, #tpu.memory_space<vmem>>
    %dma_start3A_91 = tpu.memref_squeeze %dma_start3A_90 : memref<1x128xi32, #tpu.memory_space<vmem>> -> memref<128xi32, #tpu.memory_space<vmem>>
    %dma_start3A_92 = tpu.memref_slice %arg4[%add3A_65] : memref<16384xi32, #tpu.memory_space<hbm>> -> memref<128xi32, #tpu.memory_space<hbm>>
    tpu.enqueue_dma source(%dma_start3A_92 : memref<128xi32, #tpu.memory_space<hbm>>) target(%dma_start3A_91 : memref<128xi32, #tpu.memory_space<vmem>>) target_semaphore(%arg14 : memref<!tpu.dma_semaphore, #tpu.memory_space<semaphore_mem>>)
    %mul3A_93 = arith.constant 512 : i32
    %mul3A_94 = arith.muli %add3A, %mul3A_93 : i32
    %add3A_95 = arith.constant 384 : i32
    %add3A_96 = arith.addi %mul3A_94, %add3A_95 : i32
    %dma_start3A_97 = arith.constant 3 : i32
    %dma_start3A_98 = arith.constant 0 : i32
    %dma_start3A_99 = tpu.memref_slice %arg9[%dma_start3A_97, %dma_start3A_98] : memref<4x128xi32, #tpu.memory_space<vmem>> -> memref<1x128xi32, #tpu.memory_space<vmem>>
    %dma_start3A_100 = tpu.memref_squeeze %dma_start3A_99 : memref<1x128xi32, #tpu.memory_space<vmem>> -> memref<128xi32, #tpu.memory_space<vmem>>
    %dma_start3A_101 = tpu.memref_slice %arg3[%add3A_96] : memref<16384xi32, #tpu.memory_space<hbm>> -> memref<128xi32, #tpu.memory_space<hbm>>
    %dma_start3A_102 = arith.constant 0 : i32
    %dma_start3A_103 = tpu.memref_slice %arg9[%dma_start3A_97, %dma_start3A_102] : memref<4x128xi32, #tpu.memory_space<vmem>> -> memref<1x128xi32, #tpu.memory_space<vmem>>
    %dma_start3A_104 = tpu.memref_squeeze %dma_start3A_103 : memref<1x128xi32, #tpu.memory_space<vmem>> -> memref<128xi32, #tpu.memory_space<vmem>>
    %dma_start3A_105 = tpu.memref_slice %arg3[%add3A_96] : memref<16384xi32, #tpu.memory_space<hbm>> -> memref<128xi32, #tpu.memory_space<hbm>>
    tpu.enqueue_dma source(%dma_start3A_105 : memref<128xi32, #tpu.memory_space<hbm>>) target(%dma_start3A_104 : memref<128xi32, #tpu.memory_space<vmem>>) target_semaphore(%arg15 : memref<!tpu.dma_semaphore, #tpu.memory_space<semaphore_mem>>)
    %dma_start3A_106 = arith.constant 3 : i32
    %dma_start3A_107 = arith.constant 0 : i32
    %dma_start3A_108 = tpu.memref_slice %arg10[%dma_start3A_106, %dma_start3A_107] : memref<4x128xi32, #tpu.memory_space<vmem>> -> memref<1x128xi32, #tpu.memory_space<vmem>>
    %dma_start3A_109 = tpu.memref_squeeze %dma_start3A_108 : memref<1x128xi32, #tpu.memory_space<vmem>> -> memref<128xi32, #tpu.memory_space<vmem>>
    %dma_start3A_110 = tpu.memref_slice %arg5[%add3A_96] : memref<16384xi32, #tpu.memory_space<hbm>> -> memref<128xi32, #tpu.memory_space<hbm>>
    %dma_start3A_111 = arith.constant 0 : i32
    %dma_start3A_112 = tpu.memref_slice %arg10[%dma_start3A_106, %dma_start3A_111] : memref<4x128xi32, #tpu.memory_space<vmem>> -> memref<1x128xi32, #tpu.memory_space<vmem>>
    %dma_start3A_113 = tpu.memref_squeeze %dma_start3A_112 : memref<1x128xi32, #tpu.memory_space<vmem>> -> memref<128xi32, #tpu.memory_space<vmem>>
    %dma_start3A_114 = tpu.memref_slice %arg5[%add3A_96] : memref<16384xi32, #tpu.memory_space<hbm>> -> memref<128xi32, #tpu.memory_space<hbm>>
    tpu.enqueue_dma source(%dma_start3A_114 : memref<128xi32, #tpu.memory_space<hbm>>) target(%dma_start3A_113 : memref<128xi32, #tpu.memory_space<vmem>>) target_semaphore(%arg15 : memref<!tpu.dma_semaphore, #tpu.memory_space<semaphore_mem>>)
    %dma_start3A_115 = arith.constant 3 : i32
    %dma_start3A_116 = arith.constant 0 : i32
    %dma_start3A_117 = tpu.memref_slice %arg11[%dma_start3A_115, %dma_start3A_116] : memref<4x128xi32, #tpu.memory_space<vmem>> -> memref<1x128xi32, #tpu.memory_space<vmem>>
    %dma_start3A_118 = tpu.memref_squeeze %dma_start3A_117 : memref<1x128xi32, #tpu.memory_space<vmem>> -> memref<128xi32, #tpu.memory_space<vmem>>
    %dma_start3A_119 = tpu.memref_slice %arg4[%add3A_96] : memref<16384xi32, #tpu.memory_space<hbm>> -> memref<128xi32, #tpu.memory_space<hbm>>
    %dma_start3A_120 = arith.constant 0 : i32
    %dma_start3A_121 = tpu.memref_slice %arg11[%dma_start3A_115, %dma_start3A_120] : memref<4x128xi32, #tpu.memory_space<vmem>> -> memref<1x128xi32, #tpu.memory_space<vmem>>
    %dma_start3A_122 = tpu.memref_squeeze %dma_start3A_121 : memref<1x128xi32, #tpu.memory_space<vmem>> -> memref<128xi32, #tpu.memory_space<vmem>>
    %dma_start3A_123 = tpu.memref_slice %arg4[%add3A_96] : memref<16384xi32, #tpu.memory_space<hbm>> -> memref<128xi32, #tpu.memory_space<hbm>>
    tpu.enqueue_dma source(%dma_start3A_123 : memref<128xi32, #tpu.memory_space<hbm>>) target(%dma_start3A_122 : memref<128xi32, #tpu.memory_space<vmem>>) target_semaphore(%arg15 : memref<!tpu.dma_semaphore, #tpu.memory_space<semaphore_mem>>)
    %dma_wait3A = arith.constant 0 : i32
    %dma_wait3A_124 = arith.constant 0 : i32
    %dma_wait3A_125 = tpu.memref_slice %arg9[%dma_wait3A, %dma_wait3A_124] : memref<4x128xi32, #tpu.memory_space<vmem>> -> memref<1x128xi32, #tpu.memory_space<vmem>>
    %dma_wait3A_126 = tpu.memref_squeeze %dma_wait3A_125 : memref<1x128xi32, #tpu.memory_space<vmem>> -> memref<128xi32, #tpu.memory_space<vmem>>
    %dma_wait3A_127 = tpu.memref_slice %arg3[%add3A_4] : memref<16384xi32, #tpu.memory_space<hbm>> -> memref<128xi32, #tpu.memory_space<hbm>>
    %dma_wait3A_128 = arith.constant 0 : i32
    %dma_wait3A_129 = tpu.memref_slice %arg9[%dma_wait3A, %dma_wait3A_128] : memref<4x128xi32, #tpu.memory_space<vmem>> -> memref<1x128xi32, #tpu.memory_space<vmem>>
    %dma_wait3A_130 = tpu.memref_squeeze %dma_wait3A_129 : memref<1x128xi32, #tpu.memory_space<vmem>> -> memref<128xi32, #tpu.memory_space<vmem>>
    %dma_wait3A_131 = tpu.memref_slice %arg3[%add3A_4] : memref<16384xi32, #tpu.memory_space<hbm>> -> memref<128xi32, #tpu.memory_space<hbm>>
    tpu.wait_dma2 semaphore(%arg12 : memref<!tpu.dma_semaphore, #tpu.memory_space<semaphore_mem>>) src(%dma_wait3A_131 : memref<128xi32, #tpu.memory_space<hbm>>) dst(%dma_wait3A_130 : memref<128xi32, #tpu.memory_space<vmem>>)
    %dma_wait3A_132 = arith.constant 0 : i32
    %dma_wait3A_133 = arith.constant 0 : i32
    %dma_wait3A_134 = tpu.memref_slice %arg10[%dma_wait3A_132, %dma_wait3A_133] : memref<4x128xi32, #tpu.memory_space<vmem>> -> memref<1x128xi32, #tpu.memory_space<vmem>>
    %dma_wait3A_135 = tpu.memref_squeeze %dma_wait3A_134 : memref<1x128xi32, #tpu.memory_space<vmem>> -> memref<128xi32, #tpu.memory_space<vmem>>
    %dma_wait3A_136 = tpu.memref_slice %arg5[%add3A_4] : memref<16384xi32, #tpu.memory_space<hbm>> -> memref<128xi32, #tpu.memory_space<hbm>>
    %dma_wait3A_137 = arith.constant 0 : i32
    %dma_wait3A_138 = tpu.memref_slice %arg10[%dma_wait3A_132, %dma_wait3A_137] : memref<4x128xi32, #tpu.memory_space<vmem>> -> memref<1x128xi32, #tpu.memory_space<vmem>>
    %dma_wait3A_139 = tpu.memref_squeeze %dma_wait3A_138 : memref<1x128xi32, #tpu.memory_space<vmem>> -> memref<128xi32, #tpu.memory_space<vmem>>
    %dma_wait3A_140 = tpu.memref_slice %arg5[%add3A_4] : memref<16384xi32, #tpu.memory_space<hbm>> -> memref<128xi32, #tpu.memory_space<hbm>>
    tpu.wait_dma2 semaphore(%arg12 : memref<!tpu.dma_semaphore, #tpu.memory_space<semaphore_mem>>) src(%dma_wait3A_140 : memref<128xi32, #tpu.memory_space<hbm>>) dst(%dma_wait3A_139 : memref<128xi32, #tpu.memory_space<vmem>>)
    %dma_wait3A_141 = arith.constant 0 : i32
    %dma_wait3A_142 = arith.constant 0 : i32
    %dma_wait3A_143 = tpu.memref_slice %arg11[%dma_wait3A_141, %dma_wait3A_142] : memref<4x128xi32, #tpu.memory_space<vmem>> -> memref<1x128xi32, #tpu.memory_space<vmem>>
    %dma_wait3A_144 = tpu.memref_squeeze %dma_wait3A_143 : memref<1x128xi32, #tpu.memory_space<vmem>> -> memref<128xi32, #tpu.memory_space<vmem>>
    %dma_wait3A_145 = tpu.memref_slice %arg4[%add3A_4] : memref<16384xi32, #tpu.memory_space<hbm>> -> memref<128xi32, #tpu.memory_space<hbm>>
    %dma_wait3A_146 = arith.constant 0 : i32
    %dma_wait3A_147 = tpu.memref_slice %arg11[%dma_wait3A_141, %dma_wait3A_146] : memref<4x128xi32, #tpu.memory_space<vmem>> -> memref<1x128xi32, #tpu.memory_space<vmem>>
    %dma_wait3A_148 = tpu.memref_squeeze %dma_wait3A_147 : memref<1x128xi32, #tpu.memory_space<vmem>> -> memref<128xi32, #tpu.memory_space<vmem>>
    %dma_wait3A_149 = tpu.memref_slice %arg4[%add3A_4] : memref<16384xi32, #tpu.memory_space<hbm>> -> memref<128xi32, #tpu.memory_space<hbm>>
    tpu.wait_dma2 semaphore(%arg12 : memref<!tpu.dma_semaphore, #tpu.memory_space<semaphore_mem>>) src(%dma_wait3A_149 : memref<128xi32, #tpu.memory_space<hbm>>) dst(%dma_wait3A_148 : memref<128xi32, #tpu.memory_space<vmem>>)
    %dma_start3A_150 = arith.constant 0 : i32
    %dma_start3A_151 = arith.constant 0 : i32
    %dma_start3A_152 = tpu.memref_slice %arg9[%dma_start3A_150, %dma_start3A_151] : memref<4x128xi32, #tpu.memory_space<vmem>> -> memref<1x128xi32, #tpu.memory_space<vmem>>
    %dma_start3A_153 = tpu.memref_squeeze %dma_start3A_152 : memref<1x128xi32, #tpu.memory_space<vmem>> -> memref<128xi32, #tpu.memory_space<vmem>>
    %dma_start3A_154 = arith.constant 0 : i32
    %dma_start3A_155 = arith.constant 0 : i32
    %dma_start3A_156 = tpu.memref_slice %arg2[%dma_start3A_154, %dma_start3A_155] : memref<1000000x128xf32, #tpu.memory_space<hbm>> -> memref<1000000x128xf32, #tpu.memory_space<hbm>>
    tpu.enqueue_indirect_dma source(%dma_start3A_156 : memref<1000000x128xf32, #tpu.memory_space<hbm>>) target(%arg18 : memref<128x128xf32, #tpu.memory_space<vmem>>) offsets(%dma_start3A_153 : memref<128xi32, #tpu.memory_space<vmem>>) semaphore(%arg23 : memref<!tpu.dma_semaphore, #tpu.memory_space<semaphore_mem>>)
    %dma_start3A_157 = arith.constant 0 : i32
    %dma_start3A_158 = arith.constant 0 : i32
    %dma_start3A_159 = tpu.memref_slice %arg10[%dma_start3A_157, %dma_start3A_158] : memref<4x128xi32, #tpu.memory_space<vmem>> -> memref<1x128xi32, #tpu.memory_space<vmem>>
    %dma_start3A_160 = tpu.memref_squeeze %dma_start3A_159 : memref<1x128xi32, #tpu.memory_space<vmem>> -> memref<128xi32, #tpu.memory_space<vmem>>
    %dma_start3A_161 = arith.constant 0 : i32
    %dma_start3A_162 = arith.constant 0 : i32
    %dma_start3A_163 = tpu.memref_slice %arg2[%dma_start3A_161, %dma_start3A_162] : memref<1000000x128xf32, #tpu.memory_space<hbm>> -> memref<1000000x128xf32, #tpu.memory_space<hbm>>
    tpu.enqueue_indirect_dma source(%dma_start3A_163 : memref<1000000x128xf32, #tpu.memory_space<hbm>>) target(%arg19 : memref<128x128xf32, #tpu.memory_space<vmem>>) offsets(%dma_start3A_160 : memref<128xi32, #tpu.memory_space<vmem>>) semaphore(%arg23 : memref<!tpu.dma_semaphore, #tpu.memory_space<semaphore_mem>>)
    %dma_start3A_164 = arith.constant 0 : i32
    %dma_start3A_165 = arith.constant 0 : i32
    %dma_start3A_166 = tpu.memref_slice %arg11[%dma_start3A_164, %dma_start3A_165] : memref<4x128xi32, #tpu.memory_space<vmem>> -> memref<1x128xi32, #tpu.memory_space<vmem>>
    %dma_start3A_167 = tpu.memref_squeeze %dma_start3A_166 : memref<1x128xi32, #tpu.memory_space<vmem>> -> memref<128xi32, #tpu.memory_space<vmem>>
    %dma_start3A_168 = arith.constant 0 : i32
    %dma_start3A_169 = arith.constant 0 : i32
    %dma_start3A_170 = tpu.memref_slice %arg6[%dma_start3A_168, %dma_start3A_169] : memref<1000x64xbf16, #tpu.memory_space<hbm>> -> memref<1000x64xbf16, #tpu.memory_space<hbm>>
    tpu.enqueue_indirect_dma source(%dma_start3A_170 : memref<1000x64xbf16, #tpu.memory_space<hbm>>) target(%arg20 : memref<128x64xbf16, #tpu.memory_space<vmem>>) offsets(%dma_start3A_167 : memref<128xi32, #tpu.memory_space<vmem>>) semaphore(%arg23 : memref<!tpu.dma_semaphore, #tpu.memory_space<semaphore_mem>>)
    %dma_start3A_171 = arith.constant 0 : i32
    %dma_start3A_172 = arith.constant 0 : i32
    %dma_start3A_173 = tpu.memref_slice %arg11[%dma_start3A_171, %dma_start3A_172] : memref<4x128xi32, #tpu.memory_space<vmem>> -> memref<1x128xi32, #tpu.memory_space<vmem>>
    %dma_start3A_174 = tpu.memref_squeeze %dma_start3A_173 : memref<1x128xi32, #tpu.memory_space<vmem>> -> memref<128xi32, #tpu.memory_space<vmem>>
    %dma_start3A_175 = arith.constant 0 : i32
    %dma_start3A_176 = arith.constant 0 : i32
    %dma_start3A_177 = tpu.memref_slice %arg7[%dma_start3A_175, %dma_start3A_176] : memref<1000x64xbf16, #tpu.memory_space<hbm>> -> memref<1000x64xbf16, #tpu.memory_space<hbm>>
    tpu.enqueue_indirect_dma source(%dma_start3A_177 : memref<1000x64xbf16, #tpu.memory_space<hbm>>) target(%arg21 : memref<128x64xbf16, #tpu.memory_space<vmem>>) offsets(%dma_start3A_174 : memref<128xi32, #tpu.memory_space<vmem>>) semaphore(%arg23 : memref<!tpu.dma_semaphore, #tpu.memory_space<semaphore_mem>>)
    %dma_wait3A_178 = arith.constant 1 : i32
    %dma_wait3A_179 = arith.constant 0 : i32
    %dma_wait3A_180 = tpu.memref_slice %arg9[%dma_wait3A_178, %dma_wait3A_179] : memref<4x128xi32, #tpu.memory_space<vmem>> -> memref<1x128xi32, #tpu.memory_space<vmem>>
    %dma_wait3A_181 = tpu.memref_squeeze %dma_wait3A_180 : memref<1x128xi32, #tpu.memory_space<vmem>> -> memref<128xi32, #tpu.memory_space<vmem>>
    %dma_wait3A_182 = tpu.memref_slice %arg3[%add3A_34] : memref<16384xi32, #tpu.memory_space<hbm>> -> memref<128xi32, #tpu.memory_space<hbm>>
    %dma_wait3A_183 = arith.constant 0 : i32
    %dma_wait3A_184 = tpu.memref_slice %arg9[%dma_wait3A_178, %dma_wait3A_183] : memref<4x128xi32, #tpu.memory_space<vmem>> -> memref<1x128xi32, #tpu.memory_space<vmem>>
    %dma_wait3A_185 = tpu.memref_squeeze %dma_wait3A_184 : memref<1x128xi32, #tpu.memory_space<vmem>> -> memref<128xi32, #tpu.memory_space<vmem>>
    %dma_wait3A_186 = tpu.memref_slice %arg3[%add3A_34] : memref<16384xi32, #tpu.memory_space<hbm>> -> memref<128xi32, #tpu.memory_space<hbm>>
    tpu.wait_dma2 semaphore(%arg13 : memref<!tpu.dma_semaphore, #tpu.memory_space<semaphore_mem>>) src(%dma_wait3A_186 : memref<128xi32, #tpu.memory_space<hbm>>) dst(%dma_wait3A_185 : memref<128xi32, #tpu.memory_space<vmem>>)
    %dma_wait3A_187 = arith.constant 1 : i32
    %dma_wait3A_188 = arith.constant 0 : i32
    %dma_wait3A_189 = tpu.memref_slice %arg10[%dma_wait3A_187, %dma_wait3A_188] : memref<4x128xi32, #tpu.memory_space<vmem>> -> memref<1x128xi32, #tpu.memory_space<vmem>>
    %dma_wait3A_190 = tpu.memref_squeeze %dma_wait3A_189 : memref<1x128xi32, #tpu.memory_space<vmem>> -> memref<128xi32, #tpu.memory_space<vmem>>
    %dma_wait3A_191 = tpu.memref_slice %arg5[%add3A_34] : memref<16384xi32, #tpu.memory_space<hbm>> -> memref<128xi32, #tpu.memory_space<hbm>>
    %dma_wait3A_192 = arith.constant 0 : i32
    %dma_wait3A_193 = tpu.memref_slice %arg10[%dma_wait3A_187, %dma_wait3A_192] : memref<4x128xi32, #tpu.memory_space<vmem>> -> memref<1x128xi32, #tpu.memory_space<vmem>>
    %dma_wait3A_194 = tpu.memref_squeeze %dma_wait3A_193 : memref<1x128xi32, #tpu.memory_space<vmem>> -> memref<128xi32, #tpu.memory_space<vmem>>
    %dma_wait3A_195 = tpu.memref_slice %arg5[%add3A_34] : memref<16384xi32, #tpu.memory_space<hbm>> -> memref<128xi32, #tpu.memory_space<hbm>>
    tpu.wait_dma2 semaphore(%arg13 : memref<!tpu.dma_semaphore, #tpu.memory_space<semaphore_mem>>) src(%dma_wait3A_195 : memref<128xi32, #tpu.memory_space<hbm>>) dst(%dma_wait3A_194 : memref<128xi32, #tpu.memory_space<vmem>>)
    %dma_wait3A_196 = arith.constant 1 : i32
    %dma_wait3A_197 = arith.constant 0 : i32
    %dma_wait3A_198 = tpu.memref_slice %arg11[%dma_wait3A_196, %dma_wait3A_197] : memref<4x128xi32, #tpu.memory_space<vmem>> -> memref<1x128xi32, #tpu.memory_space<vmem>>
    %dma_wait3A_199 = tpu.memref_squeeze %dma_wait3A_198 : memref<1x128xi32, #tpu.memory_space<vmem>> -> memref<128xi32, #tpu.memory_space<vmem>>
    %dma_wait3A_200 = tpu.memref_slice %arg4[%add3A_34] : memref<16384xi32, #tpu.memory_space<hbm>> -> memref<128xi32, #tpu.memory_space<hbm>>
    %dma_wait3A_201 = arith.constant 0 : i32
    %dma_wait3A_202 = tpu.memref_slice %arg11[%dma_wait3A_196, %dma_wait3A_201] : memref<4x128xi32, #tpu.memory_space<vmem>> -> memref<1x128xi32, #tpu.memory_space<vmem>>
    %dma_wait3A_203 = tpu.memref_squeeze %dma_wait3A_202 : memref<1x128xi32, #tpu.memory_space<vmem>> -> memref<128xi32, #tpu.memory_space<vmem>>
    %dma_wait3A_204 = tpu.memref_slice %arg4[%add3A_34] : memref<16384xi32, #tpu.memory_space<hbm>> -> memref<128xi32, #tpu.memory_space<hbm>>
    tpu.wait_dma2 semaphore(%arg13 : memref<!tpu.dma_semaphore, #tpu.memory_space<semaphore_mem>>) src(%dma_wait3A_204 : memref<128xi32, #tpu.memory_space<hbm>>) dst(%dma_wait3A_203 : memref<128xi32, #tpu.memory_space<vmem>>)
    %dma_start3A_205 = arith.constant 1 : i32
    %dma_start3A_206 = arith.constant 0 : i32
    %dma_start3A_207 = tpu.memref_slice %arg9[%dma_start3A_205, %dma_start3A_206] : memref<4x128xi32, #tpu.memory_space<vmem>> -> memref<1x128xi32, #tpu.memory_space<vmem>>
    %dma_start3A_208 = tpu.memref_squeeze %dma_start3A_207 : memref<1x128xi32, #tpu.memory_space<vmem>> -> memref<128xi32, #tpu.memory_space<vmem>>
    %dma_start3A_209 = arith.constant 0 : i32
    %dma_start3A_210 = arith.constant 0 : i32
    %dma_start3A_211 = tpu.memref_slice %arg2[%dma_start3A_209, %dma_start3A_210] : memref<1000000x128xf32, #tpu.memory_space<hbm>> -> memref<1000000x128xf32, #tpu.memory_space<hbm>>
    tpu.enqueue_indirect_dma source(%dma_start3A_211 : memref<1000000x128xf32, #tpu.memory_space<hbm>>) target(%arg24 : memref<128x128xf32, #tpu.memory_space<vmem>>) offsets(%dma_start3A_208 : memref<128xi32, #tpu.memory_space<vmem>>) semaphore(%arg29 : memref<!tpu.dma_semaphore, #tpu.memory_space<semaphore_mem>>)
    %dma_start3A_212 = arith.constant 1 : i32
    %dma_start3A_213 = arith.constant 0 : i32
    %dma_start3A_214 = tpu.memref_slice %arg10[%dma_start3A_212, %dma_start3A_213] : memref<4x128xi32, #tpu.memory_space<vmem>> -> memref<1x128xi32, #tpu.memory_space<vmem>>
    %dma_start3A_215 = tpu.memref_squeeze %dma_start3A_214 : memref<1x128xi32, #tpu.memory_space<vmem>> -> memref<128xi32, #tpu.memory_space<vmem>>
    %dma_start3A_216 = arith.constant 0 : i32
    %dma_start3A_217 = arith.constant 0 : i32
    %dma_start3A_218 = tpu.memref_slice %arg2[%dma_start3A_216, %dma_start3A_217] : memref<1000000x128xf32, #tpu.memory_space<hbm>> -> memref<1000000x128xf32, #tpu.memory_space<hbm>>
    tpu.enqueue_indirect_dma source(%dma_start3A_218 : memref<1000000x128xf32, #tpu.memory_space<hbm>>) target(%arg25 : memref<128x128xf32, #tpu.memory_space<vmem>>) offsets(%dma_start3A_215 : memref<128xi32, #tpu.memory_space<vmem>>) semaphore(%arg29 : memref<!tpu.dma_semaphore, #tpu.memory_space<semaphore_mem>>)
    %dma_start3A_219 = arith.constant 1 : i32
    %dma_start3A_220 = arith.constant 0 : i32
    %dma_start3A_221 = tpu.memref_slice %arg11[%dma_start3A_219, %dma_start3A_220] : memref<4x128xi32, #tpu.memory_space<vmem>> -> memref<1x128xi32, #tpu.memory_space<vmem>>
    %dma_start3A_222 = tpu.memref_squeeze %dma_start3A_221 : memref<1x128xi32, #tpu.memory_space<vmem>> -> memref<128xi32, #tpu.memory_space<vmem>>
    %dma_start3A_223 = arith.constant 0 : i32
    %dma_start3A_224 = arith.constant 0 : i32
    %dma_start3A_225 = tpu.memref_slice %arg6[%dma_start3A_223, %dma_start3A_224] : memref<1000x64xbf16, #tpu.memory_space<hbm>> -> memref<1000x64xbf16, #tpu.memory_space<hbm>>
    tpu.enqueue_indirect_dma source(%dma_start3A_225 : memref<1000x64xbf16, #tpu.memory_space<hbm>>) target(%arg26 : memref<128x64xbf16, #tpu.memory_space<vmem>>) offsets(%dma_start3A_222 : memref<128xi32, #tpu.memory_space<vmem>>) semaphore(%arg29 : memref<!tpu.dma_semaphore, #tpu.memory_space<semaphore_mem>>)
    %dma_start3A_226 = arith.constant 1 : i32
    %dma_start3A_227 = arith.constant 0 : i32
    %dma_start3A_228 = tpu.memref_slice %arg11[%dma_start3A_226, %dma_start3A_227] : memref<4x128xi32, #tpu.memory_space<vmem>> -> memref<1x128xi32, #tpu.memory_space<vmem>>
    %dma_start3A_229 = tpu.memref_squeeze %dma_start3A_228 : memref<1x128xi32, #tpu.memory_space<vmem>> -> memref<128xi32, #tpu.memory_space<vmem>>
    %dma_start3A_230 = arith.constant 0 : i32
    %dma_start3A_231 = arith.constant 0 : i32
    %dma_start3A_232 = tpu.memref_slice %arg7[%dma_start3A_230, %dma_start3A_231] : memref<1000x64xbf16, #tpu.memory_space<hbm>> -> memref<1000x64xbf16, #tpu.memory_space<hbm>>
    tpu.enqueue_indirect_dma source(%dma_start3A_232 : memref<1000x64xbf16, #tpu.memory_space<hbm>>) target(%arg27 : memref<128x64xbf16, #tpu.memory_space<vmem>>) offsets(%dma_start3A_229 : memref<128xi32, #tpu.memory_space<vmem>>) semaphore(%arg29 : memref<!tpu.dma_semaphore, #tpu.memory_space<semaphore_mem>>)
    %dma_wait3A_233 = arith.constant 0 : i32
    %dma_wait3A_234 = arith.constant 0 : i32
    %dma_wait3A_235 = tpu.memref_slice %arg9[%dma_wait3A_233, %dma_wait3A_234] : memref<4x128xi32, #tpu.memory_space<vmem>> -> memref<1x128xi32, #tpu.memory_space<vmem>>
    %dma_wait3A_236 = tpu.memref_squeeze %dma_wait3A_235 : memref<1x128xi32, #tpu.memory_space<vmem>> -> memref<128xi32, #tpu.memory_space<vmem>>
    %dma_wait3A_237 = arith.constant 0 : i32
    %dma_wait3A_238 = arith.constant 0 : i32
    %dma_wait3A_239 = tpu.memref_slice %arg2[%dma_wait3A_237, %dma_wait3A_238] : memref<1000000x128xf32, #tpu.memory_space<hbm>> -> memref<1000000x128xf32, #tpu.memory_space<hbm>>
    tpu.wait_indirect_dma semaphore(%arg23 : memref<!tpu.dma_semaphore, #tpu.memory_space<semaphore_mem>>) src(%dma_wait3A_239 : memref<1000000x128xf32, #tpu.memory_space<hbm>>) dst(%arg18 : memref<128x128xf32, #tpu.memory_space<vmem>>)
    %dma_wait3A_240 = arith.constant 0 : i32
    %dma_wait3A_241 = arith.constant 0 : i32
    %dma_wait3A_242 = tpu.memref_slice %arg10[%dma_wait3A_240, %dma_wait3A_241] : memref<4x128xi32, #tpu.memory_space<vmem>> -> memref<1x128xi32, #tpu.memory_space<vmem>>
    %dma_wait3A_243 = tpu.memref_squeeze %dma_wait3A_242 : memref<1x128xi32, #tpu.memory_space<vmem>> -> memref<128xi32, #tpu.memory_space<vmem>>
    %dma_wait3A_244 = arith.constant 0 : i32
    %dma_wait3A_245 = arith.constant 0 : i32
    %dma_wait3A_246 = tpu.memref_slice %arg2[%dma_wait3A_244, %dma_wait3A_245] : memref<1000000x128xf32, #tpu.memory_space<hbm>> -> memref<1000000x128xf32, #tpu.memory_space<hbm>>
    tpu.wait_indirect_dma semaphore(%arg23 : memref<!tpu.dma_semaphore, #tpu.memory_space<semaphore_mem>>) src(%dma_wait3A_246 : memref<1000000x128xf32, #tpu.memory_space<hbm>>) dst(%arg19 : memref<128x128xf32, #tpu.memory_space<vmem>>)
    %dma_wait3A_247 = arith.constant 0 : i32
    %dma_wait3A_248 = arith.constant 0 : i32
    %dma_wait3A_249 = tpu.memref_slice %arg11[%dma_wait3A_247, %dma_wait3A_248] : memref<4x128xi32, #tpu.memory_space<vmem>> -> memref<1x128xi32, #tpu.memory_space<vmem>>
    %dma_wait3A_250 = tpu.memref_squeeze %dma_wait3A_249 : memref<1x128xi32, #tpu.memory_space<vmem>> -> memref<128xi32, #tpu.memory_space<vmem>>
    %dma_wait3A_251 = arith.constant 0 : i32
    %dma_wait3A_252 = arith.constant 0 : i32
    %dma_wait3A_253 = tpu.memref_slice %arg6[%dma_wait3A_251, %dma_wait3A_252] : memref<1000x64xbf16, #tpu.memory_space<hbm>> -> memref<1000x64xbf16, #tpu.memory_space<hbm>>
    tpu.wait_indirect_dma semaphore(%arg23 : memref<!tpu.dma_semaphore, #tpu.memory_space<semaphore_mem>>) src(%dma_wait3A_253 : memref<1000x64xbf16, #tpu.memory_space<hbm>>) dst(%arg20 : memref<128x64xbf16, #tpu.memory_space<vmem>>)
    %dma_wait3A_254 = arith.constant 0 : i32
    %dma_wait3A_255 = arith.constant 0 : i32
    %dma_wait3A_256 = tpu.memref_slice %arg11[%dma_wait3A_254, %dma_wait3A_255] : memref<4x128xi32, #tpu.memory_space<vmem>> -> memref<1x128xi32, #tpu.memory_space<vmem>>
    %dma_wait3A_257 = tpu.memref_squeeze %dma_wait3A_256 : memref<1x128xi32, #tpu.memory_space<vmem>> -> memref<128xi32, #tpu.memory_space<vmem>>
    %dma_wait3A_258 = arith.constant 0 : i32
    %dma_wait3A_259 = arith.constant 0 : i32
    %dma_wait3A_260 = tpu.memref_slice %arg7[%dma_wait3A_258, %dma_wait3A_259] : memref<1000x64xbf16, #tpu.memory_space<hbm>> -> memref<1000x64xbf16, #tpu.memory_space<hbm>>
    tpu.wait_indirect_dma semaphore(%arg23 : memref<!tpu.dma_semaphore, #tpu.memory_space<semaphore_mem>>) src(%dma_wait3A_260 : memref<1000x64xbf16, #tpu.memory_space<hbm>>) dst(%arg21 : memref<128x64xbf16, #tpu.memory_space<vmem>>)
    %parallel_loop3A = arith.constant 0 : i32
    %parallel_loop3A_261 = arith.constant 8 : i32
    %parallel_loop3A_262 = arith.constant 1 : i32
    scf.for %parallel_loop3A_498 = %parallel_loop3A to %parallel_loop3A_261 step %parallel_loop3A_262  : i32 {
      %parallel_loop3A_499 = arith.constant 16 : i32
      %parallel_loop3A_500 = arith.muli %parallel_loop3A_498, %parallel_loop3A_499 : i32
      %parallel_loop3A_501 = arith.constant 0.000000e+00 : f32
      %parallel_loop3A_502 = vector.broadcast %parallel_loop3A_501 : f32 to vector<16xf32>
      %parallel_loop3A_503 = arith.constant 0 : i32
      %parallel_loop3A_504 = arith.constant 16 : i32
      %parallel_loop3A_505 = arith.constant 1 : i32
      %parallel_loop3A_506 = scf.for %parallel_loop3A_509 = %parallel_loop3A_503 to %parallel_loop3A_504 step %parallel_loop3A_505 iter_args(%parallel_loop3A_510 = %parallel_loop3A_502) -> (vector<16xf32>)  : i32 {
        %parallel_loop3A_511 = arith.addi %parallel_loop3A_500, %parallel_loop3A_509 : i32
        %parallel_loop3A_512 = arith.constant 0.000000e+00 : f32
        %parallel_loop3A_513 = vector.broadcast %parallel_loop3A_512 : f32 to vector<16xf32>
        %parallel_loop3A_514 = arith.index_cast %parallel_loop3A_511 : i32 to index
        %parallel_loop3A_515 = arith.constant 0 : index
        %parallel_loop3A_516 = tpu.vector_load %arg20[%parallel_loop3A_514, %parallel_loop3A_515] {strides = array<i32>} : memref<128x64xbf16, #tpu.memory_space<vmem>>, vector<32xbf16>,
        %parallel_loop3A_517 = tpu.unpack_subelements %parallel_loop3A_516, 0 {pack_format = #tpu.pack_format<interleaved>} : vector<32xbf16> -> vector<16xf32>
        %parallel_loop3A_518 = tpu.unpack_subelements %parallel_loop3A_516, 1 {pack_format = #tpu.pack_format<interleaved>} : vector<32xbf16> -> vector<16xf32>
        %parallel_loop3A_519 = arith.index_cast %parallel_loop3A_511 : i32 to index
        %parallel_loop3A_520 = arith.constant 0 : index
        %parallel_loop3A_521 = tpu.vector_load %arg21[%parallel_loop3A_519, %parallel_loop3A_520] {strides = array<i32>} : memref<128x64xbf16, #tpu.memory_space<vmem>>, vector<32xbf16>,
        %parallel_loop3A_522 = tpu.unpack_subelements %parallel_loop3A_521, 0 {pack_format = #tpu.pack_format<interleaved>} : vector<32xbf16> -> vector<16xf32>
        %parallel_loop3A_523 = tpu.unpack_subelements %parallel_loop3A_521, 1 {pack_format = #tpu.pack_format<interleaved>} : vector<32xbf16> -> vector<16xf32>
        %parallel_loop3A_524 = arith.index_cast %parallel_loop3A_511 : i32 to index
        %parallel_loop3A_525 = arith.constant 0 : index
        %parallel_loop3A_526 = tpu.vector_load %arg18[%parallel_loop3A_524, %parallel_loop3A_525] {strides = array<i32>} : memref<128x128xf32, #tpu.memory_space<vmem>>, vector<16xf32>,
        %parallel_loop3A_527 = arith.index_cast %parallel_loop3A_511 : i32 to index
        %parallel_loop3A_528 = arith.constant 64 : index
        %parallel_loop3A_529 = tpu.vector_load %arg18[%parallel_loop3A_527, %parallel_loop3A_528] {strides = array<i32>} : memref<128x128xf32, #tpu.memory_space<vmem>>, vector<16xf32>,
        %parallel_loop3A_530 = arith.index_cast %parallel_loop3A_511 : i32 to index
        %parallel_loop3A_531 = arith.constant 0 : index
        %parallel_loop3A_532 = tpu.vector_load %arg19[%parallel_loop3A_530, %parallel_loop3A_531] {strides = array<i32>} : memref<128x128xf32, #tpu.memory_space<vmem>>, vector<16xf32>,
        %parallel_loop3A_533 = arith.index_cast %parallel_loop3A_511 : i32 to index
        %parallel_loop3A_534 = arith.constant 64 : index
        %parallel_loop3A_535 = tpu.vector_load %arg19[%parallel_loop3A_533, %parallel_loop3A_534] {strides = array<i32>} : memref<128x128xf32, #tpu.memory_space<vmem>>, vector<16xf32>,
        %parallel_loop3A_536 = arith.mulf %parallel_loop3A_517, %parallel_loop3A_532 : vector<16xf32>
        %parallel_loop3A_537 = arith.mulf %parallel_loop3A_522, %parallel_loop3A_535 : vector<16xf32>
        %parallel_loop3A_538 = arith.addf %parallel_loop3A_536, %parallel_loop3A_537 : vector<16xf32>
        %parallel_loop3A_539 = arith.mulf %parallel_loop3A_526, %parallel_loop3A_538 : vector<16xf32>
        %parallel_loop3A_540 = arith.addf %parallel_loop3A_513, %parallel_loop3A_539 : vector<16xf32>
        %parallel_loop3A_541 = arith.mulf %parallel_loop3A_517, %parallel_loop3A_535 : vector<16xf32>
        %parallel_loop3A_542 = arith.mulf %parallel_loop3A_522, %parallel_loop3A_532 : vector<16xf32>
        %parallel_loop3A_543 = arith.subf %parallel_loop3A_541, %parallel_loop3A_542 : vector<16xf32>
        %parallel_loop3A_544 = arith.mulf %parallel_loop3A_529, %parallel_loop3A_543 : vector<16xf32>
        %parallel_loop3A_545 = arith.addf %parallel_loop3A_540, %parallel_loop3A_544 : vector<16xf32>
        %parallel_loop3A_546 = arith.index_cast %parallel_loop3A_511 : i32 to index
        %parallel_loop3A_547 = arith.constant 16 : index
        %parallel_loop3A_548 = tpu.vector_load %arg18[%parallel_loop3A_546, %parallel_loop3A_547] {strides = array<i32>} : memref<128x128xf32, #tpu.memory_space<vmem>>, vector<16xf32>,
        %parallel_loop3A_549 = arith.index_cast %parallel_loop3A_511 : i32 to index
        %parallel_loop3A_550 = arith.constant 80 : index
        %parallel_loop3A_551 = tpu.vector_load %arg18[%parallel_loop3A_549, %parallel_loop3A_550] {strides = array<i32>} : memref<128x128xf32, #tpu.memory_space<vmem>>, vector<16xf32>,
        %parallel_loop3A_552 = arith.index_cast %parallel_loop3A_511 : i32 to index
        %parallel_loop3A_553 = arith.constant 16 : index
        %parallel_loop3A_554 = tpu.vector_load %arg19[%parallel_loop3A_552, %parallel_loop3A_553] {strides = array<i32>} : memref<128x128xf32, #tpu.memory_space<vmem>>, vector<16xf32>,
        %parallel_loop3A_555 = arith.index_cast %parallel_loop3A_511 : i32 to index
        %parallel_loop3A_556 = arith.constant 80 : index
        %parallel_loop3A_557 = tpu.vector_load %arg19[%parallel_loop3A_555, %parallel_loop3A_556] {strides = array<i32>} : memref<128x128xf32, #tpu.memory_space<vmem>>, vector<16xf32>,
        %parallel_loop3A_558 = arith.mulf %parallel_loop3A_518, %parallel_loop3A_554 : vector<16xf32>
        %parallel_loop3A_559 = arith.mulf %parallel_loop3A_523, %parallel_loop3A_557 : vector<16xf32>
        %parallel_loop3A_560 = arith.addf %parallel_loop3A_558, %parallel_loop3A_559 : vector<16xf32>
        %parallel_loop3A_561 = arith.mulf %parallel_loop3A_548, %parallel_loop3A_560 : vector<16xf32>
        %parallel_loop3A_562 = arith.addf %parallel_loop3A_545, %parallel_loop3A_561 : vector<16xf32>
        %parallel_loop3A_563 = arith.mulf %parallel_loop3A_518, %parallel_loop3A_557 : vector<16xf32>
        %parallel_loop3A_564 = arith.mulf %parallel_loop3A_523, %parallel_loop3A_554 : vector<16xf32>
        %parallel_loop3A_565 = arith.subf %parallel_loop3A_563, %parallel_loop3A_564 : vector<16xf32>
        %parallel_loop3A_566 = arith.mulf %parallel_loop3A_551, %parallel_loop3A_565 : vector<16xf32>
        %parallel_loop3A_567 = arith.addf %parallel_loop3A_562, %parallel_loop3A_566 : vector<16xf32>
        %parallel_loop3A_568 = arith.index_cast %parallel_loop3A_511 : i32 to index
        %parallel_loop3A_569 = arith.constant 32 : index
        %parallel_loop3A_570 = tpu.vector_load %arg20[%parallel_loop3A_568, %parallel_loop3A_569] {strides = array<i32>} : memref<128x64xbf16, #tpu.memory_space<vmem>>, vector<32xbf16>,
        %parallel_loop3A_571 = tpu.unpack_subelements %parallel_loop3A_570, 0 {pack_format = #tpu.pack_format<interleaved>} : vector<32xbf16> -> vector<16xf32>
        %parallel_loop3A_572 = tpu.unpack_subelements %parallel_loop3A_570, 1 {pack_format = #tpu.pack_format<interleaved>} : vector<32xbf16> -> vector<16xf32>
        %parallel_loop3A_573 = arith.index_cast %parallel_loop3A_511 : i32 to index
        %parallel_loop3A_574 = arith.constant 32 : index
        %parallel_loop3A_575 = tpu.vector_load %arg21[%parallel_loop3A_573, %parallel_loop3A_574] {strides = array<i32>} : memref<128x64xbf16, #tpu.memory_space<vmem>>, vector<32xbf16>,
        %parallel_loop3A_576 = tpu.unpack_subelements %parallel_loop3A_575, 0 {pack_format = #tpu.pack_format<interleaved>} : vector<32xbf16> -> vector<16xf32>
        %parallel_loop3A_577 = tpu.unpack_subelements %parallel_loop3A_575, 1 {pack_format = #tpu.pack_format<interleaved>} : vector<32xbf16> -> vector<16xf32>
        %parallel_loop3A_578 = arith.index_cast %parallel_loop3A_511 : i32 to index
        %parallel_loop3A_579 = arith.constant 32 : index
        %parallel_loop3A_580 = tpu.vector_load %arg18[%parallel_loop3A_578, %parallel_loop3A_579] {strides = array<i32>} : memref<128x128xf32, #tpu.memory_space<vmem>>, vector<16xf32>,
        %parallel_loop3A_581 = arith.index_cast %parallel_loop3A_511 : i32 to index
        %parallel_loop3A_582 = arith.constant 96 : index
        %parallel_loop3A_583 = tpu.vector_load %arg18[%parallel_loop3A_581, %parallel_loop3A_582] {strides = array<i32>} : memref<128x128xf32, #tpu.memory_space<vmem>>, vector<16xf32>,
        %parallel_loop3A_584 = arith.index_cast %parallel_loop3A_511 : i32 to index
        %parallel_loop3A_585 = arith.constant 32 : index
        %parallel_loop3A_586 = tpu.vector_load %arg19[%parallel_loop3A_584, %parallel_loop3A_585] {strides = array<i32>} : memref<128x128xf32, #tpu.memory_space<vmem>>, vector<16xf32>,
        %parallel_loop3A_587 = arith.index_cast %parallel_loop3A_511 : i32 to index
        %parallel_loop3A_588 = arith.constant 96 : index
        %parallel_loop3A_589 = tpu.vector_load %arg19[%parallel_loop3A_587, %parallel_loop3A_588] {strides = array<i32>} : memref<128x128xf32, #tpu.memory_space<vmem>>, vector<16xf32>,
        %parallel_loop3A_590 = arith.mulf %parallel_loop3A_571, %parallel_loop3A_586 : vector<16xf32>
        %parallel_loop3A_591 = arith.mulf %parallel_loop3A_576, %parallel_loop3A_589 : vector<16xf32>
        %parallel_loop3A_592 = arith.addf %parallel_loop3A_590, %parallel_loop3A_591 : vector<16xf32>
        %parallel_loop3A_593 = arith.mulf %parallel_loop3A_580, %parallel_loop3A_592 : vector<16xf32>
        %parallel_loop3A_594 = arith.addf %parallel_loop3A_567, %parallel_loop3A_593 : vector<16xf32>
        %parallel_loop3A_595 = arith.mulf %parallel_loop3A_571, %parallel_loop3A_589 : vector<16xf32>
        %parallel_loop3A_596 = arith.mulf %parallel_loop3A_576, %parallel_loop3A_586 : vector<16xf32>
        %parallel_loop3A_597 = arith.subf %parallel_loop3A_595, %parallel_loop3A_596 : vector<16xf32>
        %parallel_loop3A_598 = arith.mulf %parallel_loop3A_583, %parallel_loop3A_597 : vector<16xf32>
        %parallel_loop3A_599 = arith.addf %parallel_loop3A_594, %parallel_loop3A_598 : vector<16xf32>
        %parallel_loop3A_600 = arith.index_cast %parallel_loop3A_511 : i32 to index
        %parallel_loop3A_601 = arith.constant 48 : index
        %parallel_loop3A_602 = tpu.vector_load %arg18[%parallel_loop3A_600, %parallel_loop3A_601] {strides = array<i32>} : memref<128x128xf32, #tpu.memory_space<vmem>>, vector<16xf32>,
        %parallel_loop3A_603 = arith.index_cast %parallel_loop3A_511 : i32 to index
        %parallel_loop3A_604 = arith.constant 112 : index
        %parallel_loop3A_605 = tpu.vector_load %arg18[%parallel_loop3A_603, %parallel_loop3A_604] {strides = array<i32>} : memref<128x128xf32, #tpu.memory_space<vmem>>, vector<16xf32>,
        %parallel_loop3A_606 = arith.index_cast %parallel_loop3A_511 : i32 to index
        %parallel_loop3A_607 = arith.constant 48 : index
        %parallel_loop3A_608 = tpu.vector_load %arg19[%parallel_loop3A_606, %parallel_loop3A_607] {strides = array<i32>} : memref<128x128xf32, #tpu.memory_space<vmem>>, vector<16xf32>,
        %parallel_loop3A_609 = arith.index_cast %parallel_loop3A_511 : i32 to index
        %parallel_loop3A_610 = arith.constant 112 : index
        %parallel_loop3A_611 = tpu.vector_load %arg19[%parallel_loop3A_609, %parallel_loop3A_610] {strides = array<i32>} : memref<128x128xf32, #tpu.memory_space<vmem>>, vector<16xf32>,
        %parallel_loop3A_612 = arith.mulf %parallel_loop3A_572, %parallel_loop3A_608 : vector<16xf32>
        %parallel_loop3A_613 = arith.mulf %parallel_loop3A_577, %parallel_loop3A_611 : vector<16xf32>
        %parallel_loop3A_614 = arith.addf %parallel_loop3A_612, %parallel_loop3A_613 : vector<16xf32>
        %parallel_loop3A_615 = arith.mulf %parallel_loop3A_602, %parallel_loop3A_614 : vector<16xf32>
        %parallel_loop3A_616 = arith.addf %parallel_loop3A_599, %parallel_loop3A_615 : vector<16xf32>
        %parallel_loop3A_617 = arith.mulf %parallel_loop3A_572, %parallel_loop3A_611 : vector<16xf32>
        %parallel_loop3A_618 = arith.mulf %parallel_loop3A_577, %parallel_loop3A_608 : vector<16xf32>
        %parallel_loop3A_619 = arith.subf %parallel_loop3A_617, %parallel_loop3A_618 : vector<16xf32>
        %parallel_loop3A_620 = arith.mulf %parallel_loop3A_605, %parallel_loop3A_619 : vector<16xf32>
        %parallel_loop3A_621 = arith.addf %parallel_loop3A_616, %parallel_loop3A_620 : vector<16xf32>
        %parallel_loop3A_622 = arith.constant true
        %parallel_loop3A_623 = vector.broadcast %parallel_loop3A_622 : i1 to vector<16xi1>
        %parallel_loop3A_624 = tpu.scan <sum>, %parallel_loop3A_621 masked %parallel_loop3A_623 : vector<16xf32>, vector<16xi1> -> vector<16xf32>
        %parallel_loop3A_625 = vector.extract %parallel_loop3A_624[15] : f32 from vector<16xf32>
        %parallel_loop3A_626 = vector.broadcast %parallel_loop3A_509 : i32 to vector<16xi32>
        %parallel_loop3A_627 = arith.cmpi eq, %iota3A, %parallel_loop3A_626 : vector<16xi32>
        %parallel_loop3A_628 = arith.constant 0.000000e+00 : f32
        %parallel_loop3A_629 = vector.broadcast %parallel_loop3A_625 : f32 to vector<16xf32>
        %parallel_loop3A_630 = vector.broadcast %parallel_loop3A_628 : f32 to vector<16xf32>
        %parallel_loop3A_631 = arith.select %parallel_loop3A_627, %parallel_loop3A_629, %parallel_loop3A_630 : vector<16xi1>, vector<16xf32>
        %parallel_loop3A_632 = arith.addf %parallel_loop3A_510, %parallel_loop3A_631 : vector<16xf32>
        scf.yield %parallel_loop3A_632 : vector<16xf32>
      } {sc.loop_unroll_factor = 8 : i64, sc.parallel_access}
      %parallel_loop3A_507 = arith.index_cast %parallel_loop3A_500 : i32 to index
      %parallel_loop3A_508 = tpu.vector_load %arg22[%parallel_loop3A_507] {strides = array<i32>} : memref<128xf32, #tpu.memory_space<vmem>>, vector<16xf32>,
      tpu.vector_store %arg22[%parallel_loop3A_507], %parallel_loop3A_506 {strides = array<i32>} : memref<128xf32, #tpu.memory_space<vmem>>, vector<16xf32>,
    } {sc.loop_unroll_factor = 1 : i64, sc.parallel_access}
    %mul3A_263 = arith.constant 512 : i32
    %mul3A_264 = arith.muli %add3A, %mul3A_263 : i32
    %add3A_265 = arith.constant 0 : i32
    %add3A_266 = arith.addi %mul3A_264, %add3A_265 : i32
    %dma_start3A_267 = tpu.memref_slice %arg8[%add3A_266] : memref<16384xf32, #tpu.memory_space<hbm>> -> memref<128xf32, #tpu.memory_space<hbm>>
    %dma_start3A_268 = tpu.memref_slice %arg8[%add3A_266] : memref<16384xf32, #tpu.memory_space<hbm>> -> memref<128xf32, #tpu.memory_space<hbm>>
    tpu.enqueue_dma source(%arg22 : memref<128xf32, #tpu.memory_space<vmem>>) target(%dma_start3A_268 : memref<128xf32, #tpu.memory_space<hbm>>) target_semaphore(%arg16 : memref<!tpu.dma_semaphore, #tpu.memory_space<semaphore_mem>>)
    %dma_wait3A_269 = arith.constant 2 : i32
    %dma_wait3A_270 = arith.constant 0 : i32
    %dma_wait3A_271 = tpu.memref_slice %arg9[%dma_wait3A_269, %dma_wait3A_270] : memref<4x128xi32, #tpu.memory_space<vmem>> -> memref<1x128xi32, #tpu.memory_space<vmem>>
    %dma_wait3A_272 = tpu.memref_squeeze %dma_wait3A_271 : memref<1x128xi32, #tpu.memory_space<vmem>> -> memref<128xi32, #tpu.memory_space<vmem>>
    %dma_wait3A_273 = tpu.memref_slice %arg3[%add3A_65] : memref<16384xi32, #tpu.memory_space<hbm>> -> memref<128xi32, #tpu.memory_space<hbm>>
    %dma_wait3A_274 = arith.constant 0 : i32
    %dma_wait3A_275 = tpu.memref_slice %arg9[%dma_wait3A_269, %dma_wait3A_274] : memref<4x128xi32, #tpu.memory_space<vmem>> -> memref<1x128xi32, #tpu.memory_space<vmem>>
    %dma_wait3A_276 = tpu.memref_squeeze %dma_wait3A_275 : memref<1x128xi32, #tpu.memory_space<vmem>> -> memref<128xi32, #tpu.memory_space<vmem>>
    %dma_wait3A_277 = tpu.memref_slice %arg3[%add3A_65] : memref<16384xi32, #tpu.memory_space<hbm>> -> memref<128xi32, #tpu.memory_space<hbm>>
    tpu.wait_dma2 semaphore(%arg14 : memref<!tpu.dma_semaphore, #tpu.memory_space<semaphore_mem>>) src(%dma_wait3A_277 : memref<128xi32, #tpu.memory_space<hbm>>) dst(%dma_wait3A_276 : memref<128xi32, #tpu.memory_space<vmem>>)
    %dma_wait3A_278 = arith.constant 2 : i32
    %dma_wait3A_279 = arith.constant 0 : i32
    %dma_wait3A_280 = tpu.memref_slice %arg10[%dma_wait3A_278, %dma_wait3A_279] : memref<4x128xi32, #tpu.memory_space<vmem>> -> memref<1x128xi32, #tpu.memory_space<vmem>>
    %dma_wait3A_281 = tpu.memref_squeeze %dma_wait3A_280 : memref<1x128xi32, #tpu.memory_space<vmem>> -> memref<128xi32, #tpu.memory_space<vmem>>
    %dma_wait3A_282 = tpu.memref_slice %arg5[%add3A_65] : memref<16384xi32, #tpu.memory_space<hbm>> -> memref<128xi32, #tpu.memory_space<hbm>>
    %dma_wait3A_283 = arith.constant 0 : i32
    %dma_wait3A_284 = tpu.memref_slice %arg10[%dma_wait3A_278, %dma_wait3A_283] : memref<4x128xi32, #tpu.memory_space<vmem>> -> memref<1x128xi32, #tpu.memory_space<vmem>>
    %dma_wait3A_285 = tpu.memref_squeeze %dma_wait3A_284 : memref<1x128xi32, #tpu.memory_space<vmem>> -> memref<128xi32, #tpu.memory_space<vmem>>
    %dma_wait3A_286 = tpu.memref_slice %arg5[%add3A_65] : memref<16384xi32, #tpu.memory_space<hbm>> -> memref<128xi32, #tpu.memory_space<hbm>>
    tpu.wait_dma2 semaphore(%arg14 : memref<!tpu.dma_semaphore, #tpu.memory_space<semaphore_mem>>) src(%dma_wait3A_286 : memref<128xi32, #tpu.memory_space<hbm>>) dst(%dma_wait3A_285 : memref<128xi32, #tpu.memory_space<vmem>>)
    %dma_wait3A_287 = arith.constant 2 : i32
    %dma_wait3A_288 = arith.constant 0 : i32
    %dma_wait3A_289 = tpu.memref_slice %arg11[%dma_wait3A_287, %dma_wait3A_288] : memref<4x128xi32, #tpu.memory_space<vmem>> -> memref<1x128xi32, #tpu.memory_space<vmem>>
    %dma_wait3A_290 = tpu.memref_squeeze %dma_wait3A_289 : memref<1x128xi32, #tpu.memory_space<vmem>> -> memref<128xi32, #tpu.memory_space<vmem>>
    %dma_wait3A_291 = tpu.memref_slice %arg4[%add3A_65] : memref<16384xi32, #tpu.memory_space<hbm>> -> memref<128xi32, #tpu.memory_space<hbm>>
    %dma_wait3A_292 = arith.constant 0 : i32
    %dma_wait3A_293 = tpu.memref_slice %arg11[%dma_wait3A_287, %dma_wait3A_292] : memref<4x128xi32, #tpu.memory_space<vmem>> -> memref<1x128xi32, #tpu.memory_space<vmem>>
    %dma_wait3A_294 = tpu.memref_squeeze %dma_wait3A_293 : memref<1x128xi32, #tpu.memory_space<vmem>> -> memref<128xi32, #tpu.memory_space<vmem>>
    %dma_wait3A_295 = tpu.memref_slice %arg4[%add3A_65] : memref<16384xi32, #tpu.memory_space<hbm>> -> memref<128xi32, #tpu.memory_space<hbm>>
    tpu.wait_dma2 semaphore(%arg14 : memref<!tpu.dma_semaphore, #tpu.memory_space<semaphore_mem>>) src(%dma_wait3A_295 : memref<128xi32, #tpu.memory_space<hbm>>) dst(%dma_wait3A_294 : memref<128xi32, #tpu.memory_space<vmem>>)
    %dma_start3A_296 = arith.constant 2 : i32
    %dma_start3A_297 = arith.constant 0 : i32
    %dma_start3A_298 = tpu.memref_slice %arg9[%dma_start3A_296, %dma_start3A_297] : memref<4x128xi32, #tpu.memory_space<vmem>> -> memref<1x128xi32, #tpu.memory_space<vmem>>
    %dma_start3A_299 = tpu.memref_squeeze %dma_start3A_298 : memref<1x128xi32, #tpu.memory_space<vmem>> -> memref<128xi32, #tpu.memory_space<vmem>>
    %dma_start3A_300 = arith.constant 0 : i32
    %dma_start3A_301 = arith.constant 0 : i32
    %dma_start3A_302 = tpu.memref_slice %arg2[%dma_start3A_300, %dma_start3A_301] : memref<1000000x128xf32, #tpu.memory_space<hbm>> -> memref<1000000x128xf32, #tpu.memory_space<hbm>>
    tpu.enqueue_indirect_dma source(%dma_start3A_302 : memref<1000000x128xf32, #tpu.memory_space<hbm>>) target(%arg18 : memref<128x128xf32, #tpu.memory_space<vmem>>) offsets(%dma_start3A_299 : memref<128xi32, #tpu.memory_space<vmem>>) semaphore(%arg23 : memref<!tpu.dma_semaphore, #tpu.memory_space<semaphore_mem>>)
    %dma_start3A_303 = arith.constant 2 : i32
    %dma_start3A_304 = arith.constant 0 : i32
    %dma_start3A_305 = tpu.memref_slice %arg10[%dma_start3A_303, %dma_start3A_304] : memref<4x128xi32, #tpu.memory_space<vmem>> -> memref<1x128xi32, #tpu.memory_space<vmem>>
    %dma_start3A_306 = tpu.memref_squeeze %dma_start3A_305 : memref<1x128xi32, #tpu.memory_space<vmem>> -> memref<128xi32, #tpu.memory_space<vmem>>
    %dma_start3A_307 = arith.constant 0 : i32
    %dma_start3A_308 = arith.constant 0 : i32
    %dma_start3A_309 = tpu.memref_slice %arg2[%dma_start3A_307, %dma_start3A_308] : memref<1000000x128xf32, #tpu.memory_space<hbm>> -> memref<1000000x128xf32, #tpu.memory_space<hbm>>
    tpu.enqueue_indirect_dma source(%dma_start3A_309 : memref<1000000x128xf32, #tpu.memory_space<hbm>>) target(%arg19 : memref<128x128xf32, #tpu.memory_space<vmem>>) offsets(%dma_start3A_306 : memref<128xi32, #tpu.memory_space<vmem>>) semaphore(%arg23 : memref<!tpu.dma_semaphore, #tpu.memory_space<semaphore_mem>>)
    %dma_start3A_310 = arith.constant 2 : i32
    %dma_start3A_311 = arith.constant 0 : i32
    %dma_start3A_312 = tpu.memref_slice %arg11[%dma_start3A_310, %dma_start3A_311] : memref<4x128xi32, #tpu.memory_space<vmem>> -> memref<1x128xi32, #tpu.memory_space<vmem>>
    %dma_start3A_313 = tpu.memref_squeeze %dma_start3A_312 : memref<1x128xi32, #tpu.memory_space<vmem>> -> memref<128xi32, #tpu.memory_space<vmem>>
    %dma_start3A_314 = arith.constant 0 : i32
    %dma_start3A_315 = arith.constant 0 : i32
    %dma_start3A_316 = tpu.memref_slice %arg6[%dma_start3A_314, %dma_start3A_315] : memref<1000x64xbf16, #tpu.memory_space<hbm>> -> memref<1000x64xbf16, #tpu.memory_space<hbm>>
    tpu.enqueue_indirect_dma source(%dma_start3A_316 : memref<1000x64xbf16, #tpu.memory_space<hbm>>) target(%arg20 : memref<128x64xbf16, #tpu.memory_space<vmem>>) offsets(%dma_start3A_313 : memref<128xi32, #tpu.memory_space<vmem>>) semaphore(%arg23 : memref<!tpu.dma_semaphore, #tpu.memory_space<semaphore_mem>>)
    %dma_start3A_317 = arith.constant 2 : i32
    %dma_start3A_318 = arith.constant 0 : i32
    %dma_start3A_319 = tpu.memref_slice %arg11[%dma_start3A_317, %dma_start3A_318] : memref<4x128xi32, #tpu.memory_space<vmem>> -> memref<1x128xi32, #tpu.memory_space<vmem>>
    %dma_start3A_320 = tpu.memref_squeeze %dma_start3A_319 : memref<1x128xi32, #tpu.memory_space<vmem>> -> memref<128xi32, #tpu.memory_space<vmem>>
    %dma_start3A_321 = arith.constant 0 : i32
    %dma_start3A_322 = arith.constant 0 : i32
    %dma_start3A_323 = tpu.memref_slice %arg7[%dma_start3A_321, %dma_start3A_322] : memref<1000x64xbf16, #tpu.memory_space<hbm>> -> memref<1000x64xbf16, #tpu.memory_space<hbm>>
    tpu.enqueue_indirect_dma source(%dma_start3A_323 : memref<1000x64xbf16, #tpu.memory_space<hbm>>) target(%arg21 : memref<128x64xbf16, #tpu.memory_space<vmem>>) offsets(%dma_start3A_320 : memref<128xi32, #tpu.memory_space<vmem>>) semaphore(%arg23 : memref<!tpu.dma_semaphore, #tpu.memory_space<semaphore_mem>>)
    %dma_wait3A_324 = arith.constant 1 : i32
    %dma_wait3A_325 = arith.constant 0 : i32
    %dma_wait3A_326 = tpu.memref_slice %arg9[%dma_wait3A_324, %dma_wait3A_325] : memref<4x128xi32, #tpu.memory_space<vmem>> -> memref<1x128xi32, #tpu.memory_space<vmem>>
    %dma_wait3A_327 = tpu.memref_squeeze %dma_wait3A_326 : memref<1x128xi32, #tpu.memory_space<vmem>> -> memref<128xi32, #tpu.memory_space<vmem>>
    %dma_wait3A_328 = arith.constant 0 : i32
    %dma_wait3A_329 = arith.constant 0 : i32
    %dma_wait3A_330 = tpu.memref_slice %arg2[%dma_wait3A_328, %dma_wait3A_329] : memref<1000000x128xf32, #tpu.memory_space<hbm>> -> memref<1000000x128xf32, #tpu.memory_space<hbm>>
    tpu.wait_indirect_dma semaphore(%arg29 : memref<!tpu.dma_semaphore, #tpu.memory_space<semaphore_mem>>) src(%dma_wait3A_330 : memref<1000000x128xf32, #tpu.memory_space<hbm>>) dst(%arg24 : memref<128x128xf32, #tpu.memory_space<vmem>>)
    %dma_wait3A_331 = arith.constant 1 : i32
    %dma_wait3A_332 = arith.constant 0 : i32
    %dma_wait3A_333 = tpu.memref_slice %arg10[%dma_wait3A_331, %dma_wait3A_332] : memref<4x128xi32, #tpu.memory_space<vmem>> -> memref<1x128xi32, #tpu.memory_space<vmem>>
    %dma_wait3A_334 = tpu.memref_squeeze %dma_wait3A_333 : memref<1x128xi32, #tpu.memory_space<vmem>> -> memref<128xi32, #tpu.memory_space<vmem>>
    %dma_wait3A_335 = arith.constant 0 : i32
    %dma_wait3A_336 = arith.constant 0 : i32
    %dma_wait3A_337 = tpu.memref_slice %arg2[%dma_wait3A_335, %dma_wait3A_336] : memref<1000000x128xf32, #tpu.memory_space<hbm>> -> memref<1000000x128xf32, #tpu.memory_space<hbm>>
    tpu.wait_indirect_dma semaphore(%arg29 : memref<!tpu.dma_semaphore, #tpu.memory_space<semaphore_mem>>) src(%dma_wait3A_337 : memref<1000000x128xf32, #tpu.memory_space<hbm>>) dst(%arg25 : memref<128x128xf32, #tpu.memory_space<vmem>>)
    %dma_wait3A_338 = arith.constant 1 : i32
    %dma_wait3A_339 = arith.constant 0 : i32
    %dma_wait3A_340 = tpu.memref_slice %arg11[%dma_wait3A_338, %dma_wait3A_339] : memref<4x128xi32, #tpu.memory_space<vmem>> -> memref<1x128xi32, #tpu.memory_space<vmem>>
    %dma_wait3A_341 = tpu.memref_squeeze %dma_wait3A_340 : memref<1x128xi32, #tpu.memory_space<vmem>> -> memref<128xi32, #tpu.memory_space<vmem>>
    %dma_wait3A_342 = arith.constant 0 : i32
    %dma_wait3A_343 = arith.constant 0 : i32
    %dma_wait3A_344 = tpu.memref_slice %arg6[%dma_wait3A_342, %dma_wait3A_343] : memref<1000x64xbf16, #tpu.memory_space<hbm>> -> memref<1000x64xbf16, #tpu.memory_space<hbm>>
    tpu.wait_indirect_dma semaphore(%arg29 : memref<!tpu.dma_semaphore, #tpu.memory_space<semaphore_mem>>) src(%dma_wait3A_344 : memref<1000x64xbf16, #tpu.memory_space<hbm>>) dst(%arg26 : memref<128x64xbf16, #tpu.memory_space<vmem>>)
    %dma_wait3A_345 = arith.constant 1 : i32
    %dma_wait3A_346 = arith.constant 0 : i32
    %dma_wait3A_347 = tpu.memref_slice %arg11[%dma_wait3A_345, %dma_wait3A_346] : memref<4x128xi32, #tpu.memory_space<vmem>> -> memref<1x128xi32, #tpu.memory_space<vmem>>
    %dma_wait3A_348 = tpu.memref_squeeze %dma_wait3A_347 : memref<1x128xi32, #tpu.memory_space<vmem>> -> memref<128xi32, #tpu.memory_space<vmem>>
    %dma_wait3A_349 = arith.constant 0 : i32
    %dma_wait3A_350 = arith.constant 0 : i32
    %dma_wait3A_351 = tpu.memref_slice %arg7[%dma_wait3A_349, %dma_wait3A_350] : memref<1000x64xbf16, #tpu.memory_space<hbm>> -> memref<1000x64xbf16, #tpu.memory_space<hbm>>
    tpu.wait_indirect_dma semaphore(%arg29 : memref<!tpu.dma_semaphore, #tpu.memory_space<semaphore_mem>>) src(%dma_wait3A_351 : memref<1000x64xbf16, #tpu.memory_space<hbm>>) dst(%arg27 : memref<128x64xbf16, #tpu.memory_space<vmem>>)
    %parallel_loop3A_352 = arith.constant 0 : i32
    %parallel_loop3A_353 = arith.constant 8 : i32
    %parallel_loop3A_354 = arith.constant 1 : i32
    scf.for %parallel_loop3A_498 = %parallel_loop3A_352 to %parallel_loop3A_353 step %parallel_loop3A_354  : i32 {
      %parallel_loop3A_499 = arith.constant 16 : i32
      %parallel_loop3A_500 = arith.muli %parallel_loop3A_498, %parallel_loop3A_499 : i32
      %parallel_loop3A_501 = arith.constant 0.000000e+00 : f32
      %parallel_loop3A_502 = vector.broadcast %parallel_loop3A_501 : f32 to vector<16xf32>
      %parallel_loop3A_503 = arith.constant 0 : i32
      %parallel_loop3A_504 = arith.constant 16 : i32
      %parallel_loop3A_505 = arith.constant 1 : i32
      %parallel_loop3A_506 = scf.for %parallel_loop3A_509 = %parallel_loop3A_503 to %parallel_loop3A_504 step %parallel_loop3A_505 iter_args(%parallel_loop3A_510 = %parallel_loop3A_502) -> (vector<16xf32>)  : i32 {
        %parallel_loop3A_511 = arith.addi %parallel_loop3A_500, %parallel_loop3A_509 : i32
        %parallel_loop3A_512 = arith.constant 0.000000e+00 : f32
        %parallel_loop3A_513 = vector.broadcast %parallel_loop3A_512 : f32 to vector<16xf32>
        %parallel_loop3A_514 = arith.index_cast %parallel_loop3A_511 : i32 to index
        %parallel_loop3A_515 = arith.constant 0 : index
        %parallel_loop3A_516 = tpu.vector_load %arg26[%parallel_loop3A_514, %parallel_loop3A_515] {strides = array<i32>} : memref<128x64xbf16, #tpu.memory_space<vmem>>, vector<32xbf16>,
        %parallel_loop3A_517 = tpu.unpack_subelements %parallel_loop3A_516, 0 {pack_format = #tpu.pack_format<interleaved>} : vector<32xbf16> -> vector<16xf32>
        %parallel_loop3A_518 = tpu.unpack_subelements %parallel_loop3A_516, 1 {pack_format = #tpu.pack_format<interleaved>} : vector<32xbf16> -> vector<16xf32>
        %parallel_loop3A_519 = arith.index_cast %parallel_loop3A_511 : i32 to index
        %parallel_loop3A_520 = arith.constant 0 : index
        %parallel_loop3A_521 = tpu.vector_load %arg27[%parallel_loop3A_519, %parallel_loop3A_520] {strides = array<i32>} : memref<128x64xbf16, #tpu.memory_space<vmem>>, vector<32xbf16>,
        %parallel_loop3A_522 = tpu.unpack_subelements %parallel_loop3A_521, 0 {pack_format = #tpu.pack_format<interleaved>} : vector<32xbf16> -> vector<16xf32>
        %parallel_loop3A_523 = tpu.unpack_subelements %parallel_loop3A_521, 1 {pack_format = #tpu.pack_format<interleaved>} : vector<32xbf16> -> vector<16xf32>
        %parallel_loop3A_524 = arith.index_cast %parallel_loop3A_511 : i32 to index
        %parallel_loop3A_525 = arith.constant 0 : index
        %parallel_loop3A_526 = tpu.vector_load %arg24[%parallel_loop3A_524, %parallel_loop3A_525] {strides = array<i32>} : memref<128x128xf32, #tpu.memory_space<vmem>>, vector<16xf32>,
        %parallel_loop3A_527 = arith.index_cast %parallel_loop3A_511 : i32 to index
        %parallel_loop3A_528 = arith.constant 64 : index
        %parallel_loop3A_529 = tpu.vector_load %arg24[%parallel_loop3A_527, %parallel_loop3A_528] {strides = array<i32>} : memref<128x128xf32, #tpu.memory_space<vmem>>, vector<16xf32>,
        %parallel_loop3A_530 = arith.index_cast %parallel_loop3A_511 : i32 to index
        %parallel_loop3A_531 = arith.constant 0 : index
        %parallel_loop3A_532 = tpu.vector_load %arg25[%parallel_loop3A_530, %parallel_loop3A_531] {strides = array<i32>} : memref<128x128xf32, #tpu.memory_space<vmem>>, vector<16xf32>,
        %parallel_loop3A_533 = arith.index_cast %parallel_loop3A_511 : i32 to index
        %parallel_loop3A_534 = arith.constant 64 : index
        %parallel_loop3A_535 = tpu.vector_load %arg25[%parallel_loop3A_533, %parallel_loop3A_534] {strides = array<i32>} : memref<128x128xf32, #tpu.memory_space<vmem>>, vector<16xf32>,
        %parallel_loop3A_536 = arith.mulf %parallel_loop3A_517, %parallel_loop3A_532 : vector<16xf32>
        %parallel_loop3A_537 = arith.mulf %parallel_loop3A_522, %parallel_loop3A_535 : vector<16xf32>
        %parallel_loop3A_538 = arith.addf %parallel_loop3A_536, %parallel_loop3A_537 : vector<16xf32>
        %parallel_loop3A_539 = arith.mulf %parallel_loop3A_526, %parallel_loop3A_538 : vector<16xf32>
        %parallel_loop3A_540 = arith.addf %parallel_loop3A_513, %parallel_loop3A_539 : vector<16xf32>
        %parallel_loop3A_541 = arith.mulf %parallel_loop3A_517, %parallel_loop3A_535 : vector<16xf32>
        %parallel_loop3A_542 = arith.mulf %parallel_loop3A_522, %parallel_loop3A_532 : vector<16xf32>
        %parallel_loop3A_543 = arith.subf %parallel_loop3A_541, %parallel_loop3A_542 : vector<16xf32>
        %parallel_loop3A_544 = arith.mulf %parallel_loop3A_529, %parallel_loop3A_543 : vector<16xf32>
        %parallel_loop3A_545 = arith.addf %parallel_loop3A_540, %parallel_loop3A_544 : vector<16xf32>
        %parallel_loop3A_546 = arith.index_cast %parallel_loop3A_511 : i32 to index
        %parallel_loop3A_547 = arith.constant 16 : index
        %parallel_loop3A_548 = tpu.vector_load %arg24[%parallel_loop3A_546, %parallel_loop3A_547] {strides = array<i32>} : memref<128x128xf32, #tpu.memory_space<vmem>>, vector<16xf32>,
        %parallel_loop3A_549 = arith.index_cast %parallel_loop3A_511 : i32 to index
        %parallel_loop3A_550 = arith.constant 80 : index
        %parallel_loop3A_551 = tpu.vector_load %arg24[%parallel_loop3A_549, %parallel_loop3A_550] {strides = array<i32>} : memref<128x128xf32, #tpu.memory_space<vmem>>, vector<16xf32>,
        %parallel_loop3A_552 = arith.index_cast %parallel_loop3A_511 : i32 to index
        %parallel_loop3A_553 = arith.constant 16 : index
        %parallel_loop3A_554 = tpu.vector_load %arg25[%parallel_loop3A_552, %parallel_loop3A_553] {strides = array<i32>} : memref<128x128xf32, #tpu.memory_space<vmem>>, vector<16xf32>,
        %parallel_loop3A_555 = arith.index_cast %parallel_loop3A_511 : i32 to index
        %parallel_loop3A_556 = arith.constant 80 : index
        %parallel_loop3A_557 = tpu.vector_load %arg25[%parallel_loop3A_555, %parallel_loop3A_556] {strides = array<i32>} : memref<128x128xf32, #tpu.memory_space<vmem>>, vector<16xf32>,
        %parallel_loop3A_558 = arith.mulf %parallel_loop3A_518, %parallel_loop3A_554 : vector<16xf32>
        %parallel_loop3A_559 = arith.mulf %parallel_loop3A_523, %parallel_loop3A_557 : vector<16xf32>
        %parallel_loop3A_560 = arith.addf %parallel_loop3A_558, %parallel_loop3A_559 : vector<16xf32>
        %parallel_loop3A_561 = arith.mulf %parallel_loop3A_548, %parallel_loop3A_560 : vector<16xf32>
        %parallel_loop3A_562 = arith.addf %parallel_loop3A_545, %parallel_loop3A_561 : vector<16xf32>
        %parallel_loop3A_563 = arith.mulf %parallel_loop3A_518, %parallel_loop3A_557 : vector<16xf32>
        %parallel_loop3A_564 = arith.mulf %parallel_loop3A_523, %parallel_loop3A_554 : vector<16xf32>
        %parallel_loop3A_565 = arith.subf %parallel_loop3A_563, %parallel_loop3A_564 : vector<16xf32>
        %parallel_loop3A_566 = arith.mulf %parallel_loop3A_551, %parallel_loop3A_565 : vector<16xf32>
        %parallel_loop3A_567 = arith.addf %parallel_loop3A_562, %parallel_loop3A_566 : vector<16xf32>
        %parallel_loop3A_568 = arith.index_cast %parallel_loop3A_511 : i32 to index
        %parallel_loop3A_569 = arith.constant 32 : index
        %parallel_loop3A_570 = tpu.vector_load %arg26[%parallel_loop3A_568, %parallel_loop3A_569] {strides = array<i32>} : memref<128x64xbf16, #tpu.memory_space<vmem>>, vector<32xbf16>,
        %parallel_loop3A_571 = tpu.unpack_subelements %parallel_loop3A_570, 0 {pack_format = #tpu.pack_format<interleaved>} : vector<32xbf16> -> vector<16xf32>
        %parallel_loop3A_572 = tpu.unpack_subelements %parallel_loop3A_570, 1 {pack_format = #tpu.pack_format<interleaved>} : vector<32xbf16> -> vector<16xf32>
        %parallel_loop3A_573 = arith.index_cast %parallel_loop3A_511 : i32 to index
        %parallel_loop3A_574 = arith.constant 32 : index
        %parallel_loop3A_575 = tpu.vector_load %arg27[%parallel_loop3A_573, %parallel_loop3A_574] {strides = array<i32>} : memref<128x64xbf16, #tpu.memory_space<vmem>>, vector<32xbf16>,
        %parallel_loop3A_576 = tpu.unpack_subelements %parallel_loop3A_575, 0 {pack_format = #tpu.pack_format<interleaved>} : vector<32xbf16> -> vector<16xf32>
        %parallel_loop3A_577 = tpu.unpack_subelements %parallel_loop3A_575, 1 {pack_format = #tpu.pack_format<interleaved>} : vector<32xbf16> -> vector<16xf32>
        %parallel_loop3A_578 = arith.index_cast %parallel_loop3A_511 : i32 to index
        %parallel_loop3A_579 = arith.constant 32 : index
        %parallel_loop3A_580 = tpu.vector_load %arg24[%parallel_loop3A_578, %parallel_loop3A_579] {strides = array<i32>} : memref<128x128xf32, #tpu.memory_space<vmem>>, vector<16xf32>,
        %parallel_loop3A_581 = arith.index_cast %parallel_loop3A_511 : i32 to index
        %parallel_loop3A_582 = arith.constant 96 : index
        %parallel_loop3A_583 = tpu.vector_load %arg24[%parallel_loop3A_581, %parallel_loop3A_582] {strides = array<i32>} : memref<128x128xf32, #tpu.memory_space<vmem>>, vector<16xf32>,
        %parallel_loop3A_584 = arith.index_cast %parallel_loop3A_511 : i32 to index
        %parallel_loop3A_585 = arith.constant 32 : index
        %parallel_loop3A_586 = tpu.vector_load %arg25[%parallel_loop3A_584, %parallel_loop3A_585] {strides = array<i32>} : memref<128x128xf32, #tpu.memory_space<vmem>>, vector<16xf32>,
        %parallel_loop3A_587 = arith.index_cast %parallel_loop3A_511 : i32 to index
        %parallel_loop3A_588 = arith.constant 96 : index
        %parallel_loop3A_589 = tpu.vector_load %arg25[%parallel_loop3A_587, %parallel_loop3A_588] {strides = array<i32>} : memref<128x128xf32, #tpu.memory_space<vmem>>, vector<16xf32>,
        %parallel_loop3A_590 = arith.mulf %parallel_loop3A_571, %parallel_loop3A_586 : vector<16xf32>
        %parallel_loop3A_591 = arith.mulf %parallel_loop3A_576, %parallel_loop3A_589 : vector<16xf32>
        %parallel_loop3A_592 = arith.addf %parallel_loop3A_590, %parallel_loop3A_591 : vector<16xf32>
        %parallel_loop3A_593 = arith.mulf %parallel_loop3A_580, %parallel_loop3A_592 : vector<16xf32>
        %parallel_loop3A_594 = arith.addf %parallel_loop3A_567, %parallel_loop3A_593 : vector<16xf32>
        %parallel_loop3A_595 = arith.mulf %parallel_loop3A_571, %parallel_loop3A_589 : vector<16xf32>
        %parallel_loop3A_596 = arith.mulf %parallel_loop3A_576, %parallel_loop3A_586 : vector<16xf32>
        %parallel_loop3A_597 = arith.subf %parallel_loop3A_595, %parallel_loop3A_596 : vector<16xf32>
        %parallel_loop3A_598 = arith.mulf %parallel_loop3A_583, %parallel_loop3A_597 : vector<16xf32>
        %parallel_loop3A_599 = arith.addf %parallel_loop3A_594, %parallel_loop3A_598 : vector<16xf32>
        %parallel_loop3A_600 = arith.index_cast %parallel_loop3A_511 : i32 to index
        %parallel_loop3A_601 = arith.constant 48 : index
        %parallel_loop3A_602 = tpu.vector_load %arg24[%parallel_loop3A_600, %parallel_loop3A_601] {strides = array<i32>} : memref<128x128xf32, #tpu.memory_space<vmem>>, vector<16xf32>,
        %parallel_loop3A_603 = arith.index_cast %parallel_loop3A_511 : i32 to index
        %parallel_loop3A_604 = arith.constant 112 : index
        %parallel_loop3A_605 = tpu.vector_load %arg24[%parallel_loop3A_603, %parallel_loop3A_604] {strides = array<i32>} : memref<128x128xf32, #tpu.memory_space<vmem>>, vector<16xf32>,
        %parallel_loop3A_606 = arith.index_cast %parallel_loop3A_511 : i32 to index
        %parallel_loop3A_607 = arith.constant 48 : index
        %parallel_loop3A_608 = tpu.vector_load %arg25[%parallel_loop3A_606, %parallel_loop3A_607] {strides = array<i32>} : memref<128x128xf32, #tpu.memory_space<vmem>>, vector<16xf32>,
        %parallel_loop3A_609 = arith.index_cast %parallel_loop3A_511 : i32 to index
        %parallel_loop3A_610 = arith.constant 112 : index
        %parallel_loop3A_611 = tpu.vector_load %arg25[%parallel_loop3A_609, %parallel_loop3A_610] {strides = array<i32>} : memref<128x128xf32, #tpu.memory_space<vmem>>, vector<16xf32>,
        %parallel_loop3A_612 = arith.mulf %parallel_loop3A_572, %parallel_loop3A_608 : vector<16xf32>
        %parallel_loop3A_613 = arith.mulf %parallel_loop3A_577, %parallel_loop3A_611 : vector<16xf32>
        %parallel_loop3A_614 = arith.addf %parallel_loop3A_612, %parallel_loop3A_613 : vector<16xf32>
        %parallel_loop3A_615 = arith.mulf %parallel_loop3A_602, %parallel_loop3A_614 : vector<16xf32>
        %parallel_loop3A_616 = arith.addf %parallel_loop3A_599, %parallel_loop3A_615 : vector<16xf32>
        %parallel_loop3A_617 = arith.mulf %parallel_loop3A_572, %parallel_loop3A_611 : vector<16xf32>
        %parallel_loop3A_618 = arith.mulf %parallel_loop3A_577, %parallel_loop3A_608 : vector<16xf32>
        %parallel_loop3A_619 = arith.subf %parallel_loop3A_617, %parallel_loop3A_618 : vector<16xf32>
        %parallel_loop3A_620 = arith.mulf %parallel_loop3A_605, %parallel_loop3A_619 : vector<16xf32>
        %parallel_loop3A_621 = arith.addf %parallel_loop3A_616, %parallel_loop3A_620 : vector<16xf32>
        %parallel_loop3A_622 = arith.constant true
        %parallel_loop3A_623 = vector.broadcast %parallel_loop3A_622 : i1 to vector<16xi1>
        %parallel_loop3A_624 = tpu.scan <sum>, %parallel_loop3A_621 masked %parallel_loop3A_623 : vector<16xf32>, vector<16xi1> -> vector<16xf32>
        %parallel_loop3A_625 = vector.extract %parallel_loop3A_624[15] : f32 from vector<16xf32>
        %parallel_loop3A_626 = vector.broadcast %parallel_loop3A_509 : i32 to vector<16xi32>
        %parallel_loop3A_627 = arith.cmpi eq, %iota3A, %parallel_loop3A_626 : vector<16xi32>
        %parallel_loop3A_628 = arith.constant 0.000000e+00 : f32
        %parallel_loop3A_629 = vector.broadcast %parallel_loop3A_625 : f32 to vector<16xf32>
        %parallel_loop3A_630 = vector.broadcast %parallel_loop3A_628 : f32 to vector<16xf32>
        %parallel_loop3A_631 = arith.select %parallel_loop3A_627, %parallel_loop3A_629, %parallel_loop3A_630 : vector<16xi1>, vector<16xf32>
        %parallel_loop3A_632 = arith.addf %parallel_loop3A_510, %parallel_loop3A_631 : vector<16xf32>
        scf.yield %parallel_loop3A_632 : vector<16xf32>
      } {sc.loop_unroll_factor = 8 : i64, sc.parallel_access}
      %parallel_loop3A_507 = arith.index_cast %parallel_loop3A_500 : i32 to index
      %parallel_loop3A_508 = tpu.vector_load %arg28[%parallel_loop3A_507] {strides = array<i32>} : memref<128xf32, #tpu.memory_space<vmem>>, vector<16xf32>,
      tpu.vector_store %arg28[%parallel_loop3A_507], %parallel_loop3A_506 {strides = array<i32>} : memref<128xf32, #tpu.memory_space<vmem>>, vector<16xf32>,
    } {sc.loop_unroll_factor = 1 : i64, sc.parallel_access}
    %mul3A_355 = arith.constant 512 : i32
    %mul3A_356 = arith.muli %add3A, %mul3A_355 : i32
    %add3A_357 = arith.constant 128 : i32
    %add3A_358 = arith.addi %mul3A_356, %add3A_357 : i32
    %dma_start3A_359 = tpu.memref_slice %arg8[%add3A_358] : memref<16384xf32, #tpu.memory_space<hbm>> -> memref<128xf32, #tpu.memory_space<hbm>>
    %dma_start3A_360 = tpu.memref_slice %arg8[%add3A_358] : memref<16384xf32, #tpu.memory_space<hbm>> -> memref<128xf32, #tpu.memory_space<hbm>>
    tpu.enqueue_dma source(%arg28 : memref<128xf32, #tpu.memory_space<vmem>>) target(%dma_start3A_360 : memref<128xf32, #tpu.memory_space<hbm>>) target_semaphore(%arg17 : memref<!tpu.dma_semaphore, #tpu.memory_space<semaphore_mem>>)
    %dma_wait3A_361 = arith.constant 3 : i32
    %dma_wait3A_362 = arith.constant 0 : i32
    %dma_wait3A_363 = tpu.memref_slice %arg9[%dma_wait3A_361, %dma_wait3A_362] : memref<4x128xi32, #tpu.memory_space<vmem>> -> memref<1x128xi32, #tpu.memory_space<vmem>>
    %dma_wait3A_364 = tpu.memref_squeeze %dma_wait3A_363 : memref<1x128xi32, #tpu.memory_space<vmem>> -> memref<128xi32, #tpu.memory_space<vmem>>
    %dma_wait3A_365 = tpu.memref_slice %arg3[%add3A_96] : memref<16384xi32, #tpu.memory_space<hbm>> -> memref<128xi32, #tpu.memory_space<hbm>>
    %dma_wait3A_366 = arith.constant 0 : i32
    %dma_wait3A_367 = tpu.memref_slice %arg9[%dma_wait3A_361, %dma_wait3A_366] : memref<4x128xi32, #tpu.memory_space<vmem>> -> memref<1x128xi32, #tpu.memory_space<vmem>>
    %dma_wait3A_368 = tpu.memref_squeeze %dma_wait3A_367 : memref<1x128xi32, #tpu.memory_space<vmem>> -> memref<128xi32, #tpu.memory_space<vmem>>
    %dma_wait3A_369 = tpu.memref_slice %arg3[%add3A_96] : memref<16384xi32, #tpu.memory_space<hbm>> -> memref<128xi32, #tpu.memory_space<hbm>>
    tpu.wait_dma2 semaphore(%arg15 : memref<!tpu.dma_semaphore, #tpu.memory_space<semaphore_mem>>) src(%dma_wait3A_369 : memref<128xi32, #tpu.memory_space<hbm>>) dst(%dma_wait3A_368 : memref<128xi32, #tpu.memory_space<vmem>>)
    %dma_wait3A_370 = arith.constant 3 : i32
    %dma_wait3A_371 = arith.constant 0 : i32
    %dma_wait3A_372 = tpu.memref_slice %arg10[%dma_wait3A_370, %dma_wait3A_371] : memref<4x128xi32, #tpu.memory_space<vmem>> -> memref<1x128xi32, #tpu.memory_space<vmem>>
    %dma_wait3A_373 = tpu.memref_squeeze %dma_wait3A_372 : memref<1x128xi32, #tpu.memory_space<vmem>> -> memref<128xi32, #tpu.memory_space<vmem>>
    %dma_wait3A_374 = tpu.memref_slice %arg5[%add3A_96] : memref<16384xi32, #tpu.memory_space<hbm>> -> memref<128xi32, #tpu.memory_space<hbm>>
    %dma_wait3A_375 = arith.constant 0 : i32
    %dma_wait3A_376 = tpu.memref_slice %arg10[%dma_wait3A_370, %dma_wait3A_375] : memref<4x128xi32, #tpu.memory_space<vmem>> -> memref<1x128xi32, #tpu.memory_space<vmem>>
    %dma_wait3A_377 = tpu.memref_squeeze %dma_wait3A_376 : memref<1x128xi32, #tpu.memory_space<vmem>> -> memref<128xi32, #tpu.memory_space<vmem>>
    %dma_wait3A_378 = tpu.memref_slice %arg5[%add3A_96] : memref<16384xi32, #tpu.memory_space<hbm>> -> memref<128xi32, #tpu.memory_space<hbm>>
    tpu.wait_dma2 semaphore(%arg15 : memref<!tpu.dma_semaphore, #tpu.memory_space<semaphore_mem>>) src(%dma_wait3A_378 : memref<128xi32, #tpu.memory_space<hbm>>) dst(%dma_wait3A_377 : memref<128xi32, #tpu.memory_space<vmem>>)
    %dma_wait3A_379 = arith.constant 3 : i32
    %dma_wait3A_380 = arith.constant 0 : i32
    %dma_wait3A_381 = tpu.memref_slice %arg11[%dma_wait3A_379, %dma_wait3A_380] : memref<4x128xi32, #tpu.memory_space<vmem>> -> memref<1x128xi32, #tpu.memory_space<vmem>>
    %dma_wait3A_382 = tpu.memref_squeeze %dma_wait3A_381 : memref<1x128xi32, #tpu.memory_space<vmem>> -> memref<128xi32, #tpu.memory_space<vmem>>
    %dma_wait3A_383 = tpu.memref_slice %arg4[%add3A_96] : memref<16384xi32, #tpu.memory_space<hbm>> -> memref<128xi32, #tpu.memory_space<hbm>>
    %dma_wait3A_384 = arith.constant 0 : i32
    %dma_wait3A_385 = tpu.memref_slice %arg11[%dma_wait3A_379, %dma_wait3A_384] : memref<4x128xi32, #tpu.memory_space<vmem>> -> memref<1x128xi32, #tpu.memory_space<vmem>>
    %dma_wait3A_386 = tpu.memref_squeeze %dma_wait3A_385 : memref<1x128xi32, #tpu.memory_space<vmem>> -> memref<128xi32, #tpu.memory_space<vmem>>
    %dma_wait3A_387 = tpu.memref_slice %arg4[%add3A_96] : memref<16384xi32, #tpu.memory_space<hbm>> -> memref<128xi32, #tpu.memory_space<hbm>>
    tpu.wait_dma2 semaphore(%arg15 : memref<!tpu.dma_semaphore, #tpu.memory_space<semaphore_mem>>) src(%dma_wait3A_387 : memref<128xi32, #tpu.memory_space<hbm>>) dst(%dma_wait3A_386 : memref<128xi32, #tpu.memory_space<vmem>>)
    %dma_start3A_388 = arith.constant 3 : i32
    %dma_start3A_389 = arith.constant 0 : i32
    %dma_start3A_390 = tpu.memref_slice %arg9[%dma_start3A_388, %dma_start3A_389] : memref<4x128xi32, #tpu.memory_space<vmem>> -> memref<1x128xi32, #tpu.memory_space<vmem>>
    %dma_start3A_391 = tpu.memref_squeeze %dma_start3A_390 : memref<1x128xi32, #tpu.memory_space<vmem>> -> memref<128xi32, #tpu.memory_space<vmem>>
    %dma_start3A_392 = arith.constant 0 : i32
    %dma_start3A_393 = arith.constant 0 : i32
    %dma_start3A_394 = tpu.memref_slice %arg2[%dma_start3A_392, %dma_start3A_393] : memref<1000000x128xf32, #tpu.memory_space<hbm>> -> memref<1000000x128xf32, #tpu.memory_space<hbm>>
    tpu.enqueue_indirect_dma source(%dma_start3A_394 : memref<1000000x128xf32, #tpu.memory_space<hbm>>) target(%arg24 : memref<128x128xf32, #tpu.memory_space<vmem>>) offsets(%dma_start3A_391 : memref<128xi32, #tpu.memory_space<vmem>>) semaphore(%arg29 : memref<!tpu.dma_semaphore, #tpu.memory_space<semaphore_mem>>)
    %dma_start3A_395 = arith.constant 3 : i32
    %dma_start3A_396 = arith.constant 0 : i32
    %dma_start3A_397 = tpu.memref_slice %arg10[%dma_start3A_395, %dma_start3A_396] : memref<4x128xi32, #tpu.memory_space<vmem>> -> memref<1x128xi32, #tpu.memory_space<vmem>>
    %dma_start3A_398 = tpu.memref_squeeze %dma_start3A_397 : memref<1x128xi32, #tpu.memory_space<vmem>> -> memref<128xi32, #tpu.memory_space<vmem>>
    %dma_start3A_399 = arith.constant 0 : i32
    %dma_start3A_400 = arith.constant 0 : i32
    %dma_start3A_401 = tpu.memref_slice %arg2[%dma_start3A_399, %dma_start3A_400] : memref<1000000x128xf32, #tpu.memory_space<hbm>> -> memref<1000000x128xf32, #tpu.memory_space<hbm>>
    tpu.enqueue_indirect_dma source(%dma_start3A_401 : memref<1000000x128xf32, #tpu.memory_space<hbm>>) target(%arg25 : memref<128x128xf32, #tpu.memory_space<vmem>>) offsets(%dma_start3A_398 : memref<128xi32, #tpu.memory_space<vmem>>) semaphore(%arg29 : memref<!tpu.dma_semaphore, #tpu.memory_space<semaphore_mem>>)
    %dma_start3A_402 = arith.constant 3 : i32
    %dma_start3A_403 = arith.constant 0 : i32
    %dma_start3A_404 = tpu.memref_slice %arg11[%dma_start3A_402, %dma_start3A_403] : memref<4x128xi32, #tpu.memory_space<vmem>> -> memref<1x128xi32, #tpu.memory_space<vmem>>
    %dma_start3A_405 = tpu.memref_squeeze %dma_start3A_404 : memref<1x128xi32, #tpu.memory_space<vmem>> -> memref<128xi32, #tpu.memory_space<vmem>>
    %dma_start3A_406 = arith.constant 0 : i32
    %dma_start3A_407 = arith.constant 0 : i32
    %dma_start3A_408 = tpu.memref_slice %arg6[%dma_start3A_406, %dma_start3A_407] : memref<1000x64xbf16, #tpu.memory_space<hbm>> -> memref<1000x64xbf16, #tpu.memory_space<hbm>>
    tpu.enqueue_indirect_dma source(%dma_start3A_408 : memref<1000x64xbf16, #tpu.memory_space<hbm>>) target(%arg26 : memref<128x64xbf16, #tpu.memory_space<vmem>>) offsets(%dma_start3A_405 : memref<128xi32, #tpu.memory_space<vmem>>) semaphore(%arg29 : memref<!tpu.dma_semaphore, #tpu.memory_space<semaphore_mem>>)
    %dma_start3A_409 = arith.constant 3 : i32
    %dma_start3A_410 = arith.constant 0 : i32
    %dma_start3A_411 = tpu.memref_slice %arg11[%dma_start3A_409, %dma_start3A_410] : memref<4x128xi32, #tpu.memory_space<vmem>> -> memref<1x128xi32, #tpu.memory_space<vmem>>
    %dma_start3A_412 = tpu.memref_squeeze %dma_start3A_411 : memref<1x128xi32, #tpu.memory_space<vmem>> -> memref<128xi32, #tpu.memory_space<vmem>>
    %dma_start3A_413 = arith.constant 0 : i32
    %dma_start3A_414 = arith.constant 0 : i32
    %dma_start3A_415 = tpu.memref_slice %arg7[%dma_start3A_413, %dma_start3A_414] : memref<1000x64xbf16, #tpu.memory_space<hbm>> -> memref<1000x64xbf16, #tpu.memory_space<hbm>>
    tpu.enqueue_indirect_dma source(%dma_start3A_415 : memref<1000x64xbf16, #tpu.memory_space<hbm>>) target(%arg27 : memref<128x64xbf16, #tpu.memory_space<vmem>>) offsets(%dma_start3A_412 : memref<128xi32, #tpu.memory_space<vmem>>) semaphore(%arg29 : memref<!tpu.dma_semaphore, #tpu.memory_space<semaphore_mem>>)
    %dma_wait3A_416 = arith.constant 2 : i32
    %dma_wait3A_417 = arith.constant 0 : i32
    %dma_wait3A_418 = tpu.memref_slice %arg9[%dma_wait3A_416, %dma_wait3A_417] : memref<4x128xi32, #tpu.memory_space<vmem>> -> memref<1x128xi32, #tpu.memory_space<vmem>>
    %dma_wait3A_419 = tpu.memref_squeeze %dma_wait3A_418 : memref<1x128xi32, #tpu.memory_space<vmem>> -> memref<128xi32, #tpu.memory_space<vmem>>
    %dma_wait3A_420 = arith.constant 0 : i32
    %dma_wait3A_421 = arith.constant 0 : i32
    %dma_wait3A_422 = tpu.memref_slice %arg2[%dma_wait3A_420, %dma_wait3A_421] : memref<1000000x128xf32, #tpu.memory_space<hbm>> -> memref<1000000x128xf32, #tpu.memory_space<hbm>>
    tpu.wait_indirect_dma semaphore(%arg23 : memref<!tpu.dma_semaphore, #tpu.memory_space<semaphore_mem>>) src(%dma_wait3A_422 : memref<1000000x128xf32, #tpu.memory_space<hbm>>) dst(%arg18 : memref<128x128xf32, #tpu.memory_space<vmem>>)
    %dma_wait3A_423 = arith.constant 2 : i32
    %dma_wait3A_424 = arith.constant 0 : i32
    %dma_wait3A_425 = tpu.memref_slice %arg10[%dma_wait3A_423, %dma_wait3A_424] : memref<4x128xi32, #tpu.memory_space<vmem>> -> memref<1x128xi32, #tpu.memory_space<vmem>>
    %dma_wait3A_426 = tpu.memref_squeeze %dma_wait3A_425 : memref<1x128xi32, #tpu.memory_space<vmem>> -> memref<128xi32, #tpu.memory_space<vmem>>
    %dma_wait3A_427 = arith.constant 0 : i32
    %dma_wait3A_428 = arith.constant 0 : i32
    %dma_wait3A_429 = tpu.memref_slice %arg2[%dma_wait3A_427, %dma_wait3A_428] : memref<1000000x128xf32, #tpu.memory_space<hbm>> -> memref<1000000x128xf32, #tpu.memory_space<hbm>>
    tpu.wait_indirect_dma semaphore(%arg23 : memref<!tpu.dma_semaphore, #tpu.memory_space<semaphore_mem>>) src(%dma_wait3A_429 : memref<1000000x128xf32, #tpu.memory_space<hbm>>) dst(%arg19 : memref<128x128xf32, #tpu.memory_space<vmem>>)
    %dma_wait3A_430 = arith.constant 2 : i32
    %dma_wait3A_431 = arith.constant 0 : i32
    %dma_wait3A_432 = tpu.memref_slice %arg11[%dma_wait3A_430, %dma_wait3A_431] : memref<4x128xi32, #tpu.memory_space<vmem>> -> memref<1x128xi32, #tpu.memory_space<vmem>>
    %dma_wait3A_433 = tpu.memref_squeeze %dma_wait3A_432 : memref<1x128xi32, #tpu.memory_space<vmem>> -> memref<128xi32, #tpu.memory_space<vmem>>
    %dma_wait3A_434 = arith.constant 0 : i32
    %dma_wait3A_435 = arith.constant 0 : i32
    %dma_wait3A_436 = tpu.memref_slice %arg6[%dma_wait3A_434, %dma_wait3A_435] : memref<1000x64xbf16, #tpu.memory_space<hbm>> -> memref<1000x64xbf16, #tpu.memory_space<hbm>>
    tpu.wait_indirect_dma semaphore(%arg23 : memref<!tpu.dma_semaphore, #tpu.memory_space<semaphore_mem>>) src(%dma_wait3A_436 : memref<1000x64xbf16, #tpu.memory_space<hbm>>) dst(%arg20 : memref<128x64xbf16, #tpu.memory_space<vmem>>)
    %dma_wait3A_437 = arith.constant 2 : i32
    %dma_wait3A_438 = arith.constant 0 : i32
    %dma_wait3A_439 = tpu.memref_slice %arg11[%dma_wait3A_437, %dma_wait3A_438] : memref<4x128xi32, #tpu.memory_space<vmem>> -> memref<1x128xi32, #tpu.memory_space<vmem>>
    %dma_wait3A_440 = tpu.memref_squeeze %dma_wait3A_439 : memref<1x128xi32, #tpu.memory_space<vmem>> -> memref<128xi32, #tpu.memory_space<vmem>>
    %dma_wait3A_441 = arith.constant 0 : i32
    %dma_wait3A_442 = arith.constant 0 : i32
    %dma_wait3A_443 = tpu.memref_slice %arg7[%dma_wait3A_441, %dma_wait3A_442] : memref<1000x64xbf16, #tpu.memory_space<hbm>> -> memref<1000x64xbf16, #tpu.memory_space<hbm>>
    tpu.wait_indirect_dma semaphore(%arg23 : memref<!tpu.dma_semaphore, #tpu.memory_space<semaphore_mem>>) src(%dma_wait3A_443 : memref<1000x64xbf16, #tpu.memory_space<hbm>>) dst(%arg21 : memref<128x64xbf16, #tpu.memory_space<vmem>>)
    %dma_wait3A_444 = tpu.memref_slice %arg8[%add3A_266] : memref<16384xf32, #tpu.memory_space<hbm>> -> memref<128xf32, #tpu.memory_space<hbm>>
    %dma_wait3A_445 = tpu.memref_slice %arg8[%add3A_266] : memref<16384xf32, #tpu.memory_space<hbm>> -> memref<128xf32, #tpu.memory_space<hbm>>
    tpu.wait_dma2 semaphore(%arg16 : memref<!tpu.dma_semaphore, #tpu.memory_space<semaphore_mem>>) src(%arg22 : memref<128xf32, #tpu.memory_space<vmem>>) dst(%dma_wait3A_445 : memref<128xf32, #tpu.memory_space<hbm>>)
    %parallel_loop3A_446 = arith.constant 0 : i32
    %parallel_loop3A_447 = arith.constant 8 : i32
    %parallel_loop3A_448 = arith.constant 1 : i32
    scf.for %parallel_loop3A_498 = %parallel_loop3A_446 to %parallel_loop3A_447 step %parallel_loop3A_448  : i32 {
      %parallel_loop3A_499 = arith.constant 16 : i32
      %parallel_loop3A_500 = arith.muli %parallel_loop3A_498, %parallel_loop3A_499 : i32
      %parallel_loop3A_501 = arith.constant 0.000000e+00 : f32
      %parallel_loop3A_502 = vector.broadcast %parallel_loop3A_501 : f32 to vector<16xf32>
      %parallel_loop3A_503 = arith.constant 0 : i32
      %parallel_loop3A_504 = arith.constant 16 : i32
      %parallel_loop3A_505 = arith.constant 1 : i32
      %parallel_loop3A_506 = scf.for %parallel_loop3A_509 = %parallel_loop3A_503 to %parallel_loop3A_504 step %parallel_loop3A_505 iter_args(%parallel_loop3A_510 = %parallel_loop3A_502) -> (vector<16xf32>)  : i32 {
        %parallel_loop3A_511 = arith.addi %parallel_loop3A_500, %parallel_loop3A_509 : i32
        %parallel_loop3A_512 = arith.constant 0.000000e+00 : f32
        %parallel_loop3A_513 = vector.broadcast %parallel_loop3A_512 : f32 to vector<16xf32>
        %parallel_loop3A_514 = arith.index_cast %parallel_loop3A_511 : i32 to index
        %parallel_loop3A_515 = arith.constant 0 : index
        %parallel_loop3A_516 = tpu.vector_load %arg20[%parallel_loop3A_514, %parallel_loop3A_515] {strides = array<i32>} : memref<128x64xbf16, #tpu.memory_space<vmem>>, vector<32xbf16>,
        %parallel_loop3A_517 = tpu.unpack_subelements %parallel_loop3A_516, 0 {pack_format = #tpu.pack_format<interleaved>} : vector<32xbf16> -> vector<16xf32>
        %parallel_loop3A_518 = tpu.unpack_subelements %parallel_loop3A_516, 1 {pack_format = #tpu.pack_format<interleaved>} : vector<32xbf16> -> vector<16xf32>
        %parallel_loop3A_519 = arith.index_cast %parallel_loop3A_511 : i32 to index
        %parallel_loop3A_520 = arith.constant 0 : index
        %parallel_loop3A_521 = tpu.vector_load %arg21[%parallel_loop3A_519, %parallel_loop3A_520] {strides = array<i32>} : memref<128x64xbf16, #tpu.memory_space<vmem>>, vector<32xbf16>,
        %parallel_loop3A_522 = tpu.unpack_subelements %parallel_loop3A_521, 0 {pack_format = #tpu.pack_format<interleaved>} : vector<32xbf16> -> vector<16xf32>
        %parallel_loop3A_523 = tpu.unpack_subelements %parallel_loop3A_521, 1 {pack_format = #tpu.pack_format<interleaved>} : vector<32xbf16> -> vector<16xf32>
        %parallel_loop3A_524 = arith.index_cast %parallel_loop3A_511 : i32 to index
        %parallel_loop3A_525 = arith.constant 0 : index
        %parallel_loop3A_526 = tpu.vector_load %arg18[%parallel_loop3A_524, %parallel_loop3A_525] {strides = array<i32>} : memref<128x128xf32, #tpu.memory_space<vmem>>, vector<16xf32>,
        %parallel_loop3A_527 = arith.index_cast %parallel_loop3A_511 : i32 to index
        %parallel_loop3A_528 = arith.constant 64 : index
        %parallel_loop3A_529 = tpu.vector_load %arg18[%parallel_loop3A_527, %parallel_loop3A_528] {strides = array<i32>} : memref<128x128xf32, #tpu.memory_space<vmem>>, vector<16xf32>,
        %parallel_loop3A_530 = arith.index_cast %parallel_loop3A_511 : i32 to index
        %parallel_loop3A_531 = arith.constant 0 : index
        %parallel_loop3A_532 = tpu.vector_load %arg19[%parallel_loop3A_530, %parallel_loop3A_531] {strides = array<i32>} : memref<128x128xf32, #tpu.memory_space<vmem>>, vector<16xf32>,
        %parallel_loop3A_533 = arith.index_cast %parallel_loop3A_511 : i32 to index
        %parallel_loop3A_534 = arith.constant 64 : index
        %parallel_loop3A_535 = tpu.vector_load %arg19[%parallel_loop3A_533, %parallel_loop3A_534] {strides = array<i32>} : memref<128x128xf32, #tpu.memory_space<vmem>>, vector<16xf32>,
        %parallel_loop3A_536 = arith.mulf %parallel_loop3A_517, %parallel_loop3A_532 : vector<16xf32>
        %parallel_loop3A_537 = arith.mulf %parallel_loop3A_522, %parallel_loop3A_535 : vector<16xf32>
        %parallel_loop3A_538 = arith.addf %parallel_loop3A_536, %parallel_loop3A_537 : vector<16xf32>
        %parallel_loop3A_539 = arith.mulf %parallel_loop3A_526, %parallel_loop3A_538 : vector<16xf32>
        %parallel_loop3A_540 = arith.addf %parallel_loop3A_513, %parallel_loop3A_539 : vector<16xf32>
        %parallel_loop3A_541 = arith.mulf %parallel_loop3A_517, %parallel_loop3A_535 : vector<16xf32>
        %parallel_loop3A_542 = arith.mulf %parallel_loop3A_522, %parallel_loop3A_532 : vector<16xf32>
        %parallel_loop3A_543 = arith.subf %parallel_loop3A_541, %parallel_loop3A_542 : vector<16xf32>
        %parallel_loop3A_544 = arith.mulf %parallel_loop3A_529, %parallel_loop3A_543 : vector<16xf32>
        %parallel_loop3A_545 = arith.addf %parallel_loop3A_540, %parallel_loop3A_544 : vector<16xf32>
        %parallel_loop3A_546 = arith.index_cast %parallel_loop3A_511 : i32 to index
        %parallel_loop3A_547 = arith.constant 16 : index
        %parallel_loop3A_548 = tpu.vector_load %arg18[%parallel_loop3A_546, %parallel_loop3A_547] {strides = array<i32>} : memref<128x128xf32, #tpu.memory_space<vmem>>, vector<16xf32>,
        %parallel_loop3A_549 = arith.index_cast %parallel_loop3A_511 : i32 to index
        %parallel_loop3A_550 = arith.constant 80 : index
        %parallel_loop3A_551 = tpu.vector_load %arg18[%parallel_loop3A_549, %parallel_loop3A_550] {strides = array<i32>} : memref<128x128xf32, #tpu.memory_space<vmem>>, vector<16xf32>,
        %parallel_loop3A_552 = arith.index_cast %parallel_loop3A_511 : i32 to index
        %parallel_loop3A_553 = arith.constant 16 : index
        %parallel_loop3A_554 = tpu.vector_load %arg19[%parallel_loop3A_552, %parallel_loop3A_553] {strides = array<i32>} : memref<128x128xf32, #tpu.memory_space<vmem>>, vector<16xf32>,
        %parallel_loop3A_555 = arith.index_cast %parallel_loop3A_511 : i32 to index
        %parallel_loop3A_556 = arith.constant 80 : index
        %parallel_loop3A_557 = tpu.vector_load %arg19[%parallel_loop3A_555, %parallel_loop3A_556] {strides = array<i32>} : memref<128x128xf32, #tpu.memory_space<vmem>>, vector<16xf32>,
        %parallel_loop3A_558 = arith.mulf %parallel_loop3A_518, %parallel_loop3A_554 : vector<16xf32>
        %parallel_loop3A_559 = arith.mulf %parallel_loop3A_523, %parallel_loop3A_557 : vector<16xf32>
        %parallel_loop3A_560 = arith.addf %parallel_loop3A_558, %parallel_loop3A_559 : vector<16xf32>
        %parallel_loop3A_561 = arith.mulf %parallel_loop3A_548, %parallel_loop3A_560 : vector<16xf32>
        %parallel_loop3A_562 = arith.addf %parallel_loop3A_545, %parallel_loop3A_561 : vector<16xf32>
        %parallel_loop3A_563 = arith.mulf %parallel_loop3A_518, %parallel_loop3A_557 : vector<16xf32>
        %parallel_loop3A_564 = arith.mulf %parallel_loop3A_523, %parallel_loop3A_554 : vector<16xf32>
        %parallel_loop3A_565 = arith.subf %parallel_loop3A_563, %parallel_loop3A_564 : vector<16xf32>
        %parallel_loop3A_566 = arith.mulf %parallel_loop3A_551, %parallel_loop3A_565 : vector<16xf32>
        %parallel_loop3A_567 = arith.addf %parallel_loop3A_562, %parallel_loop3A_566 : vector<16xf32>
        %parallel_loop3A_568 = arith.index_cast %parallel_loop3A_511 : i32 to index
        %parallel_loop3A_569 = arith.constant 32 : index
        %parallel_loop3A_570 = tpu.vector_load %arg20[%parallel_loop3A_568, %parallel_loop3A_569] {strides = array<i32>} : memref<128x64xbf16, #tpu.memory_space<vmem>>, vector<32xbf16>,
        %parallel_loop3A_571 = tpu.unpack_subelements %parallel_loop3A_570, 0 {pack_format = #tpu.pack_format<interleaved>} : vector<32xbf16> -> vector<16xf32>
        %parallel_loop3A_572 = tpu.unpack_subelements %parallel_loop3A_570, 1 {pack_format = #tpu.pack_format<interleaved>} : vector<32xbf16> -> vector<16xf32>
        %parallel_loop3A_573 = arith.index_cast %parallel_loop3A_511 : i32 to index
        %parallel_loop3A_574 = arith.constant 32 : index
        %parallel_loop3A_575 = tpu.vector_load %arg21[%parallel_loop3A_573, %parallel_loop3A_574] {strides = array<i32>} : memref<128x64xbf16, #tpu.memory_space<vmem>>, vector<32xbf16>,
        %parallel_loop3A_576 = tpu.unpack_subelements %parallel_loop3A_575, 0 {pack_format = #tpu.pack_format<interleaved>} : vector<32xbf16> -> vector<16xf32>
        %parallel_loop3A_577 = tpu.unpack_subelements %parallel_loop3A_575, 1 {pack_format = #tpu.pack_format<interleaved>} : vector<32xbf16> -> vector<16xf32>
        %parallel_loop3A_578 = arith.index_cast %parallel_loop3A_511 : i32 to index
        %parallel_loop3A_579 = arith.constant 32 : index
        %parallel_loop3A_580 = tpu.vector_load %arg18[%parallel_loop3A_578, %parallel_loop3A_579] {strides = array<i32>} : memref<128x128xf32, #tpu.memory_space<vmem>>, vector<16xf32>,
        %parallel_loop3A_581 = arith.index_cast %parallel_loop3A_511 : i32 to index
        %parallel_loop3A_582 = arith.constant 96 : index
        %parallel_loop3A_583 = tpu.vector_load %arg18[%parallel_loop3A_581, %parallel_loop3A_582] {strides = array<i32>} : memref<128x128xf32, #tpu.memory_space<vmem>>, vector<16xf32>,
        %parallel_loop3A_584 = arith.index_cast %parallel_loop3A_511 : i32 to index
        %parallel_loop3A_585 = arith.constant 32 : index
        %parallel_loop3A_586 = tpu.vector_load %arg19[%parallel_loop3A_584, %parallel_loop3A_585] {strides = array<i32>} : memref<128x128xf32, #tpu.memory_space<vmem>>, vector<16xf32>,
        %parallel_loop3A_587 = arith.index_cast %parallel_loop3A_511 : i32 to index
        %parallel_loop3A_588 = arith.constant 96 : index
        %parallel_loop3A_589 = tpu.vector_load %arg19[%parallel_loop3A_587, %parallel_loop3A_588] {strides = array<i32>} : memref<128x128xf32, #tpu.memory_space<vmem>>, vector<16xf32>,
        %parallel_loop3A_590 = arith.mulf %parallel_loop3A_571, %parallel_loop3A_586 : vector<16xf32>
        %parallel_loop3A_591 = arith.mulf %parallel_loop3A_576, %parallel_loop3A_589 : vector<16xf32>
        %parallel_loop3A_592 = arith.addf %parallel_loop3A_590, %parallel_loop3A_591 : vector<16xf32>
        %parallel_loop3A_593 = arith.mulf %parallel_loop3A_580, %parallel_loop3A_592 : vector<16xf32>
        %parallel_loop3A_594 = arith.addf %parallel_loop3A_567, %parallel_loop3A_593 : vector<16xf32>
        %parallel_loop3A_595 = arith.mulf %parallel_loop3A_571, %parallel_loop3A_589 : vector<16xf32>
        %parallel_loop3A_596 = arith.mulf %parallel_loop3A_576, %parallel_loop3A_586 : vector<16xf32>
        %parallel_loop3A_597 = arith.subf %parallel_loop3A_595, %parallel_loop3A_596 : vector<16xf32>
        %parallel_loop3A_598 = arith.mulf %parallel_loop3A_583, %parallel_loop3A_597 : vector<16xf32>
        %parallel_loop3A_599 = arith.addf %parallel_loop3A_594, %parallel_loop3A_598 : vector<16xf32>
        %parallel_loop3A_600 = arith.index_cast %parallel_loop3A_511 : i32 to index
        %parallel_loop3A_601 = arith.constant 48 : index
        %parallel_loop3A_602 = tpu.vector_load %arg18[%parallel_loop3A_600, %parallel_loop3A_601] {strides = array<i32>} : memref<128x128xf32, #tpu.memory_space<vmem>>, vector<16xf32>,
        %parallel_loop3A_603 = arith.index_cast %parallel_loop3A_511 : i32 to index
        %parallel_loop3A_604 = arith.constant 112 : index
        %parallel_loop3A_605 = tpu.vector_load %arg18[%parallel_loop3A_603, %parallel_loop3A_604] {strides = array<i32>} : memref<128x128xf32, #tpu.memory_space<vmem>>, vector<16xf32>,
        %parallel_loop3A_606 = arith.index_cast %parallel_loop3A_511 : i32 to index
        %parallel_loop3A_607 = arith.constant 48 : index
        %parallel_loop3A_608 = tpu.vector_load %arg19[%parallel_loop3A_606, %parallel_loop3A_607] {strides = array<i32>} : memref<128x128xf32, #tpu.memory_space<vmem>>, vector<16xf32>,
        %parallel_loop3A_609 = arith.index_cast %parallel_loop3A_511 : i32 to index
        %parallel_loop3A_610 = arith.constant 112 : index
        %parallel_loop3A_611 = tpu.vector_load %arg19[%parallel_loop3A_609, %parallel_loop3A_610] {strides = array<i32>} : memref<128x128xf32, #tpu.memory_space<vmem>>, vector<16xf32>,
        %parallel_loop3A_612 = arith.mulf %parallel_loop3A_572, %parallel_loop3A_608 : vector<16xf32>
        %parallel_loop3A_613 = arith.mulf %parallel_loop3A_577, %parallel_loop3A_611 : vector<16xf32>
        %parallel_loop3A_614 = arith.addf %parallel_loop3A_612, %parallel_loop3A_613 : vector<16xf32>
        %parallel_loop3A_615 = arith.mulf %parallel_loop3A_602, %parallel_loop3A_614 : vector<16xf32>
        %parallel_loop3A_616 = arith.addf %parallel_loop3A_599, %parallel_loop3A_615 : vector<16xf32>
        %parallel_loop3A_617 = arith.mulf %parallel_loop3A_572, %parallel_loop3A_611 : vector<16xf32>
        %parallel_loop3A_618 = arith.mulf %parallel_loop3A_577, %parallel_loop3A_608 : vector<16xf32>
        %parallel_loop3A_619 = arith.subf %parallel_loop3A_617, %parallel_loop3A_618 : vector<16xf32>
        %parallel_loop3A_620 = arith.mulf %parallel_loop3A_605, %parallel_loop3A_619 : vector<16xf32>
        %parallel_loop3A_621 = arith.addf %parallel_loop3A_616, %parallel_loop3A_620 : vector<16xf32>
        %parallel_loop3A_622 = arith.constant true
        %parallel_loop3A_623 = vector.broadcast %parallel_loop3A_622 : i1 to vector<16xi1>
        %parallel_loop3A_624 = tpu.scan <sum>, %parallel_loop3A_621 masked %parallel_loop3A_623 : vector<16xf32>, vector<16xi1> -> vector<16xf32>
        %parallel_loop3A_625 = vector.extract %parallel_loop3A_624[15] : f32 from vector<16xf32>
        %parallel_loop3A_626 = vector.broadcast %parallel_loop3A_509 : i32 to vector<16xi32>
        %parallel_loop3A_627 = arith.cmpi eq, %iota3A, %parallel_loop3A_626 : vector<16xi32>
        %parallel_loop3A_628 = arith.constant 0.000000e+00 : f32
        %parallel_loop3A_629 = vector.broadcast %parallel_loop3A_625 : f32 to vector<16xf32>
        %parallel_loop3A_630 = vector.broadcast %parallel_loop3A_628 : f32 to vector<16xf32>
        %parallel_loop3A_631 = arith.select %parallel_loop3A_627, %parallel_loop3A_629, %parallel_loop3A_630 : vector<16xi1>, vector<16xf32>
        %parallel_loop3A_632 = arith.addf %parallel_loop3A_510, %parallel_loop3A_631 : vector<16xf32>
        scf.yield %parallel_loop3A_632 : vector<16xf32>
      } {sc.loop_unroll_factor = 8 : i64, sc.parallel_access}
      %parallel_loop3A_507 = arith.index_cast %parallel_loop3A_500 : i32 to index
      %parallel_loop3A_508 = tpu.vector_load %arg22[%parallel_loop3A_507] {strides = array<i32>} : memref<128xf32, #tpu.memory_space<vmem>>, vector<16xf32>,
      tpu.vector_store %arg22[%parallel_loop3A_507], %parallel_loop3A_506 {strides = array<i32>} : memref<128xf32, #tpu.memory_space<vmem>>, vector<16xf32>,
    } {sc.loop_unroll_factor = 1 : i64, sc.parallel_access}
    %mul3A_449 = arith.constant 512 : i32
    %mul3A_450 = arith.muli %add3A, %mul3A_449 : i32
    %add3A_451 = arith.constant 256 : i32
    %add3A_452 = arith.addi %mul3A_450, %add3A_451 : i32
    %dma_start3A_453 = tpu.memref_slice %arg8[%add3A_452] : memref<16384xf32, #tpu.memory_space<hbm>> -> memref<128xf32, #tpu.memory_space<hbm>>
    %dma_start3A_454 = tpu.memref_slice %arg8[%add3A_452] : memref<16384xf32, #tpu.memory_space<hbm>> -> memref<128xf32, #tpu.memory_space<hbm>>
    tpu.enqueue_dma source(%arg22 : memref<128xf32, #tpu.memory_space<vmem>>) target(%dma_start3A_454 : memref<128xf32, #tpu.memory_space<hbm>>) target_semaphore(%arg16 : memref<!tpu.dma_semaphore, #tpu.memory_space<semaphore_mem>>)
    %dma_wait3A_455 = arith.constant 3 : i32
    %dma_wait3A_456 = arith.constant 0 : i32
    %dma_wait3A_457 = tpu.memref_slice %arg9[%dma_wait3A_455, %dma_wait3A_456] : memref<4x128xi32, #tpu.memory_space<vmem>> -> memref<1x128xi32, #tpu.memory_space<vmem>>
    %dma_wait3A_458 = tpu.memref_squeeze %dma_wait3A_457 : memref<1x128xi32, #tpu.memory_space<vmem>> -> memref<128xi32, #tpu.memory_space<vmem>>
    %dma_wait3A_459 = arith.constant 0 : i32
    %dma_wait3A_460 = arith.constant 0 : i32
    %dma_wait3A_461 = tpu.memref_slice %arg2[%dma_wait3A_459, %dma_wait3A_460] : memref<1000000x128xf32, #tpu.memory_space<hbm>> -> memref<1000000x128xf32, #tpu.memory_space<hbm>>
    tpu.wait_indirect_dma semaphore(%arg29 : memref<!tpu.dma_semaphore, #tpu.memory_space<semaphore_mem>>) src(%dma_wait3A_461 : memref<1000000x128xf32, #tpu.memory_space<hbm>>) dst(%arg24 : memref<128x128xf32, #tpu.memory_space<vmem>>)
    %dma_wait3A_462 = arith.constant 3 : i32
    %dma_wait3A_463 = arith.constant 0 : i32
    %dma_wait3A_464 = tpu.memref_slice %arg10[%dma_wait3A_462, %dma_wait3A_463] : memref<4x128xi32, #tpu.memory_space<vmem>> -> memref<1x128xi32, #tpu.memory_space<vmem>>
    %dma_wait3A_465 = tpu.memref_squeeze %dma_wait3A_464 : memref<1x128xi32, #tpu.memory_space<vmem>> -> memref<128xi32, #tpu.memory_space<vmem>>
    %dma_wait3A_466 = arith.constant 0 : i32
    %dma_wait3A_467 = arith.constant 0 : i32
    %dma_wait3A_468 = tpu.memref_slice %arg2[%dma_wait3A_466, %dma_wait3A_467] : memref<1000000x128xf32, #tpu.memory_space<hbm>> -> memref<1000000x128xf32, #tpu.memory_space<hbm>>
    tpu.wait_indirect_dma semaphore(%arg29 : memref<!tpu.dma_semaphore, #tpu.memory_space<semaphore_mem>>) src(%dma_wait3A_468 : memref<1000000x128xf32, #tpu.memory_space<hbm>>) dst(%arg25 : memref<128x128xf32, #tpu.memory_space<vmem>>)
    %dma_wait3A_469 = arith.constant 3 : i32
    %dma_wait3A_470 = arith.constant 0 : i32
    %dma_wait3A_471 = tpu.memref_slice %arg11[%dma_wait3A_469, %dma_wait3A_470] : memref<4x128xi32, #tpu.memory_space<vmem>> -> memref<1x128xi32, #tpu.memory_space<vmem>>
    %dma_wait3A_472 = tpu.memref_squeeze %dma_wait3A_471 : memref<1x128xi32, #tpu.memory_space<vmem>> -> memref<128xi32, #tpu.memory_space<vmem>>
    %dma_wait3A_473 = arith.constant 0 : i32
    %dma_wait3A_474 = arith.constant 0 : i32
    %dma_wait3A_475 = tpu.memref_slice %arg6[%dma_wait3A_473, %dma_wait3A_474] : memref<1000x64xbf16, #tpu.memory_space<hbm>> -> memref<1000x64xbf16, #tpu.memory_space<hbm>>
    tpu.wait_indirect_dma semaphore(%arg29 : memref<!tpu.dma_semaphore, #tpu.memory_space<semaphore_mem>>) src(%dma_wait3A_475 : memref<1000x64xbf16, #tpu.memory_space<hbm>>) dst(%arg26 : memref<128x64xbf16, #tpu.memory_space<vmem>>)
    %dma_wait3A_476 = arith.constant 3 : i32
    %dma_wait3A_477 = arith.constant 0 : i32
    %dma_wait3A_478 = tpu.memref_slice %arg11[%dma_wait3A_476, %dma_wait3A_477] : memref<4x128xi32, #tpu.memory_space<vmem>> -> memref<1x128xi32, #tpu.memory_space<vmem>>
    %dma_wait3A_479 = tpu.memref_squeeze %dma_wait3A_478 : memref<1x128xi32, #tpu.memory_space<vmem>> -> memref<128xi32, #tpu.memory_space<vmem>>
    %dma_wait3A_480 = arith.constant 0 : i32
    %dma_wait3A_481 = arith.constant 0 : i32
    %dma_wait3A_482 = tpu.memref_slice %arg7[%dma_wait3A_480, %dma_wait3A_481] : memref<1000x64xbf16, #tpu.memory_space<hbm>> -> memref<1000x64xbf16, #tpu.memory_space<hbm>>
    tpu.wait_indirect_dma semaphore(%arg29 : memref<!tpu.dma_semaphore, #tpu.memory_space<semaphore_mem>>) src(%dma_wait3A_482 : memref<1000x64xbf16, #tpu.memory_space<hbm>>) dst(%arg27 : memref<128x64xbf16, #tpu.memory_space<vmem>>)
    %dma_wait3A_483 = tpu.memref_slice %arg8[%add3A_358] : memref<16384xf32, #tpu.memory_space<hbm>> -> memref<128xf32, #tpu.memory_space<hbm>>
    %dma_wait3A_484 = tpu.memref_slice %arg8[%add3A_358] : memref<16384xf32, #tpu.memory_space<hbm>> -> memref<128xf32, #tpu.memory_space<hbm>>
    tpu.wait_dma2 semaphore(%arg17 : memref<!tpu.dma_semaphore, #tpu.memory_space<semaphore_mem>>) src(%arg28 : memref<128xf32, #tpu.memory_space<vmem>>) dst(%dma_wait3A_484 : memref<128xf32, #tpu.memory_space<hbm>>)
    %parallel_loop3A_485 = arith.constant 0 : i32
    %parallel_loop3A_486 = arith.constant 8 : i32
    %parallel_loop3A_487 = arith.constant 1 : i32
    scf.for %parallel_loop3A_498 = %parallel_loop3A_485 to %parallel_loop3A_486 step %parallel_loop3A_487  : i32 {
      %parallel_loop3A_499 = arith.constant 16 : i32
      %parallel_loop3A_500 = arith.muli %parallel_loop3A_498, %parallel_loop3A_499 : i32
      %parallel_loop3A_501 = arith.constant 0.000000e+00 : f32
      %parallel_loop3A_502 = vector.broadcast %parallel_loop3A_501 : f32 to vector<16xf32>
      %parallel_loop3A_503 = arith.constant 0 : i32
      %parallel_loop3A_504 = arith.constant 16 : i32
      %parallel_loop3A_505 = arith.constant 1 : i32
      %parallel_loop3A_506 = scf.for %parallel_loop3A_509 = %parallel_loop3A_503 to %parallel_loop3A_504 step %parallel_loop3A_505 iter_args(%parallel_loop3A_510 = %parallel_loop3A_502) -> (vector<16xf32>)  : i32 {
        %parallel_loop3A_511 = arith.addi %parallel_loop3A_500, %parallel_loop3A_509 : i32
        %parallel_loop3A_512 = arith.constant 0.000000e+00 : f32
        %parallel_loop3A_513 = vector.broadcast %parallel_loop3A_512 : f32 to vector<16xf32>
        %parallel_loop3A_514 = arith.index_cast %parallel_loop3A_511 : i32 to index
        %parallel_loop3A_515 = arith.constant 0 : index
        %parallel_loop3A_516 = tpu.vector_load %arg26[%parallel_loop3A_514, %parallel_loop3A_515] {strides = array<i32>} : memref<128x64xbf16, #tpu.memory_space<vmem>>, vector<32xbf16>,
        %parallel_loop3A_517 = tpu.unpack_subelements %parallel_loop3A_516, 0 {pack_format = #tpu.pack_format<interleaved>} : vector<32xbf16> -> vector<16xf32>
        %parallel_loop3A_518 = tpu.unpack_subelements %parallel_loop3A_516, 1 {pack_format = #tpu.pack_format<interleaved>} : vector<32xbf16> -> vector<16xf32>
        %parallel_loop3A_519 = arith.index_cast %parallel_loop3A_511 : i32 to index
        %parallel_loop3A_520 = arith.constant 0 : index
        %parallel_loop3A_521 = tpu.vector_load %arg27[%parallel_loop3A_519, %parallel_loop3A_520] {strides = array<i32>} : memref<128x64xbf16, #tpu.memory_space<vmem>>, vector<32xbf16>,
        %parallel_loop3A_522 = tpu.unpack_subelements %parallel_loop3A_521, 0 {pack_format = #tpu.pack_format<interleaved>} : vector<32xbf16> -> vector<16xf32>
        %parallel_loop3A_523 = tpu.unpack_subelements %parallel_loop3A_521, 1 {pack_format = #tpu.pack_format<interleaved>} : vector<32xbf16> -> vector<16xf32>
        %parallel_loop3A_524 = arith.index_cast %parallel_loop3A_511 : i32 to index
        %parallel_loop3A_525 = arith.constant 0 : index
        %parallel_loop3A_526 = tpu.vector_load %arg24[%parallel_loop3A_524, %parallel_loop3A_525] {strides = array<i32>} : memref<128x128xf32, #tpu.memory_space<vmem>>, vector<16xf32>,
        %parallel_loop3A_527 = arith.index_cast %parallel_loop3A_511 : i32 to index
        %parallel_loop3A_528 = arith.constant 64 : index
        %parallel_loop3A_529 = tpu.vector_load %arg24[%parallel_loop3A_527, %parallel_loop3A_528] {strides = array<i32>} : memref<128x128xf32, #tpu.memory_space<vmem>>, vector<16xf32>,
        %parallel_loop3A_530 = arith.index_cast %parallel_loop3A_511 : i32 to index
        %parallel_loop3A_531 = arith.constant 0 : index
        %parallel_loop3A_532 = tpu.vector_load %arg25[%parallel_loop3A_530, %parallel_loop3A_531] {strides = array<i32>} : memref<128x128xf32, #tpu.memory_space<vmem>>, vector<16xf32>,
        %parallel_loop3A_533 = arith.index_cast %parallel_loop3A_511 : i32 to index
        %parallel_loop3A_534 = arith.constant 64 : index
        %parallel_loop3A_535 = tpu.vector_load %arg25[%parallel_loop3A_533, %parallel_loop3A_534] {strides = array<i32>} : memref<128x128xf32, #tpu.memory_space<vmem>>, vector<16xf32>,
        %parallel_loop3A_536 = arith.mulf %parallel_loop3A_517, %parallel_loop3A_532 : vector<16xf32>
        %parallel_loop3A_537 = arith.mulf %parallel_loop3A_522, %parallel_loop3A_535 : vector<16xf32>
        %parallel_loop3A_538 = arith.addf %parallel_loop3A_536, %parallel_loop3A_537 : vector<16xf32>
        %parallel_loop3A_539 = arith.mulf %parallel_loop3A_526, %parallel_loop3A_538 : vector<16xf32>
        %parallel_loop3A_540 = arith.addf %parallel_loop3A_513, %parallel_loop3A_539 : vector<16xf32>
        %parallel_loop3A_541 = arith.mulf %parallel_loop3A_517, %parallel_loop3A_535 : vector<16xf32>
        %parallel_loop3A_542 = arith.mulf %parallel_loop3A_522, %parallel_loop3A_532 : vector<16xf32>
        %parallel_loop3A_543 = arith.subf %parallel_loop3A_541, %parallel_loop3A_542 : vector<16xf32>
        %parallel_loop3A_544 = arith.mulf %parallel_loop3A_529, %parallel_loop3A_543 : vector<16xf32>
        %parallel_loop3A_545 = arith.addf %parallel_loop3A_540, %parallel_loop3A_544 : vector<16xf32>
        %parallel_loop3A_546 = arith.index_cast %parallel_loop3A_511 : i32 to index
        %parallel_loop3A_547 = arith.constant 16 : index
        %parallel_loop3A_548 = tpu.vector_load %arg24[%parallel_loop3A_546, %parallel_loop3A_547] {strides = array<i32>} : memref<128x128xf32, #tpu.memory_space<vmem>>, vector<16xf32>,
        %parallel_loop3A_549 = arith.index_cast %parallel_loop3A_511 : i32 to index
        %parallel_loop3A_550 = arith.constant 80 : index
        %parallel_loop3A_551 = tpu.vector_load %arg24[%parallel_loop3A_549, %parallel_loop3A_550] {strides = array<i32>} : memref<128x128xf32, #tpu.memory_space<vmem>>, vector<16xf32>,
        %parallel_loop3A_552 = arith.index_cast %parallel_loop3A_511 : i32 to index
        %parallel_loop3A_553 = arith.constant 16 : index
        %parallel_loop3A_554 = tpu.vector_load %arg25[%parallel_loop3A_552, %parallel_loop3A_553] {strides = array<i32>} : memref<128x128xf32, #tpu.memory_space<vmem>>, vector<16xf32>,
        %parallel_loop3A_555 = arith.index_cast %parallel_loop3A_511 : i32 to index
        %parallel_loop3A_556 = arith.constant 80 : index
        %parallel_loop3A_557 = tpu.vector_load %arg25[%parallel_loop3A_555, %parallel_loop3A_556] {strides = array<i32>} : memref<128x128xf32, #tpu.memory_space<vmem>>, vector<16xf32>,
        %parallel_loop3A_558 = arith.mulf %parallel_loop3A_518, %parallel_loop3A_554 : vector<16xf32>
        %parallel_loop3A_559 = arith.mulf %parallel_loop3A_523, %parallel_loop3A_557 : vector<16xf32>
        %parallel_loop3A_560 = arith.addf %parallel_loop3A_558, %parallel_loop3A_559 : vector<16xf32>
        %parallel_loop3A_561 = arith.mulf %parallel_loop3A_548, %parallel_loop3A_560 : vector<16xf32>
        %parallel_loop3A_562 = arith.addf %parallel_loop3A_545, %parallel_loop3A_561 : vector<16xf32>
        %parallel_loop3A_563 = arith.mulf %parallel_loop3A_518, %parallel_loop3A_557 : vector<16xf32>
        %parallel_loop3A_564 = arith.mulf %parallel_loop3A_523, %parallel_loop3A_554 : vector<16xf32>
        %parallel_loop3A_565 = arith.subf %parallel_loop3A_563, %parallel_loop3A_564 : vector<16xf32>
        %parallel_loop3A_566 = arith.mulf %parallel_loop3A_551, %parallel_loop3A_565 : vector<16xf32>
        %parallel_loop3A_567 = arith.addf %parallel_loop3A_562, %parallel_loop3A_566 : vector<16xf32>
        %parallel_loop3A_568 = arith.index_cast %parallel_loop3A_511 : i32 to index
        %parallel_loop3A_569 = arith.constant 32 : index
        %parallel_loop3A_570 = tpu.vector_load %arg26[%parallel_loop3A_568, %parallel_loop3A_569] {strides = array<i32>} : memref<128x64xbf16, #tpu.memory_space<vmem>>, vector<32xbf16>,
        %parallel_loop3A_571 = tpu.unpack_subelements %parallel_loop3A_570, 0 {pack_format = #tpu.pack_format<interleaved>} : vector<32xbf16> -> vector<16xf32>
        %parallel_loop3A_572 = tpu.unpack_subelements %parallel_loop3A_570, 1 {pack_format = #tpu.pack_format<interleaved>} : vector<32xbf16> -> vector<16xf32>
        %parallel_loop3A_573 = arith.index_cast %parallel_loop3A_511 : i32 to index
        %parallel_loop3A_574 = arith.constant 32 : index
        %parallel_loop3A_575 = tpu.vector_load %arg27[%parallel_loop3A_573, %parallel_loop3A_574] {strides = array<i32>} : memref<128x64xbf16, #tpu.memory_space<vmem>>, vector<32xbf16>,
        %parallel_loop3A_576 = tpu.unpack_subelements %parallel_loop3A_575, 0 {pack_format = #tpu.pack_format<interleaved>} : vector<32xbf16> -> vector<16xf32>
        %parallel_loop3A_577 = tpu.unpack_subelements %parallel_loop3A_575, 1 {pack_format = #tpu.pack_format<interleaved>} : vector<32xbf16> -> vector<16xf32>
        %parallel_loop3A_578 = arith.index_cast %parallel_loop3A_511 : i32 to index
        %parallel_loop3A_579 = arith.constant 32 : index
        %parallel_loop3A_580 = tpu.vector_load %arg24[%parallel_loop3A_578, %parallel_loop3A_579] {strides = array<i32>} : memref<128x128xf32, #tpu.memory_space<vmem>>, vector<16xf32>,
        %parallel_loop3A_581 = arith.index_cast %parallel_loop3A_511 : i32 to index
        %parallel_loop3A_582 = arith.constant 96 : index
        %parallel_loop3A_583 = tpu.vector_load %arg24[%parallel_loop3A_581, %parallel_loop3A_582] {strides = array<i32>} : memref<128x128xf32, #tpu.memory_space<vmem>>, vector<16xf32>,
        %parallel_loop3A_584 = arith.index_cast %parallel_loop3A_511 : i32 to index
        %parallel_loop3A_585 = arith.constant 32 : index
        %parallel_loop3A_586 = tpu.vector_load %arg25[%parallel_loop3A_584, %parallel_loop3A_585] {strides = array<i32>} : memref<128x128xf32, #tpu.memory_space<vmem>>, vector<16xf32>,
        %parallel_loop3A_587 = arith.index_cast %parallel_loop3A_511 : i32 to index
        %parallel_loop3A_588 = arith.constant 96 : index
        %parallel_loop3A_589 = tpu.vector_load %arg25[%parallel_loop3A_587, %parallel_loop3A_588] {strides = array<i32>} : memref<128x128xf32, #tpu.memory_space<vmem>>, vector<16xf32>,
        %parallel_loop3A_590 = arith.mulf %parallel_loop3A_571, %parallel_loop3A_586 : vector<16xf32>
        %parallel_loop3A_591 = arith.mulf %parallel_loop3A_576, %parallel_loop3A_589 : vector<16xf32>
        %parallel_loop3A_592 = arith.addf %parallel_loop3A_590, %parallel_loop3A_591 : vector<16xf32>
        %parallel_loop3A_593 = arith.mulf %parallel_loop3A_580, %parallel_loop3A_592 : vector<16xf32>
        %parallel_loop3A_594 = arith.addf %parallel_loop3A_567, %parallel_loop3A_593 : vector<16xf32>
        %parallel_loop3A_595 = arith.mulf %parallel_loop3A_571, %parallel_loop3A_589 : vector<16xf32>
        %parallel_loop3A_596 = arith.mulf %parallel_loop3A_576, %parallel_loop3A_586 : vector<16xf32>
        %parallel_loop3A_597 = arith.subf %parallel_loop3A_595, %parallel_loop3A_596 : vector<16xf32>
        %parallel_loop3A_598 = arith.mulf %parallel_loop3A_583, %parallel_loop3A_597 : vector<16xf32>
        %parallel_loop3A_599 = arith.addf %parallel_loop3A_594, %parallel_loop3A_598 : vector<16xf32>
        %parallel_loop3A_600 = arith.index_cast %parallel_loop3A_511 : i32 to index
        %parallel_loop3A_601 = arith.constant 48 : index
        %parallel_loop3A_602 = tpu.vector_load %arg24[%parallel_loop3A_600, %parallel_loop3A_601] {strides = array<i32>} : memref<128x128xf32, #tpu.memory_space<vmem>>, vector<16xf32>,
        %parallel_loop3A_603 = arith.index_cast %parallel_loop3A_511 : i32 to index
        %parallel_loop3A_604 = arith.constant 112 : index
        %parallel_loop3A_605 = tpu.vector_load %arg24[%parallel_loop3A_603, %parallel_loop3A_604] {strides = array<i32>} : memref<128x128xf32, #tpu.memory_space<vmem>>, vector<16xf32>,
        %parallel_loop3A_606 = arith.index_cast %parallel_loop3A_511 : i32 to index
        %parallel_loop3A_607 = arith.constant 48 : index
        %parallel_loop3A_608 = tpu.vector_load %arg25[%parallel_loop3A_606, %parallel_loop3A_607] {strides = array<i32>} : memref<128x128xf32, #tpu.memory_space<vmem>>, vector<16xf32>,
        %parallel_loop3A_609 = arith.index_cast %parallel_loop3A_511 : i32 to index
        %parallel_loop3A_610 = arith.constant 112 : index
        %parallel_loop3A_611 = tpu.vector_load %arg25[%parallel_loop3A_609, %parallel_loop3A_610] {strides = array<i32>} : memref<128x128xf32, #tpu.memory_space<vmem>>, vector<16xf32>,
        %parallel_loop3A_612 = arith.mulf %parallel_loop3A_572, %parallel_loop3A_608 : vector<16xf32>
        %parallel_loop3A_613 = arith.mulf %parallel_loop3A_577, %parallel_loop3A_611 : vector<16xf32>
        %parallel_loop3A_614 = arith.addf %parallel_loop3A_612, %parallel_loop3A_613 : vector<16xf32>
        %parallel_loop3A_615 = arith.mulf %parallel_loop3A_602, %parallel_loop3A_614 : vector<16xf32>
        %parallel_loop3A_616 = arith.addf %parallel_loop3A_599, %parallel_loop3A_615 : vector<16xf32>
        %parallel_loop3A_617 = arith.mulf %parallel_loop3A_572, %parallel_loop3A_611 : vector<16xf32>
        %parallel_loop3A_618 = arith.mulf %parallel_loop3A_577, %parallel_loop3A_608 : vector<16xf32>
        %parallel_loop3A_619 = arith.subf %parallel_loop3A_617, %parallel_loop3A_618 : vector<16xf32>
        %parallel_loop3A_620 = arith.mulf %parallel_loop3A_605, %parallel_loop3A_619 : vector<16xf32>
        %parallel_loop3A_621 = arith.addf %parallel_loop3A_616, %parallel_loop3A_620 : vector<16xf32>
        %parallel_loop3A_622 = arith.constant true
        %parallel_loop3A_623 = vector.broadcast %parallel_loop3A_622 : i1 to vector<16xi1>
        %parallel_loop3A_624 = tpu.scan <sum>, %parallel_loop3A_621 masked %parallel_loop3A_623 : vector<16xf32>, vector<16xi1> -> vector<16xf32>
        %parallel_loop3A_625 = vector.extract %parallel_loop3A_624[15] : f32 from vector<16xf32>
        %parallel_loop3A_626 = vector.broadcast %parallel_loop3A_509 : i32 to vector<16xi32>
        %parallel_loop3A_627 = arith.cmpi eq, %iota3A, %parallel_loop3A_626 : vector<16xi32>
        %parallel_loop3A_628 = arith.constant 0.000000e+00 : f32
        %parallel_loop3A_629 = vector.broadcast %parallel_loop3A_625 : f32 to vector<16xf32>
        %parallel_loop3A_630 = vector.broadcast %parallel_loop3A_628 : f32 to vector<16xf32>
        %parallel_loop3A_631 = arith.select %parallel_loop3A_627, %parallel_loop3A_629, %parallel_loop3A_630 : vector<16xi1>, vector<16xf32>
        %parallel_loop3A_632 = arith.addf %parallel_loop3A_510, %parallel_loop3A_631 : vector<16xf32>
        scf.yield %parallel_loop3A_632 : vector<16xf32>
      } {sc.loop_unroll_factor = 8 : i64, sc.parallel_access}
      %parallel_loop3A_507 = arith.index_cast %parallel_loop3A_500 : i32 to index
      %parallel_loop3A_508 = tpu.vector_load %arg28[%parallel_loop3A_507] {strides = array<i32>} : memref<128xf32, #tpu.memory_space<vmem>>, vector<16xf32>,
      tpu.vector_store %arg28[%parallel_loop3A_507], %parallel_loop3A_506 {strides = array<i32>} : memref<128xf32, #tpu.memory_space<vmem>>, vector<16xf32>,
    } {sc.loop_unroll_factor = 1 : i64, sc.parallel_access}
    %mul3A_488 = arith.constant 512 : i32
    %mul3A_489 = arith.muli %add3A, %mul3A_488 : i32
    %add3A_490 = arith.constant 384 : i32
    %add3A_491 = arith.addi %mul3A_489, %add3A_490 : i32
    %dma_start3A_492 = tpu.memref_slice %arg8[%add3A_491] : memref<16384xf32, #tpu.memory_space<hbm>> -> memref<128xf32, #tpu.memory_space<hbm>>
    %dma_start3A_493 = tpu.memref_slice %arg8[%add3A_491] : memref<16384xf32, #tpu.memory_space<hbm>> -> memref<128xf32, #tpu.memory_space<hbm>>
    tpu.enqueue_dma source(%arg28 : memref<128xf32, #tpu.memory_space<vmem>>) target(%dma_start3A_493 : memref<128xf32, #tpu.memory_space<hbm>>) target_semaphore(%arg17 : memref<!tpu.dma_semaphore, #tpu.memory_space<semaphore_mem>>)
    %dma_wait3A_494 = tpu.memref_slice %arg8[%add3A_452] : memref<16384xf32, #tpu.memory_space<hbm>> -> memref<128xf32, #tpu.memory_space<hbm>>
    %dma_wait3A_495 = tpu.memref_slice %arg8[%add3A_452] : memref<16384xf32, #tpu.memory_space<hbm>> -> memref<128xf32, #tpu.memory_space<hbm>>
    tpu.wait_dma2 semaphore(%arg16 : memref<!tpu.dma_semaphore, #tpu.memory_space<semaphore_mem>>) src(%arg22 : memref<128xf32, #tpu.memory_space<vmem>>) dst(%dma_wait3A_495 : memref<128xf32, #tpu.memory_space<hbm>>)
    %dma_wait3A_496 = tpu.memref_slice %arg8[%add3A_491] : memref<16384xf32, #tpu.memory_space<hbm>> -> memref<128xf32, #tpu.memory_space<hbm>>
    %dma_wait3A_497 = tpu.memref_slice %arg8[%add3A_491] : memref<16384xf32, #tpu.memory_space<hbm>> -> memref<128xf32, #tpu.memory_space<hbm>>
    tpu.wait_dma2 semaphore(%arg17 : memref<!tpu.dma_semaphore, #tpu.memory_space<semaphore_mem>>) src(%arg28 : memref<128xf32, #tpu.memory_space<vmem>>) dst(%dma_wait3A_497 : memref<128xf32, #tpu.memory_space<hbm>>)
    return
  }
}

</mosaic_0001>

<sc_bundles>
// kernel: kernel.3.cloned.1.call-start
scs
__scs_entry_jumppad:
0x0: {  	(pc) =	sbr.rel $0x88, $3  }
0x1: {  	(tag) =	ssettag $0x0;
	lr =	simm.s32 $0x1  }
0x2: {  	[smem:$0x3F9B] =	sst lr;
	_ =	strace $0xD0000000  }
0x3: {  	_ = 	snop  }
0x4: {  	_ = 	snop  }
0x5: {  	_ = 	snop  }
0x6: {  	_ = 	snop  }
0x7: {  	_ = 	snop  }
__scs_overlays_trampoline_lowered:
0x8: {  	[smem:$0x3FAA] =	sst s0  }
0x9: {  	[smem:$0x3FAB] =	sst s1  }
0xa: {  	[smem:$0x3FAC] =	sst s2  }
0xb: {  	[smem:$0x3FAD] =	sst s3  }
0xc: {  	[smem:$0x3FAE] =	sst s4  }
0xd: {  	[smem:$0x3FAF] =	sst s5  }
0xe: {  	[smem:$0x3FB0] =	sst s6  }
0xf: {  	[smem:$0x3FB1] =	sst s7  }
0x10: {  	[smem:$0x3FB2] =	sst s8  }
0x11: {  	[smem:$0x3FB3] =	sst s9;
	s0 =	simm.s32 @!p0 $0x0  }
0x12: {  	s1 =	sld [smem:$0x3F99];
	s0 =	simm.s32 @p0 $0x1  }
0x13: {  	[smem:$0x3FB4] =	sst s0;
	s0 =	simm.s32 @!p1 $0x0  }
0x14: {  	s2 =	sld [smem:$0x3F98];
	s0 =	simm.s32 @p1 $0x1  }
0x15: {  	[smem:$0x3FB5] =	sst s0;
	s0 =	simm.s32 @!p2 $0x0  }
0x16: {  	s3 =	sld [smem:$0x3FDB];
	s0 =	simm.s32 @p2 $0x1  }
0x17: {  	s4 =	simm.s32 $0x1BF5;
	[smem:$0x3FB7] =	sst s0  }
0x18: {  	s0 =	sld [smem:$0x3F9A];
	_ =	swait.ge [sflag:s4], $0x0  }
0x19: {  	s7 =	sld [smem:$0x3F9B]  }
0x1a: {  	s8 =	sadd.s32 $0xFFFFE003, lr  }
0x1b: {  	s9 =	sadd.s32 $0xFFFFFEF7, lr;
	s5 =	simm.s32 $0xFFFFFFFF;
	p2 =	slt.u32 s8, $0xFFFFF086  }
0x1c: {  	p1 =	slt.u32 s9, $0xF7A;
	s5 =	simm.s32 @!p2 $0x0  }
0x1d: {  	s5 =	simm.s32 @p1 $0x1;
	p0 =	seq.s32 s7, s2  }
0x1e: {  	s7 =	smul.u32 @!p0 $0xF7A, s2;
	p2 =	seq.s32 @!p0 s5, $0x0  }
0x1f: {  	s9 =	smul.u32 $0xF7A, s1;
	s8 =	simm.s32 @!p0 $0x1BF5;
	p2 =	por !p2, p0  }
0x20: {  	[sflag:s8] =	ssyncset.s32 @!p0 $0xFFFFF086;
	s6 =	sadd.s32 @!p0 s3, s7;
	s7 =	simm.s32 @!p0 $0x108  }
0x21: {  	s3 =	sadd.s32 s3, s9;
	s6 =	sadd.s32 @!p0 $0x88, s6;
	s7 =	simm.s32 @p2 $0x1082  }
0x22: {  	[simem:s7], [sflag:s8] =	dma.local @!p0 [hbm:s6], $0xF7A  }
0x23: {  	s9 =	sor.u32 $0xD0000000, s2;
	s6 =	simm.s32 $0x108;
	_ =	swait.ge @!p0 [sflag:s8], $0x0  }
0x24: {  	s3 =	sadd.s32 $0x88, s3;
	s6 =	simm.s32 @!p1 $0x1082;
	[sflag:s4] =	ssyncset.s32 $0xFFFFF086  }
0x25: {  	[simem:s6], [sflag:s4] =	dma.local [hbm:s3], $0xF7A  }
0x26: {  	[smem:$0x3F9B] =	sst s1;
	(tag) =	ssettag s2;
	_ =	strace s9  }
0x27: {  	s1 =	sld [smem:$0x3FAB]  }
0x28: {  	s2 =	sld [smem:$0x3FAC]  }
0x29: {  	s4 =	sld [smem:$0x3FAE]  }
0x2a: {  	p0 =	seq.s32 s5, $0x0;
	s5 =	sld [smem:$0x3FAF]  }
0x2b: {  	s6 =	sld [smem:$0x3FB0]  }
0x2c: {  	s7 =	sld [smem:$0x3FB1]  }
0x2d: {  	s3 =	simm.s32 $0x108;
	s8 =	sld [smem:$0x3FB2]  }
0x2e: {  	s3 =	simm.s32 @!p0 $0x1082;
	s9 =	sld [smem:$0x3FB3]  }
0x2f: {  	lr =	sadd.s32 s0, s3;
	s0 =	sld [smem:$0x3FAA]  }
0x30: {  	s3 =	sld [smem:$0x3FAD]  }
0x31: {  	[smem:$0x3FB6] =	sst s10  }
0x32: {  	s10 =	sld [smem:$0x3FB4];
	_ =	sdelay $0x3  }
0x33: {  	p0 =	seq.s32 s10, $0x1;
	s10 =	sld [smem:$0x3FB6];
	_ =	sdelay $0x3  }
0x34: {  	[smem:$0x3FB6] =	sst s10  }
0x35: {  	s10 =	sld [smem:$0x3FB5];
	_ =	sdelay $0x3  }
0x36: {  	p1 =	seq.s32 s10, $0x1;
	s10 =	sld [smem:$0x3FB6];
	_ =	sdelay $0x3  }
0x37: {  	[smem:$0x3FB6] =	sst s10  }
0x38: {  	s10 =	sld [smem:$0x3FB7]  }
0x39: {  	_ = 	snop;
	(pc) =	sbr.ind lr, $3  }
0x3a: {  	_ = 	snop  }
0x3b: {  	_ = 	snop  }
0x3c: {  	p2 =	seq.s32 s10, $0x1;
	s10 =	sld [smem:$0x3FB6]  }
0x3d: {  	_ =	shalt  }
0x3e: {  	_ =	shalt  }
0x3f: {  	_ =	shalt  }
0x40: {  	_ =	shalt  }
0x41: {  	_ =	shalt  }
0x42: {  	_ =	shalt  }
0x43: {  	_ =	shalt  }
0x44: {  	_ =	shalt  }
0x45: {  	_ =	shalt  }
0x46: {  	_ =	shalt  }
0x47: {  	_ =	shalt  }
0x48: {  	_ =	shalt  }
0x49: {  	_ =	shalt  }
0x4a: {  	_ =	shalt  }
0x4b: {  	_ =	shalt  }
0x4c: {  	_ =	shalt  }
0x4d: {  	_ =	shalt  }
0x4e: {  	_ =	shalt  }
0x4f: {  	_ =	shalt  }
0x50: {  	_ =	shalt  }
0x51: {  	_ =	shalt  }
0x52: {  	_ =	shalt  }
0x53: {  	_ =	shalt  }
0x54: {  	_ =	shalt  }
0x55: {  	_ =	shalt  }
0x56: {  	_ =	shalt  }
0x57: {  	_ =	shalt  }
0x58: {  	_ =	shalt  }
0x59: {  	_ =	shalt  }
0x5a: {  	_ =	shalt  }
0x5b: {  	_ =	shalt  }
0x5c: {  	_ =	shalt  }
0x5d: {  	_ =	shalt  }
0x5e: {  	_ =	shalt  }
0x5f: {  	_ =	shalt  }
0x60: {  	_ =	shalt  }
0x61: {  	_ =	shalt  }
0x62: {  	_ =	shalt  }
0x63: {  	_ =	shalt  }
0x64: {  	_ =	shalt  }
0x65: {  	_ =	shalt  }
0x66: {  	_ =	shalt  }
0x67: {  	_ =	shalt  }
0x68: {  	_ =	shalt  }
0x69: {  	_ =	shalt  }
0x6a: {  	_ =	shalt  }
0x6b: {  	_ =	shalt  }
0x6c: {  	_ =	shalt  }
0x6d: {  	_ =	shalt  }
0x6e: {  	_ =	shalt  }
0x6f: {  	_ =	shalt  }
0x70: {  	_ =	shalt  }
0x71: {  	_ =	shalt  }
0x72: {  	_ =	shalt  }
0x73: {  	_ =	shalt  }
0x74: {  	_ =	shalt  }
0x75: {  	_ =	shalt  }
0x76: {  	_ =	shalt  }
0x77: {  	_ =	shalt  }
0x78: {  	_ =	shalt  }
0x79: {  	_ =	shalt  }
0x7a: {  	_ =	shalt  }
0x7b: {  	_ =	shalt  }
0x7c: {  	_ =	shalt  }
0x7d: {  	_ =	shalt  }
0x7e: {  	_ =	shalt  }
0x7f: {  	_ =	shalt  }
0x80: {  	_ =	shalt  }
0x81: {  	_ =	shalt  }
0x82: {  	_ =	shalt  }
0x83: {  	_ =	shalt  }
0x84: {  	_ =	shalt  }
0x85: {  	_ =	shalt  }
0x86: {  	_ =	shalt  }
0x87: {  	_ =	shalt  }
.Lfunc_end0:
.L_simem_size_0:
called_computation_lowered:
.L_overlay_start_0:
0x88: {  	s2 =	sld [smem:$0x3FD9]  }
0x89: {  	s3 =	sld [smem:$0x3FFE];
	_ =	sdelay $0x1  }
0x8a: {  	s1 =	srdreg.scid  }
0x8b: {  	s0 =	sand.u32 $0x1, s1  }
0x8c: {  	s17 =	sshll.u32 s0, $0xA;
	s2 =	sadd.s32 s3, s2  }
0x8d: {  	s2 =	sadd.s32 s2, s17  }
0x8e: {  	[smem:$0x3FC2] =	sst s2  }
0x8f: {  	_ = 	snop  }
0x90: {  	s2 =	sld [smem:$0x3FC9]  }
0x91: {  	s18 =	sld [smem:$0x3FC8]  }
0x92: {  	s4 =	sld [smem:$0x3FC7]  }
0x93: {  	s5 =	sld [smem:$0x3FC6]  }
0x94: {  	s6 =	sld [smem:$0x3FD0];
	(tm) =	ssettm $0x1  }
0x95: {  	s7 =	sld [smem:$0x3FFB];
	_ =	sdelay $0x3  }
0x96: {  	_ =	strace s7  }
0x97: {  	s7 =	sld [smem:$0x3FFC];
	_ =	sdelay $0x3  }
0x98: {  	_ =	strace s7  }
0x99: {  	s7 =	sld [smem:$0x3FFD];
	_ =	sdelay $0x3  }
0x9a: {  	_ =	strace s7  }
0x9b: {  	_ =	strace $0x8FFFFFFF  }
0x9c: {  	s19 =	sld [smem:$0x3FDB];
	_ =	sdelay $0x1  }
0x9d: {  	s8 =	simm.s32 $_scs_section_size  }
0x9e: {  	s9 =	simm.s32 $_size__tile_overlayer_lowered;
	s10 =	simm.s32 $_tile_overlayer_lowered  }
0x9f: {  	s22 =	simm.s32 $0x1BFF;
	s21 =	sshll.u32 s10, $0x1;
	s7 =	sadd.s32 s8, s19  }
0xa0: {  	s11 =	simm.s32 $0x0;
	s20 =	sshll.u32 s9, $0x1;
	s9 =	sadd.s32 s21, s7  }
0xa1: {  	[timem:s11], [sflag:s22] =	dma.local [hbm:s9], s20  }
0xa2: {  	_ =	swait.ge [sflag:s22], s20  }
0xa3: {  	s8 =	ssub.s32 $0x0, s20;
	[sflag:s22] =	ssyncset.done $0x0  }
0xa4: {  	[sflag:s22] =	ssyncadd.s32 s8;
	_ =	sdelay $0x1  }
0xa5: {  	s23 =	simm.s32 $0x1B8B  }
0xa6: {  	_ =	swait.ge [sflag:s23], $0x1  }
0xa7: {  	[sflag:s23] =	ssyncset.done $0x0  }
0xa8: {  	s25 =	simm.s32 $0x1B8E;
	s24 =	sld [smem:$0x3FFE];
	[sflag:s23] =	ssyncadd.s32 $0xFFFFFFFF  }
0xa9: {  	s26 =	simm.s32 $execute0_lowered;
	[smem:$0x3FD2] =	sst s25  }
0xaa: {  	s9 =	sshll.u32 s26, $0x1;
	_ =	strace $0x80000046;
	[dreg:$0x1] =	wrdreg $0xFFFFFFFF  }
0xab: {  	s28 =	simm.s32 $_size_execute0_lowered;
	s7 =	sadd.s32 s7, s9;
	[dreg:$0x0] =	wrdreg $0x0  }
0xac: {  	s9 =	sshll.u32 s28, $0x1;
	[dreg:$0x2] =	wrdreg s7  }
0xad: {  	[dreg:$0x3] =	wrdreg s9  }
0xae: {  	[dreg:$0x4] =	wrdreg $0xC0  }
0xaf: {  	_ =	task [dreg:s11], $0x5FFFF  }
0xb0: {  	[dreg:$0x1] =	wrdreg $0xFFFFFFFF  }
0xb1: {  	[dreg:$0x0] =	wrdreg $0x60  }
0xb2: {  	[dreg:$0x2] =	wrdreg s2  }
0xb3: {  	[dreg:$0x3] =	wrdreg s18  }
0xb4: {  	[dreg:$0x4] =	wrdreg s4  }
0xb5: {  	[dreg:$0x5] =	wrdreg s5  }
0xb6: {  	[dreg:$0x6] =	wrdreg s24  }
0xb7: {  	[dreg:$0x7] =	wrdreg s6  }
0xb8: {  	[dreg:$0x8] =	wrdreg $0x9  }
0xb9: {  	_ =	task.clear_ibuf [dreg:s11], $0x9FFFF;
	_ =	strace $0x90000046  }
0xba: {  	s29 =	simm.s32 $0x9;
	_ =	strace $0x80000048  }
0xbb: {  	_ =	swait.ge [sflag:s29], $0x1  }
0xbc: {  	[sflag:s29] =	ssyncadd.s32 $0xFFFFFFFF  }
0xbd: {  	_ =	strace $0x90000048  }
0xbe: {  	_ =	sfence  }
0xbf: {  	s30 =	sld [smem:$0x0];
	_ =	sdelay $0x2  }
0xc0: {  	s31 =	sshll.u32 s1, $0xD;
	s1 =	sshrl.u32 s1, $0x2  }
0xc1: {  	s3 =	sand.u32 $0x4000, s31;
	s1 =	sadd.s32 s1, s30  }
0xc2: {  	s0 =	sor.u32 s3, s0;
	s1 =	sshll.u32 s1, $0x11  }
0xc3: {  	s0 =	sor.u32 s1, s0  }
0xc4: {  	s0 =	sadd.s32 $0x8F2B, s0  }
0xc5: {  	[sflag:s0] =	ssyncadd.remote.s32 $0x1  }
0xc6: {  	_ =	sfence.sel $0xFFFF  }
0xc7: {  	[dreg:$0x0] =	wrdreg $0xFFFFFFFF;
	(pc) =	sbr.abs _section_cstart, $3  }
0xc8: {  	[dreg:$0x1] =	wrdreg $0xFFFFFFFF  }
0xc9: {  	_ =	task.clear_ibuf [dreg:s11], $0x2FFFF;
	_ =	strace $0x9FFFFFFF  }
0xca: {  	(tm) =	ssettm $0x7FFFFFFF  }
0xcb: {  	_ =	shalt  }
tec
execute0_lowered:
.L_overlay_start_1:
0x0: {  	(tag) =	ssettag $0x1  }
0x1: {  	s1 =	rddreg [dreg:$0x0]  }
0x2: {  	s0 =	rddreg [dreg:$0x1]  }
0x3: {  	s3 =	rddreg [dreg:$0x2]  }
0x4: {  	s6 =	rddreg [dreg:$0x3];
	s8 =	srdreg.scid  }
0x5: {  	s5 =	rddreg [dreg:$0x4];
	s10 =	stileid.u32;
	s8 =	sand.u32 $0x1, s8  }
0x6: {  	s10 =	sshll.u32 s10, $0x7;
	s9 =	ssub.s32 $0x2, s8;
	s8 =	sshll.u32 s8, $0x6  }
0x7: {  	s7 =	rddreg [dreg:$0x5];
	s2 =	simm.s32 $0x0;
	s8 =	sor.u32 s8, s10  }
0x8: {  	s28 =	simm.s32 $0x480;
	[smem:$0x7FF] =	sst s2;
	s10 =	sadd.s32 s0, s8  }
0x9: {  	_ =	strace $0x80000047;
	s12 =	sadd.s32 s6, s8;
	[dreg:$0x7] =	wrdreg s10  }
0xa: {  	s31 =	simm.s32 $0x500;
	s13 =	sadd.s32 s3, s8;
	[dreg:$0x8] =	wrdreg s12  }
0xb: {  	s26 =	sor.u32 $0x10, s8;
	s22 =	sadd.s32 s7, s8;
	[dreg:$0x9] =	wrdreg s13  }
0xc: {  	s29 =	simm.s32 $0x2;
	s14 =	sadd.s32 s0, s26;
	[dreg:$0x13] =	wrdreg s22  }
0xd: {  	s30 =	simm.s32 $0x3;
	s15 =	sadd.s32 s6, s26;
	[dreg:$0xa] =	wrdreg s14  }
0xe: {  	s17 =	sor.u32 $0x20, s8;
	s16 =	sadd.s32 s3, s26;
	[dreg:$0xb] =	wrdreg s15  }
0xf: {  	s4 =	sadd.s32 $0x1600, s5;
	s12 =	sadd.s32 s0, s17;
	[dreg:$0xc] =	wrdreg s16  }
0x10: {  	s5 =	sadd.s32 $0x600, s5;
	s18 =	sadd.s32 s6, s17;
	[dreg:$0xd] =	wrdreg s12  }
0x11: {  	s19 =	sor.u32 $0x30, s8;
	s13 =	sadd.s32 s3, s17;
	[dreg:$0xe] =	wrdreg s18  }
0x12: {  	s11 =	sshrl.u32 s9, $0x1;
	s0 =	sadd.s32 s0, s19;
	[dreg:$0xf] =	wrdreg s13  }
0x13: {  	s9 =	ssub.s32 s9, s11;
	s20 =	sadd.s32 s6, s19;
	[dreg:$0x10] =	wrdreg s0  }
0x14: {  	s8 =	simm.s32 $0x6;
	s21 =	sadd.s32 s3, s19;
	[dreg:$0x11] =	wrdreg s20  }
0x15: {  	s23 =	sadd.s32 s7, s26;
	s24 =	sadd.s32 s7, s17;
	[dreg:$0x12] =	wrdreg s21  }
0x16: {  	s25 =	sadd.s32 s7, s19;
	s26 =	smax.u32 s9, $0x1;
	[dreg:$0x14] =	wrdreg s23  }
0x17: {  	s3 =	simm.s32 $0x8;
	s6 =	simm.s32 $0x4;
	[dreg:$0x15] =	wrdreg s24  }
0x18: {  	s7 =	simm.s32 $0x5;
	s9 =	simm.s32 $0x0;
	[dreg:$0x16] =	wrdreg s25  }
0x19: {  	[dreg:$0x17] =	wrdreg s26;
	s24 =	simm.s32 $0x400;
	s25 =	simm.s32 $0x80  }
0x1a: {  	v0 =	vlaneseq.u32;
	s23 =	simm.s32 $0x580;
	s26 =	simm.s32 $0x1;
	s0 =	simm.s32 $0x7  }
.LBB2_1:
0x1b: {  	s10 =	rddreg [dreg:$0x7]  }
0x1c: {  	[tilespmem:s2], [sflag:$0x1] =	stream.linear.gather [hbm4b:s10+s2], $0x80, $0x38;
	[tilespmem:$0x14700] =	vst v63  }
0x1d: {  	s21 =	rddreg [dreg:$0x8];
	s11 =	simm.s32 $0x200  }
0x1e: {  	[tilespmem:s11], [sflag:$0x1] =	stream.linear.gather [hbm4b:s21+s2], $0x80, $0x38;
	[tilespmem:$0x14700] =	vst v63  }
0x1f: {  	s22 =	rddreg [dreg:$0x9]  }
0x20: {  	[tilespmem:s24], [sflag:$0x1] =	stream.linear.gather [hbm4b:s22+s2], $0x80, $0x38;
	[tilespmem:$0x14700] =	vst v63  }
0x21: {  	s12 =	rddreg [dreg:$0xa]  }
0x22: {  	[tilespmem:s25], [sflag:$0x2] =	stream.linear.gather [hbm4b:s12+s2], $0x80, $0x38;
	[tilespmem:$0x14700] =	vst v63  }
0x23: {  	s13 =	rddreg [dreg:$0xb];
	s12 =	simm.s32 $0x280  }
0x24: {  	[tilespmem:s12], [sflag:$0x2] =	stream.linear.gather [hbm4b:s13+s2], $0x80, $0x38;
	[tilespmem:$0x14700] =	vst v63  }
0x25: {  	s14 =	rddreg [dreg:$0xc]  }
0x26: {  	[tilespmem:s28], [sflag:$0x2] =	stream.linear.gather [hbm4b:s14+s2], $0x80, $0x38;
	[tilespmem:$0x14700] =	vst v63  }
0x27: {  	s15 =	rddreg [dreg:$0xd];
	s13 =	simm.s32 $0x100  }
0x28: {  	[tilespmem:s13], [sflag:$0x3] =	stream.linear.gather [hbm4b:s15+s2], $0x80, $0x38;
	[tilespmem:$0x14700] =	vst v63  }
0x29: {  	s16 =	rddreg [dreg:$0xe];
	s17 =	simm.s32 $0x300  }
0x2a: {  	[tilespmem:s17], [sflag:$0x3] =	stream.linear.gather [hbm4b:s16+s2], $0x80, $0x38;
	[tilespmem:$0x14700] =	vst v63  }
0x2b: {  	s18 =	rddreg [dreg:$0xf]  }
0x2c: {  	[tilespmem:s31], [sflag:$0x3] =	stream.linear.gather [hbm4b:s18+s2], $0x80, $0x38;
	[tilespmem:$0x14700] =	vst v63  }
0x2d: {  	s19 =	rddreg [dreg:$0x10];
	s20 =	simm.s32 $0x180  }
0x2e: {  	[tilespmem:s20], [sflag:$0x4] =	stream.linear.gather [hbm4b:s19+s2], $0x80, $0x38;
	[tilespmem:$0x14700] =	vst v63  }
0x2f: {  	s21 =	rddreg [dreg:$0x11];
	s22 =	simm.s32 $0x380  }
0x30: {  	[tilespmem:s22], [sflag:$0x4] =	stream.linear.gather [hbm4b:s21+s2], $0x80, $0x38;
	[tilespmem:$0x14700] =	vst v63  }
0x31: {  	s14 =	rddreg [dreg:$0x12]  }
0x32: {  	[tilespmem:s23], [sflag:$0x4] =	stream.linear.gather [hbm4b:s14+s2], $0x80, $0x38;
	[tilespmem:$0x14700] =	vst v63  }
0x33: {  	_ =	swait.ge [sflag:s26], $0x80  }
0x34: {  	[sflag:s26] =	ssyncset.done $0x0  }
0x35: {  	[sflag:s26] =	ssyncadd.s32 $0xFFFFFF80  }
0x36: {  	_ =	swait.ge [sflag:s26], $0x80  }
0x37: {  	[sflag:s26] =	ssyncset.done $0x0  }
0x38: {  	[sflag:s26] =	ssyncadd.s32 $0xFFFFFF80  }
0x39: {  	_ =	swait.ge [sflag:s26], $0x80  }
0x3a: {  	[sflag:s26] =	ssyncset.done $0x0  }
0x3b: {  	s15 =	simm.s32 $0x600;
	[sflag:s26] =	ssyncadd.s32 $0xFFFFFF80  }
0x3c: {  	[tilespmem:s15], [sflag:$0x7] =	stream.indirect.gather [hbm4b:s1+s25], $0x80, s2, s25, $0xb8;
	[tilespmem:$0x14700] =	vst v63  }
0x3d: {  	s16 =	simm.s32 $0x4600  }
0x3e: {  	[tilespmem:s16], [sflag:$0x7] =	stream.indirect.gather [hbm4b:s1+s25], $0x80, s11, s25, $0xb8;
	[tilespmem:$0x14700] =	vst v63  }
0x3f: {  	s17 =	simm.s32 $0x8600  }
0x40: {  	[tilespmem:s17], [sflag:$0x7] =	stream.indirect.gather [hbm4b:s4+s25], $0x20, s24, s25, $0xb8;
	[tilespmem:$0x14700] =	vst v63  }
0x41: {  	s18 =	simm.s32 $0x9600  }
0x42: {  	[tilespmem:s18], [sflag:$0x7] =	stream.indirect.gather [hbm4b:s5+s25], $0x20, s24, s25, $0xb8;
	[tilespmem:$0x14700] =	vst v63  }
0x43: {  	_ =	swait.ge [sflag:s29], $0x80  }
0x44: {  	[sflag:s29] =	ssyncset.done $0x0  }
0x45: {  	[sflag:s29] =	ssyncadd.s32 $0xFFFFFF80  }
0x46: {  	_ =	swait.ge [sflag:s29], $0x80  }
0x47: {  	[sflag:s29] =	ssyncset.done $0x0  }
0x48: {  	[sflag:s29] =	ssyncadd.s32 $0xFFFFFF80  }
0x49: {  	_ =	swait.ge [sflag:s29], $0x80  }
0x4a: {  	[sflag:s29] =	ssyncset.done $0x0  }
0x4b: {  	s19 =	simm.s32 $0xA680;
	[sflag:s29] =	ssyncadd.s32 $0xFFFFFF80  }
0x4c: {  	[tilespmem:s19], [sflag:$0x8] =	stream.indirect.gather [hbm4b:s1+s25], $0x80, s25, s25, $0xb8;
	[tilespmem:$0x14700] =	vst v63  }
0x4d: {  	s20 =	simm.s32 $0xE680  }
0x4e: {  	[tilespmem:s20], [sflag:$0x8] =	stream.indirect.gather [hbm4b:s1+s25], $0x80, s12, s25, $0xb8;
	[tilespmem:$0x14700] =	vst v63  }
0x4f: {  	s21 =	simm.s32 $0x12680  }
0x50: {  	[tilespmem:s21], [sflag:$0x8] =	stream.indirect.gather [hbm4b:s4+s25], $0x20, s28, s25, $0xb8;
	[tilespmem:$0x14700] =	vst v63  }
0x51: {  	s22 =	simm.s32 $0x13680  }
0x52: {  	[tilespmem:s22], [sflag:$0x8] =	stream.indirect.gather [hbm4b:s5+s25], $0x20, s28, s25, $0xb8;
	[tilespmem:$0x14700] =	vst v63  }
0x53: {  	_ =	swait.ge [sflag:s0], $0x4000  }
0x54: {  	[sflag:s0] =	ssyncset.done $0x0  }
0x55: {  	[sflag:s0] =	ssyncadd.s32 $0xFFFFC000  }
0x56: {  	_ =	swait.ge [sflag:s0], $0x4000  }
0x57: {  	[sflag:s0] =	ssyncset.done $0x0  }
0x58: {  	[sflag:s0] =	ssyncadd.s32 $0xFFFFC000  }
0x59: {  	_ =	swait.ge [sflag:s0], $0x1000  }
0x5a: {  	[sflag:s0] =	ssyncset.done $0x0  }
0x5b: {  	[sflag:s0] =	ssyncadd.s32 $0xFFFFF000  }
0x5c: {  	_ =	swait.ge [sflag:s0], $0x1000  }
0x5d: {  	[sflag:s0] =	ssyncset.done $0x0  }
0x5e: {  	s10 =	simm.s32 $0x0;
	[sflag:s0] =	ssyncadd.s32 $0xFFFFF000  }
.LBB2_2:
0x5f: {  	s11 =	sshll.u32 s10, $0x4;
	s12 =	simm.s32 $0x0;
	p0 =	por $0x1, $0x1;
	v1 =	vimm.f32 $0.0e+00  }
.LBB2_3:
0x60: {  	s13 =	sor.u32 s11, s12  }
0x61: {  	s15 =	sshll.u32 s13, $0x7  }
0x62: {  	v8 =	vld [tilespmem:s15+$0x600]  }
0x63: {  	v9 =	vld [tilespmem:s15+$0x640]  }
0x64: {  	v10 =	vld [tilespmem:s15+$0x4600]  }
0x65: {  	v11 =	vld [tilespmem:s15+$0x4640]  }
0x66: {  	v13 =	vld [tilespmem:s15+$0x610]  }
0x67: {  	v14 =	vld [tilespmem:s15+$0x650]  }
0x68: {  	v15 =	vld [tilespmem:s15+$0x4610]  }
0x69: {  	v16 =	vld [tilespmem:s15+$0x4650]  }
0x6a: {  	v19 =	vld [tilespmem:s15+$0x620]  }
0x6b: {  	v20 =	vld [tilespmem:s15+$0x660]  }
0x6c: {  	v21 =	vld [tilespmem:s15+$0x4620]  }
0x6d: {  	v22 =	vld [tilespmem:s15+$0x4660]  }
0x6e: {  	v23 =	vld [tilespmem:s15+$0x630]  }
0x6f: {  	v2 =	vld [tilespmem:s15+$0x670]  }
0x70: {  	s14 =	sshll.u32 s13, $0x5;
	v24 =	vld [tilespmem:s15+$0x4630]  }
0x71: {  	s14 =	sand.u32 $0x7FFFFFE0, s14;
	v25 =	vld [tilespmem:s15+$0x4670]  }
0x72: {  	v5 =	vld [tilespmem:s14+$0x8600]  }
0x73: {  	s13 =	sor.u32 $0x1, s12;
	v6 =	vld [tilespmem:s14+$0x9600]  }
0x74: {  	s17 =	sor.u32 s11, s13;
	v17 =	vld [tilespmem:s14+$0x8610]  }
0x75: {  	v18 =	vld [tilespmem:s14+$0x9610];
	s19 =	sshll.u32 s17, $0x7  }
0x76: {  	v28 =	vld [tilespmem:s19+$0x600]  }
0x77: {  	v29 =	vld [tilespmem:s19+$0x640]  }
0x78: {  	v30 =	vld [tilespmem:s19+$0x4600]  }
0x79: {  	v31 =	vld [tilespmem:s19+$0x4640]  }
0x7a: {  	v32 =	vld [tilespmem:s19+$0x610]  }
0x7b: {  	v33 =	vld [tilespmem:s19+$0x650]  }
0x7c: {  	v34 =	vld [tilespmem:s19+$0x4610]  }
0x7d: {  	v35 =	vld [tilespmem:s19+$0x4650]  }
0x7e: {  	v38 =	vld [tilespmem:s19+$0x620]  }
0x7f: {  	v7 =	vld [tilespmem:s19+$0x660]  }
0x80: {  	v40 =	vld [tilespmem:s19+$0x4620]  }
0x81: {  	s16 =	sshll.u32 s17, $0x5;
	v42 =	vld [tilespmem:s19+$0x4660]  }
0x82: {  	s18 =	sand.u32 $0x7FFFFFE0, s16;
	v3 =	vld [tilespmem:s19+$0x630]  }
0x83: {  	v26 =	vld [tilespmem:s18+$0x8600]  }
0x84: {  	s14 =	sor.u32 $0x2, s12;
	v27 =	vld [tilespmem:s18+$0x9600]  }
0x85: {  	s20 =	sor.u32 s11, s14;
	v36 =	vld [tilespmem:s18+$0x8610]  }
0x86: {  	v37 =	vld [tilespmem:s18+$0x9610];
	s21 =	sshll.u32 s20, $0x7  }
0x87: {  	v46 =	vld [tilespmem:s21+$0x610]  }
0x88: {  	s17 =	sshll.u32 s20, $0x5;
	v47 =	vld [tilespmem:s21+$0x4610];
	v12 =	vunpack.i.l.bf16.f32 v5;
	v39 =	vunpack.i.l.bf16.f32 v6  }
0x89: {  	s17 =	sand.u32 $0x7FFFFFE0, s17;
	v49 =	vld [tilespmem:s21+$0x4650];
	v5 =	vunpack.i.u.bf16.f32 v5;
	v4 =	vmul.f32 v10, v12;
	v41 =	vmul.f32 v11, v39  }
0x8a: {  	v43 =	vld [tilespmem:s17+$0x8600];
	v6 =	vunpack.i.u.bf16.f32 v6;
	v11 =	vmul.f32 v11, v12;
	v10 =	vmul.f32 v10, v39  }
0x8b: {  	v44 =	vld [tilespmem:s17+$0x9600];
	v57 =	vunpack.i.l.bf16.f32 v17;
	v54 =	vmul.f32 v15, v5;
	v55 =	vmul.f32 v16, v6  }
0x8c: {  	v58 =	vunpack.i.l.bf16.f32 v18;
	v12 =	vld [tilespmem:s19+$0x4630];
	v5 =	vmul.f32 v16, v5;
	v6 =	vmul.f32 v15, v6  }
0x8d: {  	v17 =	vunpack.i.u.bf16.f32 v17;
	v39 =	vld [tilespmem:s19+$0x4670];
	v59 =	vmul.f32 v21, v57;
	v45 =	vmul.f32 v22, v58  }
0x8e: {  	v18 =	vunpack.i.u.bf16.f32 v18;
	v15 =	vld [tilespmem:s21+$0x640];
	v21 =	vmul.f32 v21, v58;
	v61 =	vmul.f32 v24, v17  }
0x8f: {  	v16 =	vld [tilespmem:s21+$0x4640];
	v62 =	vmul.f32 v25, v18;
	v17 =	vmul.f32 v25, v17  }
0x90: {  	v18 =	vmul.f32 v24, v18;
	v63 =	vunpack.i.l.bf16.f32 v26;
	v41 =	vadd.f32 v41, v4;
	v4 =	vld [tilespmem:s19+$0x670]  }
0x91: {  	s15 =	sor.u32 $0x3, s12;
	v48 =	vunpack.i.l.bf16.f32 v27;
	v26 =	vunpack.i.u.bf16.f32 v26;
	v10 =	vsub.f32 v11, v10;
	v11 =	vld [tilespmem:s17+$0x8610]  }
0x92: {  	s22 =	sor.u32 s11, s15;
	v27 =	vunpack.i.u.bf16.f32 v27;
	v5 =	vsub.f32 v5, v6;
	v6 =	vmul.f32 v22, v57;
	v22 =	vld [tilespmem:s21+$0x620]  }
0x93: {  	s18 =	sshll.u32 s22, $0x5;
	v60 =	vadd.f32 v45, v59;
	v50 =	vmul.f32 v30, v63;
	v57 =	vmul.f32 v30, v48;
	v30 =	vld [tilespmem:s21+$0x4620]  }
0x94: {  	v45 =	vadd.f32 v62, v61;
	v58 =	vmul.f32 v34, v26;
	v61 =	vmul.f32 v35, v26;
	v26 =	vld [tilespmem:s21+$0x4630];
	s19 =	sand.u32 $0x7FFFFFE0, s18  }
0x95: {  	v56 =	vadd.f32 v55, v54;
	v59 =	vmul.f32 v35, v27;
	v62 =	vmul.f32 v34, v27;
	v27 =	vld [tilespmem:s19+$0x8600]  }
0x96: {  	v51 =	vmul.f32 v31, v48;
	v8 =	vmul.f32 v41, v8;
	v41 =	vld [tilespmem:s21+$0x600]  }
0x97: {  	s16 =	sor.u32 $0x4, s12;
	v9 =	vmul.f32 v10, v9;
	v10 =	vmul.f32 v56, v13;
	v13 =	vld [tilespmem:s21+$0x4600]  }
0x98: {  	s20 =	sor.u32 s11, s16;
	v17 =	vsub.f32 v17, v18;
	v34 =	vunpack.i.l.bf16.f32 v37;
	v54 =	vmul.f32 v45, v23;
	v23 =	vld [tilespmem:s21+$0x660]  }
0x99: {  	s18 =	sshll.u32 s20, $0x7;
	v48 =	vmul.f32 v42, v34;
	v6 =	vsub.f32 v6, v21;
	v5 =	vmul.f32 v5, v14;
	v45 =	vld [tilespmem:s21+$0x4660]  }
0x9a: {  	v56 =	vmul.f32 v31, v63;
	v21 =	vadd.f32 v59, v58;
	v31 =	vld [tilespmem:s18+$0x610];
	v8 =	vadd.f32 $0.0e+00, v8  }
0x9b: {  	v52 =	vmul.f32 v60, v19;
	v55 =	vadd.f32 v51, v50;
	v53 =	vmul.f32 v6, v20;
	v6 =	vld [tilespmem:s21+$0x630]  }
0x9c: {  	v63 =	vmul.f32 v21, v32;
	v21 =	vld [tilespmem:s21+$0x4670];
	v32 =	vunpack.i.l.bf16.f32 v36;
	v9 =	vadd.f32 v8, v9  }
0x9d: {  	v19 =	vsub.f32 v61, v62;
	v2 =	vmul.f32 v17, v2;
	v35 =	vmul.f32 v40, v32;
	v8 =	vld [tilespmem:s21+$0x650]  }
0x9e: {  	v58 =	vunpack.i.l.bf16.f32 v43;
	v59 =	vunpack.i.l.bf16.f32 v44;
	v10 =	vadd.f32 v10, v9;
	v9 =	vld [tilespmem:s17+$0x9610];
	s17 =	sshll.u32 s22, $0x7  }
0x9f: {  	v61 =	vmul.f32 v16, v59;
	v28 =	vmul.f32 v55, v28;
	v51 =	vadd.f32 v48, v35;
	v18 =	vld [tilespmem:s17+$0x600]  }
0xa0: {  	v16 =	vmul.f32 v16, v58;
	v25 =	vld [tilespmem:s17+$0x640];
	v5 =	vadd.f32 v10, v5;
	v10 =	vsub.f32 v56, v57  }
0xa1: {  	v50 =	vmul.f32 v19, v33;
	v55 =	vunpack.i.u.bf16.f32 v37;
	v60 =	vadd.f32 $0.0e+00, v28;
	v33 =	vld [tilespmem:s17+$0x4640]  }
0xa2: {  	v19 =	vmul.f32 v51, v38;
	v37 =	vld [tilespmem:s17+$0x610];
	v14 =	vadd.f32 v52, v5;
	v10 =	vmul.f32 v10, v29  }
0xa3: {  	v24 =	vld [tilespmem:s17+$0x4650];
	v51 =	vunpack.i.l.bf16.f32 v11;
	v57 =	vmul.f32 v39, v55;
	v52 =	vmul.f32 v42, v32  }
0xa4: {  	v38 =	vld [tilespmem:s17+$0x620];
	v14 =	vadd.f32 v14, v53;
	v10 =	vadd.f32 v60, v10;
	v53 =	vmul.f32 v40, v34  }
0xa5: {  	v35 =	vld [tilespmem:s17+$0x4630];
	v11 =	vunpack.i.u.bf16.f32 v11;
	v60 =	vmul.f32 v13, v58;
	v13 =	vmul.f32 v13, v59  }
0xa6: {  	v5 =	vld [tilespmem:s21+$0x670];
	v40 =	vunpack.i.u.bf16.f32 v44;
	v14 =	vadd.f32 v54, v14;
	v10 =	vadd.f32 v63, v10  }
0xa7: {  	v29 =	vld [tilespmem:s19+$0x9600];
	v54 =	vunpack.i.u.bf16.f32 v36;
	v63 =	vunpack.i.u.bf16.f32 v43;
	v43 =	vmul.f32 v49, v40  }
0xa8: {  	v32 =	vld [tilespmem:s17+$0x4600];
	v20 =	vsub.f32 v52, v53;
	v53 =	vmul.f32 v30, v51;
	v56 =	vmul.f32 v12, v54  }
0xa9: {  	v34 =	vld [tilespmem:s19+$0x8610];
	v13 =	vsub.f32 v16, v13;
	v28 =	vmul.f32 v39, v54;
	v12 =	vmul.f32 v12, v55  }
0xaa: {  	v16 =	vld [tilespmem:s19+$0x9610];
	v52 =	vunpack.i.l.bf16.f32 v9;
	v42 =	vmul.f32 v47, v63;
	v48 =	vmul.f32 v49, v63  }
0xab: {  	v58 =	vunpack.i.l.bf16.f32 v27;
	v49 =	vmul.f32 v47, v40;
	v39 =	vld [tilespmem:s17+$0x630];
	v54 =	vmul.f32 v45, v52  }
0xac: {  	v9 =	vunpack.i.u.bf16.f32 v9;
	v55 =	vmul.f32 v45, v51;
	v30 =	vmul.f32 v30, v52;
	v40 =	vld [tilespmem:s18+$0x640]  }
0xad: {  	v59 =	vunpack.i.l.bf16.f32 v29;
	v63 =	vmul.f32 v21, v9;
	v17 =	vadd.f32 v10, v50;
	v10 =	vld [tilespmem:s17+$0x650]  }
0xae: {  	v9 =	vmul.f32 v26, v9;
	v29 =	vunpack.i.u.bf16.f32 v29;
	v7 =	vmul.f32 v20, v7;
	v20 =	vld [tilespmem:s17+$0x4610]  }
0xaf: {  	v2 =	vadd.f32 v14, v2;
	v14 =	vadd.f32 v61, v60;
	v13 =	vmul.f32 v13, v15;
	v15 =	vld [tilespmem:s17+$0x660]  }
0xb0: {  	v60 =	vmul.f32 v32, v58;
	v62 =	vadd.f32 v57, v56;
	v12 =	vsub.f32 v28, v12;
	v28 =	vld [tilespmem:s17+$0x4660]  }
0xb1: {  	v61 =	vmul.f32 v33, v59;
	v44 =	vadd.f32 v43, v42;
	v56 =	vadd.f32 v54, v53;
	v42 =	vld [tilespmem:s18+$0x4600]  }
0xb2: {  	v43 =	vmul.f32 v24, v29;
	v51 =	vunpack.i.l.bf16.f32 v34;
	v53 =	vunpack.i.u.bf16.f32 v34;
	v34 =	vld [tilespmem:s18+$0x630]  }
0xb3: {  	v17 =	vadd.f32 v19, v17;
	v14 =	vmul.f32 v14, v41;
	v19 =	vld [tilespmem:s17+$0x4670];
	v3 =	vmul.f32 v62, v3  }
0xb4: {  	v27 =	vunpack.i.u.bf16.f32 v27;
	v12 =	vmul.f32 v12, v4;
	v50 =	vmul.f32 v44, v46;
	v4 =	vld [tilespmem:s17+$0x670]  }
0xb5: {  	v36 =	vadd.f32 v61, v60;
	v57 =	vmul.f32 v56, v22;
	v62 =	vmul.f32 v26, v11;
	v26 =	vld [tilespmem:s18+$0x4640]  }
0xb6: {  	v11 =	vmul.f32 v21, v11;
	v22 =	vmul.f32 v33, v58;
	v21 =	vld [tilespmem:s18+$0x650];
	v52 =	vunpack.i.l.bf16.f32 v16  }
0xb7: {  	v33 =	vld [tilespmem:s18+$0x4610];
	v16 =	vunpack.i.u.bf16.f32 v16;
	v56 =	vmul.f32 v35, v53;
	v14 =	vadd.f32 $0.0e+00, v14  }
0xb8: {  	v7 =	vadd.f32 v17, v7;
	v17 =	vld [tilespmem:s17+$0x4620];
	v18 =	vmul.f32 v36, v18;
	v44 =	vsub.f32 v11, v9  }
0xb9: {  	v41 =	vmul.f32 v20, v27;
	v9 =	vld [tilespmem:s18+$0x4650];
	v13 =	vadd.f32 v14, v13;
	v14 =	vsub.f32 v48, v49  }
0xba: {  	v20 =	vmul.f32 v20, v29;
	v11 =	vld [tilespmem:s18+$0x4670];
	v3 =	vadd.f32 v3, v7;
	v7 =	vsub.f32 v55, v30  }
0xbb: {  	s19 =	sshll.u32 s20, $0x5;
	v30 =	vld [tilespmem:s18+$0x600];
	v45 =	vadd.f32 $0.0e+00, v18;
	v48 =	vmul.f32 v24, v27;
	v55 =	vmul.f32 v28, v52  }
0xbc: {  	s21 =	sand.u32 $0x7FFFFFE0, s19;
	v24 =	vld [tilespmem:s18+$0x660];
	v18 =	vmul.f32 v28, v51;
	v5 =	vmul.f32 v44, v5;
	v13 =	vadd.f32 v50, v13  }
0xbd: {  	s17 =	sor.u32 $0x5, s12;
	v8 =	vmul.f32 v14, v8;
	v3 =	vadd.f32 v3, v12;
	v12 =	vld [tilespmem:s21+$0x8600];
	v7 =	vmul.f32 v7, v23  }
0xbe: {  	s22 =	sor.u32 s11, s17;
	v47 =	vadd.f32 v43, v41;
	v14 =	vld [tilespmem:s21+$0x9600];
	v23 =	vmul.f32 v32, v59;
	v54 =	vmul.f32 v17, v51  }
0xbf: {  	s19 =	sshll.u32 s22, $0x7;
	v43 =	vld [tilespmem:s18+$0x4630];
	v17 =	vmul.f32 v17, v52;
	v8 =	vadd.f32 v13, v8;
	v13 =	vadd.f32 v63, v62  }
0xc0: {  	v29 =	vld [tilespmem:s19+$0x600];
	v50 =	vmul.f32 v47, v37;
	v47 =	vmul.f32 v19, v53;
	v22 =	vsub.f32 v22, v23  }
0xc1: {  	v36 =	vld [tilespmem:s19+$0x640];
	v27 =	vadd.f32 v55, v54;
	v17 =	vsub.f32 v18, v17;
	v6 =	vmul.f32 v13, v6  }
0xc2: {  	v32 =	vld [tilespmem:s18+$0x4620];
	v8 =	vadd.f32 v57, v8;
	v46 =	vmul.f32 v22, v25;
	v57 =	vmul.f32 v19, v16  }
0xc3: {  	v37 =	vld [tilespmem:s18+$0x670];
	v16 =	vmul.f32 v35, v16;
	v58 =	vunpack.i.l.bf16.f32 v12;
	v59 =	vunpack.i.l.bf16.f32 v14  }
0xc4: {  	v23 =	vld [tilespmem:s21+$0x9610];
	v62 =	vmul.f32 v27, v38;
	v15 =	vmul.f32 v17, v15;
	v12 =	vunpack.i.u.bf16.f32 v12  }
0xc5: {  	v55 =	vld [tilespmem:s19+$0x4610];
	v14 =	vunpack.i.u.bf16.f32 v14;
	v60 =	vmul.f32 v42, v58;
	v61 =	vmul.f32 v26, v59  }
0xc6: {  	s20 =	sshll.u32 s22, $0x5;
	v22 =	vld [tilespmem:s21+$0x8610];
	v7 =	vadd.f32 v8, v7;
	v41 =	vmul.f32 v26, v58;
	v44 =	vmul.f32 v42, v59  }
0xc7: {  	v13 =	vld [tilespmem:s18+$0x620];
	s21 =	sand.u32 $0x7FFFFFE0, s20;
	v49 =	vadd.f32 v45, v46;
	v45 =	vmul.f32 v33, v12;
	v46 =	vmul.f32 v9, v14  }
0xc8: {  	v28 =	vadd.f32 v57, v56;
	v26 =	vld [tilespmem:s21+$0x9600];
	v9 =	vmul.f32 v9, v12;
	v51 =	vmul.f32 v33, v14  }
0xc9: {  	v14 =	vld [tilespmem:s19+$0x610];
	v54 =	vunpack.i.l.bf16.f32 v23;
	v6 =	vadd.f32 v6, v7;
	v7 =	vsub.f32 v48, v20  }
0xca: {  	v58 =	vld [tilespmem:s19+$0x4650];
	v8 =	vadd.f32 v50, v49;
	v63 =	vmul.f32 v28, v39;
	v39 =	vadd.f32 v61, v60  }
0xcb: {  	v42 =	vld [tilespmem:s19+$0x4660];
	v18 =	vadd.f32 v46, v45;
	v9 =	vsub.f32 v9, v51;
	v53 =	vunpack.i.l.bf16.f32 v22  }
0xcc: {  	v20 =	vld [tilespmem:s18+$0x4660];
	v61 =	vunpack.i.u.bf16.f32 v22;
	v7 =	vmul.f32 v7, v10;
	v27 =	vmul.f32 v39, v30  }
0xcd: {  	v50 =	vld [tilespmem:s19+$0x4640];
	v10 =	vsub.f32 v47, v16;
	v52 =	vmul.f32 v18, v31;
	v56 =	vmul.f32 v32, v53  }
0xce: {  	v48 =	vld [tilespmem:s19+$0x4600];
	v9 =	vmul.f32 v9, v21;
	v5 =	vadd.f32 v6, v5;
	v39 =	vunpack.i.u.bf16.f32 v23  }
0xcf: {  	v28 =	vld [tilespmem:s21+$0x8600];
	v38 =	vunpack.i.l.bf16.f32 v26;
	v45 =	vmul.f32 v11, v39;
	v46 =	vmul.f32 v43, v39  }
0xd0: {  	v16 =	vld [tilespmem:s19+$0x650];
	v26 =	vunpack.i.u.bf16.f32 v26;
	v7 =	vadd.f32 v8, v7;
	v4 =	vmul.f32 v10, v4  }
0xd1: {  	v21 =	vld [tilespmem:s19+$0x4620];
	v8 =	vsub.f32 v41, v44;
	v44 =	vmul.f32 v43, v61;
	v57 =	vmul.f32 v20, v54  }
0xd2: {  	s18 =	sor.u32 $0x6, s12;
	v49 =	vadd.f32 $0.0e+00, v27;
	v10 =	vld [tilespmem:s21+$0x8610];
	v12 =	vmul.f32 v20, v53;
	v41 =	vmul.f32 v50, v38  }
0xd3: {  	s22 =	sor.u32 s11, s18;
	v27 =	vld [tilespmem:s19+$0x630];
	v19 =	vmul.f32 v48, v38;
	v7 =	vadd.f32 v62, v7;
	v8 =	vmul.f32 v8, v40  }
0xd4: {  	s20 =	sshll.u32 s22, $0x7;
	v20 =	vld [tilespmem:s19+$0x670];
	v47 =	vunpack.i.u.bf16.f32 v28;
	v62 =	vmul.f32 v32, v54;
	v59 =	vadd.f32 v57, v56  }
0xd5: {  	v54 =	vld [tilespmem:s20+$0x600];
	v22 =	vmul.f32 v58, v47;
	v7 =	vadd.f32 v7, v15;
	v8 =	vadd.f32 v49, v8  }
0xd6: {  	v56 =	vld [tilespmem:s20+$0x640];
	v12 =	vsub.f32 v12, v62;
	v49 =	vmul.f32 v55, v47;
	v55 =	vmul.f32 v55, v26  }
0xd7: {  	v15 =	vld [tilespmem:s21+$0x9610];
	v6 =	vmul.f32 v59, v13;
	v57 =	vunpack.i.l.bf16.f32 v10;
	v10 =	vunpack.i.u.bf16.f32 v10  }
0xd8: {  	v62 =	vld [tilespmem:s20+$0x4640];
	v7 =	vadd.f32 v63, v7;
	v63 =	vunpack.i.l.bf16.f32 v28;
	v12 =	vmul.f32 v12, v24  }
0xd9: {  	s21 =	sshll.u32 s22, $0x5;
	v13 =	vld [tilespmem:s19+$0x660];
	v8 =	vadd.f32 v52, v8;
	v38 =	vmul.f32 v42, v57;
	v40 =	vmul.f32 v48, v63  }
0xda: {  	s21 =	sand.u32 $0x7FFFFFE0, s21;
	v59 =	vld [tilespmem:s20+$0x4600];
	v22 =	vsub.f32 v22, v55;
	v18 =	vmul.f32 v50, v63;
	v50 =	vmul.f32 v58, v26  }
0xdb: {  	v51 =	vld [tilespmem:s21+$0x8600];
	v4 =	vadd.f32 v7, v4;
	v60 =	vadd.f32 v8, v9;
	v9 =	vmul.f32 v11, v61  }
0xdc: {  	v52 =	vld [tilespmem:s21+$0x9600];
	v7 =	vadd.f32 v45, v44;
	v16 =	vmul.f32 v22, v16;
	v23 =	vadd.f32 v41, v40  }
0xdd: {  	v28 =	vld [tilespmem:s19+$0x4630];
	v18 =	vsub.f32 v18, v19;
	v53 =	vadd.f32 v50, v49;
	v58 =	vunpack.i.l.bf16.f32 v15  }
0xde: {  	v48 =	vld [tilespmem:s19+$0x4670];
	v6 =	vadd.f32 v6, v60;
	v60 =	vmul.f32 v21, v57;
	v61 =	vmul.f32 v42, v58  }
0xdf: {  	v63 =	vld [tilespmem:s20+$0x4610];
	v15 =	vunpack.i.u.bf16.f32 v15;
	v7 =	vmul.f32 v7, v34;
	v39 =	vmul.f32 v21, v58  }
0xe0: {  	v8 =	vld [tilespmem:s19+$0x620];
	v9 =	vsub.f32 v9, v46;
	v23 =	vmul.f32 v23, v29;
	v18 =	vmul.f32 v18, v36  }
0xe1: {  	v40 =	vld [tilespmem:s21+$0x9610];
	v11 =	vmul.f32 v53, v14;
	v42 =	vunpack.i.l.bf16.f32 v51;
	v43 =	vunpack.i.l.bf16.f32 v52  }
0xe2: {  	v41 =	vld [tilespmem:s20+$0x4650];
	v46 =	vmul.f32 v28, v10;
	v30 =	vunpack.i.u.bf16.f32 v52;
	v9 =	vmul.f32 v9, v37  }
0xe3: {  	s19 =	sor.u32 $0x7, s12;
	v49 =	vld [tilespmem:s20+$0x610];
	v6 =	vadd.f32 v6, v12;
	v44 =	vmul.f32 v59, v42;
	v45 =	vmul.f32 v62, v43  }
0xe4: {  	s22 =	sor.u32 s11, s19;
	v53 =	vld [tilespmem:s20+$0x4620];
	v36 =	vadd.f32 v61, v60;
	v14 =	vmul.f32 v62, v42;
	v47 =	vmul.f32 v48, v15  }
0xe5: {  	v37 =	vld [tilespmem:s21+$0x8610];
	s21 =	sshll.u32 s22, $0x5;
	v10 =	vmul.f32 v48, v10;
	v48 =	vunpack.i.u.bf16.f32 v51;
	v15 =	vmul.f32 v28, v15;
	s22 =	sshll.u32 s22, $0x7  }
0xe6: {  	v12 =	vmul.f32 v63, v30;
	v23 =	vadd.f32 $0.0e+00, v23;
	v51 =	vmul.f32 v63, v48;
	v58 =	vld [tilespmem:s22+$0x4640]  }
0xe7: {  	s21 =	sand.u32 $0x7FFFFFE0, s21;
	v42 =	vld [tilespmem:s22+$0x4650];
	v6 =	vadd.f32 v7, v6;
	v8 =	vmul.f32 v36, v8;
	v7 =	vsub.f32 v38, v39  }
0xe8: {  	v32 =	vld [tilespmem:s21+$0x9600];
	v25 =	vadd.f32 v45, v44;
	v52 =	vmul.f32 v41, v30;
	v10 =	vsub.f32 v10, v15  }
0xe9: {  	v34 =	vld [tilespmem:s21+$0x9610];
	v61 =	vunpack.i.l.bf16.f32 v40;
	v21 =	vunpack.i.u.bf16.f32 v40;
	v18 =	vadd.f32 v23, v18  }
0xea: {  	v15 =	vld [tilespmem:s20+$0x4670];
	v7 =	vmul.f32 v7, v13;
	v17 =	vmul.f32 v25, v54;
	v25 =	vadd.f32 v52, v51  }
0xeb: {  	v13 =	vld [tilespmem:s21+$0x8610];
	v6 =	vadd.f32 v6, v9;
	v11 =	vadd.f32 v11, v18;
	v18 =	vmul.f32 v59, v43  }
0xec: {  	v54 =	vld [tilespmem:s20+$0x4660];
	v60 =	vunpack.i.l.bf16.f32 v37;
	v17 =	vadd.f32 $0.0e+00, v17;
	v57 =	vmul.f32 v25, v49  }
0xed: {  	v9 =	vld [tilespmem:s20+$0x4630];
	v62 =	vmul.f32 v53, v60;
	v11 =	vadd.f32 v11, v16;
	v14 =	vsub.f32 v14, v18  }
0xee: {  	v16 =	vmul.f32 v41, v48;
	v38 =	vunpack.i.l.bf16.f32 v32;
	v18 =	vmul.f32 v53, v61  }
0xef: {  	v50 =	vld [tilespmem:s20+$0x650];
	v45 =	vmul.f32 v15, v21;
	v48 =	vunpack.i.u.bf16.f32 v32;
	v35 =	vunpack.i.u.bf16.f32 v34  }
0xf0: {  	v23 =	vld [tilespmem:s21+$0x8600];
	v41 =	vmul.f32 v58, v38;
	v51 =	vmul.f32 v42, v48;
	v8 =	vadd.f32 v8, v11  }
0xf1: {  	(xrf2) =	vadd.scan.msk.f32 $0xffff, v2;
	v39 =	vld [tilespmem:s22+$0x4610];
	v11 =	vadd.f32 v47, v46;
	v14 =	vmul.f32 v14, v56;
	v12 =	vsub.f32 v16, v12  }
0xf2: {  	(xrf2) =	vadd.scan.msk.f32 $0xffff, v3;
	v56 =	vld [tilespmem:s22+$0x4600];
	v36 =	vmul.f32 v54, v61;
	v3 =	vmul.f32 v9, v21;
	v33 =	vunpack.i.u.bf16.f32 v13  }
0xf3: {  	v31 =	vld [tilespmem:s20+$0x620];
	v7 =	vadd.f32 v8, v7;
	v55 =	vmul.f32 v11, v27;
	v14 =	vadd.f32 v17, v14  }
0xf4: {  	v63 =	vld [tilespmem:s22+$0x600];
	v8 =	vmul.f32 v10, v20;
	v12 =	vmul.f32 v12, v50;
	v17 =	vunpack.i.u.bf16.f32 v37  }
0xf5: {  	v52 =	vld [tilespmem:s22+$0x4620];
	v37 =	vunpack.i.l.bf16.f32 v23;
	v23 =	vunpack.i.u.bf16.f32 v23;
	v44 =	vmul.f32 v9, v17  }
0xf6: {  	v43 =	vld [tilespmem:s20+$0x660];
	v20 =	vadd.f32 v36, v62;
	v16 =	vmul.f32 v58, v37;
	v50 =	vmul.f32 v39, v23  }
0xf7: {  	v53 =	vld [tilespmem:s22+$0x4660];
	v58 =	vunpack.i.l.bf16.f32 v13;
	v2 =	vmul.f32 v15, v17;
	v40 =	vmul.f32 v56, v37  }
0xf8: {  	v46 =	vld [tilespmem:s22+$0x640];
	v7 =	vadd.f32 v55, v7;
	v59 =	vadd.f32 v57, v14;
	v14 =	vmul.f32 v54, v60  }
0xf9: {  	v47 =	vld [tilespmem:s20+$0x630];
	v20 =	vmul.f32 v20, v31;
	v11 =	vmul.f32 v56, v38;
	v29 =	vadd.f32 v41, v40  }
0xfa: {  	v49 =	vld [tilespmem:s22+$0x610];
	v55 =	vmul.f32 v42, v23;
	v61 =	vmul.f32 v52, v58;
	v19 =	vadd.f32 v45, v44  }
0xfb: {  	v54 =	vld [tilespmem:s22+$0x650];
	v56 =	vmul.f32 v39, v48;
	v11 =	vsub.f32 v16, v11;
	v22 =	vmul.f32 v29, v63  }
0xfc: {  	v57 =	vld [tilespmem:s22+$0x620];
	v14 =	vsub.f32 v14, v18;
	v10 =	vadd.f32 v59, v12;
	v59 =	vunpack.i.l.bf16.f32 v34  }
0xfd: {  	v60 =	vld [tilespmem:s22+$0x4630];
	v16 =	vadd.f32 v51, v50;
	v11 =	vmul.f32 v11, v46;
	v22 =	vadd.f32 $0.0e+00, v22  }
0xfe: {  	v18 =	vmul.f32 v19, v47;
	v12 =	vsub.f32 v55, v56;
	v62 =	vmul.f32 v53, v59;
	v63 =	vld [tilespmem:s22+$0x4670]  }
0xff: {  	v25 =	vld [tilespmem:s22+$0x660];
	v30 =	vmul.f32 v52, v59;
	v16 =	vmul.f32 v16, v49;
	v11 =	vadd.f32 v22, v11  }
0x100: {  	v2 =	vsub.f32 v2, v3;
	v14 =	vmul.f32 v14, v43;
	v29 =	vmul.f32 v53, v58  }
0x101: {  	v31 =	vld [tilespmem:s20+$0x670];
	v12 =	vmul.f32 v12, v54;
	v27 =	vadd.f32 v62, v61;
	v11 =	vadd.f32 v16, v11  }
0x102: {  	v38 =	vld [tilespmem:s22+$0x630];
	v10 =	vadd.f32 v20, v10;
	v40 =	vmul.f32 v60, v33;
	v37 =	vsub.f32 v29, v30  }
0x103: {  	v36 =	vmul.f32 v27, v57;
	v41 =	vmul.f32 v63, v35;
	v32 =	vadd.f32 v11, v12  }
0x104: {  	(xrf2) =	vadd.scan.msk.f32 $0xffff, v5;
	v42 =	vld [tilespmem:s22+$0x670];
	v46 =	vmul.f32 v60, v35;
	v39 =	vadd.f32 v10, v14;
	v43 =	vmul.f32 v37, v25  }
0x105: {  	v45 =	vmul.f32 v63, v33;
	v44 =	vadd.f32 v41, v40;
	v3 =	vadd.f32 v36, v32  }
0x106: {  	(xrf2) =	vadd.scan.msk.f32 $0xffff, v4;
	v7 =	vadd.f32 v7, v8;
	v2 =	vmul.f32 v2, v31;
	v5 =	vadd.f32 v18, v39  }
0x107: {  	(xrf2) =	vadd.scan.msk.f32 $0xffff, v6;
	v47 =	vsub.f32 v45, v46;
	v4 =	vmul.f32 v44, v38;
	v3 =	vadd.f32 v3, v43  }
0x108: {  	v48, _, _ =	vpop (xrf2);
	(xrf2) =	vadd.scan.msk.f32 $0xffff, v7  }
0x109: {  	v2 =	vadd.f32 v5, v2;
	v49 =	vmul.f32 v47, v42;
	v3 =	vadd.f32 v4, v3  }
0x10a: {  	v50 =	vmov s12  }
0x10b: {  	v51 =	vbroadcast v48, $0xF;
	v52, _, _ =	vpop (xrf2);
	(xrf2) =	vadd.scan.msk.f32 $0xffff, v2;
	v2 =	vadd.f32 v3, v49;
	v3 =	vmov s13  }
0x10c: {  	vm0 =	veq.s32 v50, v0  }
0x10d: {  	v53 =	vnsel vm0, $0x0, v51;
	v5 =	vbroadcast v52, $0xF  }
0x10e: {  	v1 =	vadd.f32 v53, v1;
	vm9 =	veq.s32 v3, v0;
	v3, _, _ =	vpop (xrf2)  }
0x10f: {  	v54 =	vnsel vm9, $0x0, v5;
	(xrf2) =	vadd.scan.msk.f32 $0xffff, v2;
	v2 =	vmov s14;
	v3 =	vbroadcast v3, $0xF  }
0x110: {  	v1 =	vadd.f32 v54, v1;
	v55, _, _ =	vpop (xrf2);
	vm10 =	veq.s32 v2, v0  }
0x111: {  	v2 =	vmov s15;
	v56 =	vbroadcast v55, $0xF;
	v57, _, _ =	vpop (xrf2);
	v3 =	vnsel vm10, $0x0, v3  }
0x112: {  	vm11 =	veq.s32 v2, v0;
	v58 =	vbroadcast v57, $0xF;
	v59, _, _ =	vpop (xrf2);
	v1 =	vadd.f32 v3, v1  }
0x113: {  	v2 =	vnsel vm11, $0x0, v56;
	v3 =	vmov s16;
	v60 =	vbroadcast v59, $0xF  }
0x114: {  	vm12 =	veq.s32 v3, v0;
	v3 =	vmov s17;
	v1 =	vadd.f32 v2, v1  }
0x115: {  	v2 =	vnsel vm12, $0x0, v58;
	vm13 =	veq.s32 v3, v0  }
0x116: {  	v1 =	vadd.f32 v2, v1;
	v2 =	vnsel vm13, $0x0, v60  }
0x117: {  	v61, _, _ =	vpop (xrf2)  }
0x118: {  	p1 =	por p0, p0;
	v62 =	vbroadcast v61, $0xF;
	v3 =	vmov s18  }
.Ltmp0:
0x119: {  	vm14 =	veq.s32 v3, v0;
	v1 =	vadd.f32 v2, v1;
	v2, _, _ =	vpop (xrf2);
	(pc) =	sbr.rel @p1 .LBB2_3-.Ltmp0, $4  }
0x11a: {  	v63 =	vmov s19;
	v3 =	vnsel vm14, $0x0, v62;
	v2 =	vbroadcast v2, $0xF  }
0x11b: {  	vm15 =	veq.s32 v63, v0;
	v1 =	vadd.f32 v3, v1  }
0x11c: {  	v2 =	vnsel vm15, $0x0, v2  }
0x11d: {  	p0 =	por $0x0, $0x0;
	s12 =	simm.s32 $0x8;
	v1 =	vadd.f32 v2, v1  }
0x11e: {  	s10 =	sadd.s32 $0x1, s10  }
0x11f: {  	p0 =	sne.s32 s10, $0x8  }
.Ltmp1:
0x120: {  	_ = 	snop;
	(pc) =	sbr.rel @p0 .LBB2_2-.Ltmp1, $2  }
0x121: {  	_ =	sdelay $0x2  }
0x122: {  	[tilespmem:s11+$0xA600] =	vst v1  }
0x123: {  	s10 =	simm.s32 $0x0;
	s11 =	rddreg [dreg:$0x13];
	s12 =	simm.s32 $0xA600  }
0x124: {  	[hbm4b:s11+s10] =	stream.linear.scatter [tilespmem:s12], [sflag:$0x5], $0x80, $0x38;
	[tilespmem:$0x14700] =	vst v63  }
0x125: {  	_ =	swait.ge [sflag:s30], $0x80  }
0x126: {  	[sflag:s30] =	ssyncset.done $0x0  }
0x127: {  	[sflag:s30] =	ssyncadd.s32 $0xFFFFFF80  }
0x128: {  	_ =	swait.ge [sflag:s30], $0x80  }
0x129: {  	[sflag:s30] =	ssyncset.done $0x0  }
0x12a: {  	[sflag:s30] =	ssyncadd.s32 $0xFFFFFF80  }
0x12b: {  	_ =	swait.ge [sflag:s30], $0x80  }
0x12c: {  	[sflag:s30] =	ssyncset.done $0x0  }
0x12d: {  	s17 =	simm.s32 $0x100;
	s18 =	simm.s32 $0x600;
	[sflag:s30] =	ssyncadd.s32 $0xFFFFFF80  }
0x12e: {  	[tilespmem:s18], [sflag:$0x7] =	stream.indirect.gather [hbm4b:s1+s25], $0x80, s17, s25, $0xb8;
	[tilespmem:$0x14700] =	vst v63  }
0x12f: {  	s19 =	simm.s32 $0x300;
	s20 =	simm.s32 $0x4600  }
0x130: {  	[tilespmem:s20], [sflag:$0x7] =	stream.indirect.gather [hbm4b:s1+s25], $0x80, s19, s25, $0xb8;
	[tilespmem:$0x14700] =	vst v63  }
0x131: {  	s21 =	simm.s32 $0x8600  }
0x132: {  	[tilespmem:s21], [sflag:$0x7] =	stream.indirect.gather [hbm4b:s4+s25], $0x20, s31, s25, $0xb8;
	[tilespmem:$0x14700] =	vst v63  }
0x133: {  	s22 =	simm.s32 $0x9600  }
0x134: {  	[tilespmem:s22], [sflag:$0x7] =	stream.indirect.gather [hbm4b:s5+s25], $0x20, s31, s25, $0xb8;
	[tilespmem:$0x14700] =	vst v63  }
0x135: {  	_ =	swait.ge [sflag:s3], $0x4000  }
0x136: {  	[sflag:s3] =	ssyncset.done $0x0  }
0x137: {  	[sflag:s3] =	ssyncadd.s32 $0xFFFFC000  }
0x138: {  	_ =	swait.ge [sflag:s3], $0x4000  }
0x139: {  	[sflag:s3] =	ssyncset.done $0x0  }
0x13a: {  	[sflag:s3] =	ssyncadd.s32 $0xFFFFC000  }
0x13b: {  	_ =	swait.ge [sflag:s3], $0x1000  }
0x13c: {  	[sflag:s3] =	ssyncset.done $0x0  }
0x13d: {  	[sflag:s3] =	ssyncadd.s32 $0xFFFFF000  }
0x13e: {  	_ =	swait.ge [sflag:s3], $0x1000  }
0x13f: {  	[sflag:s3] =	ssyncset.done $0x0  }
0x140: {  	[sflag:s3] =	ssyncadd.s32 $0xFFFFF000  }
.LBB2_6:
0x141: {  	s11 =	sshll.u32 s10, $0x4;
	p0 =	por $0x1, $0x1;
	v1 =	vimm.f32 $0.0e+00;
	s12 =	simm.s32 $0x0  }
.LBB2_7:
0x142: {  	s13 =	sor.u32 s11, s12  }
0x143: {  	s15 =	sshll.u32 s13, $0x7  }
0x144: {  	v8 =	vld [tilespmem:s15+$0xA680]  }
0x145: {  	v9 =	vld [tilespmem:s15+$0xA6C0]  }
0x146: {  	v10 =	vld [tilespmem:s15+$0xE680]  }
0x147: {  	v11 =	vld [tilespmem:s15+$0xE6C0]  }
0x148: {  	v13 =	vld [tilespmem:s15+$0xA690]  }
0x149: {  	v14 =	vld [tilespmem:s15+$0xA6D0]  }
0x14a: {  	v15 =	vld [tilespmem:s15+$0xE690]  }
0x14b: {  	v16 =	vld [tilespmem:s15+$0xE6D0]  }
0x14c: {  	v19 =	vld [tilespmem:s15+$0xA6A0]  }
0x14d: {  	v20 =	vld [tilespmem:s15+$0xA6E0]  }
0x14e: {  	v21 =	vld [tilespmem:s15+$0xE6A0]  }
0x14f: {  	v22 =	vld [tilespmem:s15+$0xE6E0]  }
0x150: {  	v23 =	vld [tilespmem:s15+$0xA6B0]  }
0x151: {  	v2 =	vld [tilespmem:s15+$0xA6F0]  }
0x152: {  	s14 =	sshll.u32 s13, $0x5;
	v24 =	vld [tilespmem:s15+$0xE6B0]  }
0x153: {  	s14 =	sand.u32 $0x7FFFFFE0, s14;
	v25 =	vld [tilespmem:s15+$0xE6F0]  }
0x154: {  	v5 =	vld [tilespmem:s14+$0x12680]  }
0x155: {  	s13 =	sor.u32 $0x1, s12;
	v6 =	vld [tilespmem:s14+$0x13680]  }
0x156: {  	s17 =	sor.u32 s11, s13;
	v17 =	vld [tilespmem:s14+$0x12690]  }
0x157: {  	v18 =	vld [tilespmem:s14+$0x13690];
	s19 =	sshll.u32 s17, $0x7  }
0x158: {  	v28 =	vld [tilespmem:s19+$0xA680]  }
0x159: {  	v29 =	vld [tilespmem:s19+$0xA6C0]  }
0x15a: {  	v30 =	vld [tilespmem:s19+$0xE680]  }
0x15b: {  	v31 =	vld [tilespmem:s19+$0xE6C0]  }
0x15c: {  	v32 =	vld [tilespmem:s19+$0xA690]  }
0x15d: {  	v33 =	vld [tilespmem:s19+$0xA6D0]  }
0x15e: {  	v34 =	vld [tilespmem:s19+$0xE690]  }
0x15f: {  	v35 =	vld [tilespmem:s19+$0xE6D0]  }
0x160: {  	v38 =	vld [tilespmem:s19+$0xA6A0]  }
0x161: {  	v7 =	vld [tilespmem:s19+$0xA6E0]  }
0x162: {  	v40 =	vld [tilespmem:s19+$0xE6A0]  }
0x163: {  	s16 =	sshll.u32 s17, $0x5;
	v42 =	vld [tilespmem:s19+$0xE6E0]  }
0x164: {  	s18 =	sand.u32 $0x7FFFFFE0, s16;
	v3 =	vld [tilespmem:s19+$0xA6B0]  }
0x165: {  	v26 =	vld [tilespmem:s18+$0x12680]  }
0x166: {  	s14 =	sor.u32 $0x2, s12;
	v27 =	vld [tilespmem:s18+$0x13680]  }
0x167: {  	s20 =	sor.u32 s11, s14;
	v36 =	vld [tilespmem:s18+$0x12690]  }
0x168: {  	v37 =	vld [tilespmem:s18+$0x13690];
	s21 =	sshll.u32 s20, $0x7  }
0x169: {  	v46 =	vld [tilespmem:s21+$0xA690]  }
0x16a: {  	s17 =	sshll.u32 s20, $0x5;
	v47 =	vld [tilespmem:s21+$0xE690];
	v12 =	vunpack.i.l.bf16.f32 v5;
	v39 =	vunpack.i.l.bf16.f32 v6  }
0x16b: {  	s17 =	sand.u32 $0x7FFFFFE0, s17;
	v49 =	vld [tilespmem:s21+$0xE6D0];
	v5 =	vunpack.i.u.bf16.f32 v5;
	v4 =	vmul.f32 v10, v12;
	v41 =	vmul.f32 v11, v39  }
0x16c: {  	v43 =	vld [tilespmem:s17+$0x12680];
	v6 =	vunpack.i.u.bf16.f32 v6;
	v11 =	vmul.f32 v11, v12;
	v10 =	vmul.f32 v10, v39  }
0x16d: {  	v44 =	vld [tilespmem:s17+$0x13680];
	v57 =	vunpack.i.l.bf16.f32 v17;
	v54 =	vmul.f32 v15, v5;
	v55 =	vmul.f32 v16, v6  }
0x16e: {  	v58 =	vunpack.i.l.bf16.f32 v18;
	v12 =	vld [tilespmem:s19+$0xE6B0];
	v5 =	vmul.f32 v16, v5;
	v6 =	vmul.f32 v15, v6  }
0x16f: {  	v17 =	vunpack.i.u.bf16.f32 v17;
	v39 =	vld [tilespmem:s19+$0xE6F0];
	v59 =	vmul.f32 v21, v57;
	v45 =	vmul.f32 v22, v58  }
0x170: {  	v18 =	vunpack.i.u.bf16.f32 v18;
	v15 =	vld [tilespmem:s21+$0xA6C0];
	v21 =	vmul.f32 v21, v58;
	v61 =	vmul.f32 v24, v17  }
0x171: {  	v16 =	vld [tilespmem:s21+$0xE6C0];
	v62 =	vmul.f32 v25, v18;
	v17 =	vmul.f32 v25, v17  }
0x172: {  	v18 =	vmul.f32 v24, v18;
	v63 =	vunpack.i.l.bf16.f32 v26;
	v41 =	vadd.f32 v41, v4;
	v4 =	vld [tilespmem:s19+$0xA6F0]  }
0x173: {  	s15 =	sor.u32 $0x3, s12;
	v48 =	vunpack.i.l.bf16.f32 v27;
	v26 =	vunpack.i.u.bf16.f32 v26;
	v10 =	vsub.f32 v11, v10;
	v11 =	vld [tilespmem:s17+$0x12690]  }
0x174: {  	s22 =	sor.u32 s11, s15;
	v27 =	vunpack.i.u.bf16.f32 v27;
	v5 =	vsub.f32 v5, v6;
	v6 =	vmul.f32 v22, v57;
	v22 =	vld [tilespmem:s21+$0xA6A0]  }
0x175: {  	s18 =	sshll.u32 s22, $0x5;
	v60 =	vadd.f32 v45, v59;
	v50 =	vmul.f32 v30, v63;
	v57 =	vmul.f32 v30, v48;
	v30 =	vld [tilespmem:s21+$0xE6A0]  }
0x176: {  	v45 =	vadd.f32 v62, v61;
	v58 =	vmul.f32 v34, v26;
	v61 =	vmul.f32 v35, v26;
	v26 =	vld [tilespmem:s21+$0xE6B0];
	s19 =	sand.u32 $0x7FFFFFE0, s18  }
0x177: {  	v56 =	vadd.f32 v55, v54;
	v59 =	vmul.f32 v35, v27;
	v62 =	vmul.f32 v34, v27;
	v27 =	vld [tilespmem:s19+$0x12680]  }
0x178: {  	v51 =	vmul.f32 v31, v48;
	v8 =	vmul.f32 v41, v8;
	v41 =	vld [tilespmem:s21+$0xA680]  }
0x179: {  	s16 =	sor.u32 $0x4, s12;
	v9 =	vmul.f32 v10, v9;
	v10 =	vmul.f32 v56, v13;
	v13 =	vld [tilespmem:s21+$0xE680]  }
0x17a: {  	s20 =	sor.u32 s11, s16;
	v17 =	vsub.f32 v17, v18;
	v34 =	vunpack.i.l.bf16.f32 v37;
	v54 =	vmul.f32 v45, v23;
	v23 =	vld [tilespmem:s21+$0xA6E0]  }
0x17b: {  	s18 =	sshll.u32 s20, $0x7;
	v48 =	vmul.f32 v42, v34;
	v6 =	vsub.f32 v6, v21;
	v5 =	vmul.f32 v5, v14;
	v45 =	vld [tilespmem:s21+$0xE6E0]  }
0x17c: {  	v56 =	vmul.f32 v31, v63;
	v21 =	vadd.f32 v59, v58;
	v31 =	vld [tilespmem:s18+$0xA690];
	v8 =	vadd.f32 $0.0e+00, v8  }
0x17d: {  	v52 =	vmul.f32 v60, v19;
	v55 =	vadd.f32 v51, v50;
	v53 =	vmul.f32 v6, v20;
	v6 =	vld [tilespmem:s21+$0xA6B0]  }
0x17e: {  	v63 =	vmul.f32 v21, v32;
	v21 =	vld [tilespmem:s21+$0xE6F0];
	v32 =	vunpack.i.l.bf16.f32 v36;
	v9 =	vadd.f32 v8, v9  }
0x17f: {  	v19 =	vsub.f32 v61, v62;
	v2 =	vmul.f32 v17, v2;
	v35 =	vmul.f32 v40, v32;
	v8 =	vld [tilespmem:s21+$0xA6D0]  }
0x180: {  	v58 =	vunpack.i.l.bf16.f32 v43;
	v59 =	vunpack.i.l.bf16.f32 v44;
	v10 =	vadd.f32 v10, v9;
	v9 =	vld [tilespmem:s17+$0x13690];
	s17 =	sshll.u32 s22, $0x7  }
0x181: {  	v61 =	vmul.f32 v16, v59;
	v28 =	vmul.f32 v55, v28;
	v51 =	vadd.f32 v48, v35;
	v18 =	vld [tilespmem:s17+$0xA680]  }
0x182: {  	v16 =	vmul.f32 v16, v58;
	v25 =	vld [tilespmem:s17+$0xA6C0];
	v5 =	vadd.f32 v10, v5;
	v10 =	vsub.f32 v56, v57  }
0x183: {  	v50 =	vmul.f32 v19, v33;
	v55 =	vunpack.i.u.bf16.f32 v37;
	v60 =	vadd.f32 $0.0e+00, v28;
	v33 =	vld [tilespmem:s17+$0xE6C0]  }
0x184: {  	v19 =	vmul.f32 v51, v38;
	v37 =	vld [tilespmem:s17+$0xA690];
	v14 =	vadd.f32 v52, v5;
	v10 =	vmul.f32 v10, v29  }
0x185: {  	v24 =	vld [tilespmem:s17+$0xE6D0];
	v51 =	vunpack.i.l.bf16.f32 v11;
	v57 =	vmul.f32 v39, v55;
	v52 =	vmul.f32 v42, v32  }
0x186: {  	v38 =	vld [tilespmem:s17+$0xA6A0];
	v14 =	vadd.f32 v14, v53;
	v10 =	vadd.f32 v60, v10;
	v53 =	vmul.f32 v40, v34  }
0x187: {  	v35 =	vld [tilespmem:s17+$0xE6B0];
	v11 =	vunpack.i.u.bf16.f32 v11;
	v60 =	vmul.f32 v13, v58;
	v13 =	vmul.f32 v13, v59  }
0x188: {  	v5 =	vld [tilespmem:s21+$0xA6F0];
	v40 =	vunpack.i.u.bf16.f32 v44;
	v14 =	vadd.f32 v54, v14;
	v10 =	vadd.f32 v63, v10  }
0x189: {  	v29 =	vld [tilespmem:s19+$0x13680];
	v54 =	vunpack.i.u.bf16.f32 v36;
	v63 =	vunpack.i.u.bf16.f32 v43;
	v43 =	vmul.f32 v49, v40  }
0x18a: {  	v32 =	vld [tilespmem:s17+$0xE680];
	v20 =	vsub.f32 v52, v53;
	v53 =	vmul.f32 v30, v51;
	v56 =	vmul.f32 v12, v54  }
0x18b: {  	v34 =	vld [tilespmem:s19+$0x12690];
	v13 =	vsub.f32 v16, v13;
	v28 =	vmul.f32 v39, v54;
	v12 =	vmul.f32 v12, v55  }
0x18c: {  	v16 =	vld [tilespmem:s19+$0x13690];
	v52 =	vunpack.i.l.bf16.f32 v9;
	v42 =	vmul.f32 v47, v63;
	v48 =	vmul.f32 v49, v63  }
0x18d: {  	v58 =	vunpack.i.l.bf16.f32 v27;
	v49 =	vmul.f32 v47, v40;
	v39 =	vld [tilespmem:s17+$0xA6B0];
	v54 =	vmul.f32 v45, v52  }
0x18e: {  	v9 =	vunpack.i.u.bf16.f32 v9;
	v55 =	vmul.f32 v45, v51;
	v30 =	vmul.f32 v30, v52;
	v40 =	vld [tilespmem:s18+$0xA6C0]  }
0x18f: {  	v59 =	vunpack.i.l.bf16.f32 v29;
	v63 =	vmul.f32 v21, v9;
	v17 =	vadd.f32 v10, v50;
	v10 =	vld [tilespmem:s17+$0xA6D0]  }
0x190: {  	v9 =	vmul.f32 v26, v9;
	v29 =	vunpack.i.u.bf16.f32 v29;
	v7 =	vmul.f32 v20, v7;
	v20 =	vld [tilespmem:s17+$0xE690]  }
0x191: {  	v2 =	vadd.f32 v14, v2;
	v14 =	vadd.f32 v61, v60;
	v13 =	vmul.f32 v13, v15;
	v15 =	vld [tilespmem:s17+$0xA6E0]  }
0x192: {  	v60 =	vmul.f32 v32, v58;
	v62 =	vadd.f32 v57, v56;
	v12 =	vsub.f32 v28, v12;
	v28 =	vld [tilespmem:s17+$0xE6E0]  }
0x193: {  	v61 =	vmul.f32 v33, v59;
	v44 =	vadd.f32 v43, v42;
	v56 =	vadd.f32 v54, v53;
	v42 =	vld [tilespmem:s18+$0xE680]  }
0x194: {  	v43 =	vmul.f32 v24, v29;
	v51 =	vunpack.i.l.bf16.f32 v34;
	v53 =	vunpack.i.u.bf16.f32 v34;
	v34 =	vld [tilespmem:s18+$0xA6B0]  }
0x195: {  	v17 =	vadd.f32 v19, v17;
	v14 =	vmul.f32 v14, v41;
	v19 =	vld [tilespmem:s17+$0xE6F0];
	v3 =	vmul.f32 v62, v3  }
0x196: {  	v27 =	vunpack.i.u.bf16.f32 v27;
	v12 =	vmul.f32 v12, v4;
	v50 =	vmul.f32 v44, v46;
	v4 =	vld [tilespmem:s17+$0xA6F0]  }
0x197: {  	v36 =	vadd.f32 v61, v60;
	v57 =	vmul.f32 v56, v22;
	v62 =	vmul.f32 v26, v11;
	v26 =	vld [tilespmem:s18+$0xE6C0]  }
0x198: {  	v11 =	vmul.f32 v21, v11;
	v22 =	vmul.f32 v33, v58;
	v21 =	vld [tilespmem:s18+$0xA6D0];
	v52 =	vunpack.i.l.bf16.f32 v16  }
0x199: {  	v33 =	vld [tilespmem:s18+$0xE690];
	v16 =	vunpack.i.u.bf16.f32 v16;
	v56 =	vmul.f32 v35, v53;
	v14 =	vadd.f32 $0.0e+00, v14  }
0x19a: {  	v7 =	vadd.f32 v17, v7;
	v17 =	vld [tilespmem:s17+$0xE6A0];
	v18 =	vmul.f32 v36, v18;
	v44 =	vsub.f32 v11, v9  }
0x19b: {  	v41 =	vmul.f32 v20, v27;
	v9 =	vld [tilespmem:s18+$0xE6D0];
	v13 =	vadd.f32 v14, v13;
	v14 =	vsub.f32 v48, v49  }
0x19c: {  	v20 =	vmul.f32 v20, v29;
	v11 =	vld [tilespmem:s18+$0xE6F0];
	v3 =	vadd.f32 v3, v7;
	v7 =	vsub.f32 v55, v30  }
0x19d: {  	s19 =	sshll.u32 s20, $0x5;
	v30 =	vld [tilespmem:s18+$0xA680];
	v45 =	vadd.f32 $0.0e+00, v18;
	v48 =	vmul.f32 v24, v27;
	v55 =	vmul.f32 v28, v52  }
0x19e: {  	s21 =	sand.u32 $0x7FFFFFE0, s19;
	v24 =	vld [tilespmem:s18+$0xA6E0];
	v18 =	vmul.f32 v28, v51;
	v5 =	vmul.f32 v44, v5;
	v13 =	vadd.f32 v50, v13  }
0x19f: {  	s17 =	sor.u32 $0x5, s12;
	v8 =	vmul.f32 v14, v8;
	v3 =	vadd.f32 v3, v12;
	v12 =	vld [tilespmem:s21+$0x12680];
	v7 =	vmul.f32 v7, v23  }
0x1a0: {  	s22 =	sor.u32 s11, s17;
	v47 =	vadd.f32 v43, v41;
	v14 =	vld [tilespmem:s21+$0x13680];
	v23 =	vmul.f32 v32, v59;
	v54 =	vmul.f32 v17, v51  }
0x1a1: {  	s19 =	sshll.u32 s22, $0x7;
	v43 =	vld [tilespmem:s18+$0xE6B0];
	v17 =	vmul.f32 v17, v52;
	v8 =	vadd.f32 v13, v8;
	v13 =	vadd.f32 v63, v62  }
0x1a2: {  	v29 =	vld [tilespmem:s19+$0xA680];
	v50 =	vmul.f32 v47, v37;
	v47 =	vmul.f32 v19, v53;
	v22 =	vsub.f32 v22, v23  }
0x1a3: {  	v36 =	vld [tilespmem:s19+$0xA6C0];
	v27 =	vadd.f32 v55, v54;
	v17 =	vsub.f32 v18, v17;
	v6 =	vmul.f32 v13, v6  }
0x1a4: {  	v32 =	vld [tilespmem:s18+$0xE6A0];
	v8 =	vadd.f32 v57, v8;
	v46 =	vmul.f32 v22, v25;
	v57 =	vmul.f32 v19, v16  }
0x1a5: {  	v37 =	vld [tilespmem:s18+$0xA6F0];
	v16 =	vmul.f32 v35, v16;
	v58 =	vunpack.i.l.bf16.f32 v12;
	v59 =	vunpack.i.l.bf16.f32 v14  }
0x1a6: {  	v23 =	vld [tilespmem:s21+$0x13690];
	v62 =	vmul.f32 v27, v38;
	v15 =	vmul.f32 v17, v15;
	v12 =	vunpack.i.u.bf16.f32 v12  }
0x1a7: {  	v55 =	vld [tilespmem:s19+$0xE690];
	v14 =	vunpack.i.u.bf16.f32 v14;
	v60 =	vmul.f32 v42, v58;
	v61 =	vmul.f32 v26, v59  }
0x1a8: {  	s20 =	sshll.u32 s22, $0x5;
	v22 =	vld [tilespmem:s21+$0x12690];
	v7 =	vadd.f32 v8, v7;
	v41 =	vmul.f32 v26, v58;
	v44 =	vmul.f32 v42, v59  }
0x1a9: {  	v13 =	vld [tilespmem:s18+$0xA6A0];
	s21 =	sand.u32 $0x7FFFFFE0, s20;
	v49 =	vadd.f32 v45, v46;
	v45 =	vmul.f32 v33, v12;
	v46 =	vmul.f32 v9, v14  }
0x1aa: {  	v28 =	vadd.f32 v57, v56;
	v26 =	vld [tilespmem:s21+$0x13680];
	v9 =	vmul.f32 v9, v12;
	v51 =	vmul.f32 v33, v14  }
0x1ab: {  	v14 =	vld [tilespmem:s19+$0xA690];
	v54 =	vunpack.i.l.bf16.f32 v23;
	v6 =	vadd.f32 v6, v7;
	v7 =	vsub.f32 v48, v20  }
0x1ac: {  	v58 =	vld [tilespmem:s19+$0xE6D0];
	v8 =	vadd.f32 v50, v49;
	v63 =	vmul.f32 v28, v39;
	v39 =	vadd.f32 v61, v60  }
0x1ad: {  	v42 =	vld [tilespmem:s19+$0xE6E0];
	v18 =	vadd.f32 v46, v45;
	v9 =	vsub.f32 v9, v51;
	v53 =	vunpack.i.l.bf16.f32 v22  }
0x1ae: {  	v20 =	vld [tilespmem:s18+$0xE6E0];
	v61 =	vunpack.i.u.bf16.f32 v22;
	v7 =	vmul.f32 v7, v10;
	v27 =	vmul.f32 v39, v30  }
0x1af: {  	v50 =	vld [tilespmem:s19+$0xE6C0];
	v10 =	vsub.f32 v47, v16;
	v52 =	vmul.f32 v18, v31;
	v56 =	vmul.f32 v32, v53  }
0x1b0: {  	v48 =	vld [tilespmem:s19+$0xE680];
	v9 =	vmul.f32 v9, v21;
	v5 =	vadd.f32 v6, v5;
	v39 =	vunpack.i.u.bf16.f32 v23  }
0x1b1: {  	v28 =	vld [tilespmem:s21+$0x12680];
	v38 =	vunpack.i.l.bf16.f32 v26;
	v45 =	vmul.f32 v11, v39;
	v46 =	vmul.f32 v43, v39  }
0x1b2: {  	v16 =	vld [tilespmem:s19+$0xA6D0];
	v26 =	vunpack.i.u.bf16.f32 v26;
	v7 =	vadd.f32 v8, v7;
	v4 =	vmul.f32 v10, v4  }
0x1b3: {  	v21 =	vld [tilespmem:s19+$0xE6A0];
	v8 =	vsub.f32 v41, v44;
	v44 =	vmul.f32 v43, v61;
	v57 =	vmul.f32 v20, v54  }
0x1b4: {  	s18 =	sor.u32 $0x6, s12;
	v49 =	vadd.f32 $0.0e+00, v27;
	v10 =	vld [tilespmem:s21+$0x12690];
	v12 =	vmul.f32 v20, v53;
	v41 =	vmul.f32 v50, v38  }
0x1b5: {  	s22 =	sor.u32 s11, s18;
	v27 =	vld [tilespmem:s19+$0xA6B0];
	v19 =	vmul.f32 v48, v38;
	v7 =	vadd.f32 v62, v7;
	v8 =	vmul.f32 v8, v40  }
0x1b6: {  	s20 =	sshll.u32 s22, $0x7;
	v20 =	vld [tilespmem:s19+$0xA6F0];
	v47 =	vunpack.i.u.bf16.f32 v28;
	v62 =	vmul.f32 v32, v54;
	v59 =	vadd.f32 v57, v56  }
0x1b7: {  	v54 =	vld [tilespmem:s20+$0xA680];
	v22 =	vmul.f32 v58, v47;
	v7 =	vadd.f32 v7, v15;
	v8 =	vadd.f32 v49, v8  }
0x1b8: {  	v56 =	vld [tilespmem:s20+$0xA6C0];
	v12 =	vsub.f32 v12, v62;
	v49 =	vmul.f32 v55, v47;
	v55 =	vmul.f32 v55, v26  }
0x1b9: {  	v15 =	vld [tilespmem:s21+$0x13690];
	v6 =	vmul.f32 v59, v13;
	v57 =	vunpack.i.l.bf16.f32 v10;
	v10 =	vunpack.i.u.bf16.f32 v10  }
0x1ba: {  	v62 =	vld [tilespmem:s20+$0xE6C0];
	v7 =	vadd.f32 v63, v7;
	v63 =	vunpack.i.l.bf16.f32 v28;
	v12 =	vmul.f32 v12, v24  }
0x1bb: {  	s21 =	sshll.u32 s22, $0x5;
	v13 =	vld [tilespmem:s19+$0xA6E0];
	v8 =	vadd.f32 v52, v8;
	v38 =	vmul.f32 v42, v57;
	v40 =	vmul.f32 v48, v63  }
0x1bc: {  	s21 =	sand.u32 $0x7FFFFFE0, s21;
	v59 =	vld [tilespmem:s20+$0xE680];
	v22 =	vsub.f32 v22, v55;
	v18 =	vmul.f32 v50, v63;
	v50 =	vmul.f32 v58, v26  }
0x1bd: {  	v51 =	vld [tilespmem:s21+$0x12680];
	v4 =	vadd.f32 v7, v4;
	v60 =	vadd.f32 v8, v9;
	v9 =	vmul.f32 v11, v61  }
0x1be: {  	v52 =	vld [tilespmem:s21+$0x13680];
	v7 =	vadd.f32 v45, v44;
	v16 =	vmul.f32 v22, v16;
	v23 =	vadd.f32 v41, v40  }
0x1bf: {  	v28 =	vld [tilespmem:s19+$0xE6B0];
	v18 =	vsub.f32 v18, v19;
	v53 =	vadd.f32 v50, v49;
	v58 =	vunpack.i.l.bf16.f32 v15  }
0x1c0: {  	v48 =	vld [tilespmem:s19+$0xE6F0];
	v6 =	vadd.f32 v6, v60;
	v60 =	vmul.f32 v21, v57;
	v61 =	vmul.f32 v42, v58  }
0x1c1: {  	v63 =	vld [tilespmem:s20+$0xE690];
	v15 =	vunpack.i.u.bf16.f32 v15;
	v7 =	vmul.f32 v7, v34;
	v39 =	vmul.f32 v21, v58  }
0x1c2: {  	v8 =	vld [tilespmem:s19+$0xA6A0];
	v9 =	vsub.f32 v9, v46;
	v23 =	vmul.f32 v23, v29;
	v18 =	vmul.f32 v18, v36  }
0x1c3: {  	v40 =	vld [tilespmem:s21+$0x13690];
	v11 =	vmul.f32 v53, v14;
	v42 =	vunpack.i.l.bf16.f32 v51;
	v43 =	vunpack.i.l.bf16.f32 v52  }
0x1c4: {  	v41 =	vld [tilespmem:s20+$0xE6D0];
	v46 =	vmul.f32 v28, v10;
	v30 =	vunpack.i.u.bf16.f32 v52;
	v9 =	vmul.f32 v9, v37  }
0x1c5: {  	s19 =	sor.u32 $0x7, s12;
	v49 =	vld [tilespmem:s20+$0xA690];
	v6 =	vadd.f32 v6, v12;
	v44 =	vmul.f32 v59, v42;
	v45 =	vmul.f32 v62, v43  }
0x1c6: {  	s22 =	sor.u32 s11, s19;
	v53 =	vld [tilespmem:s20+$0xE6A0];
	v36 =	vadd.f32 v61, v60;
	v14 =	vmul.f32 v62, v42;
	v47 =	vmul.f32 v48, v15  }
0x1c7: {  	v37 =	vld [tilespmem:s21+$0x12690];
	s21 =	sshll.u32 s22, $0x5;
	v10 =	vmul.f32 v48, v10;
	v48 =	vunpack.i.u.bf16.f32 v51;
	v15 =	vmul.f32 v28, v15;
	s22 =	sshll.u32 s22, $0x7  }
0x1c8: {  	v12 =	vmul.f32 v63, v30;
	v23 =	vadd.f32 $0.0e+00, v23;
	v51 =	vmul.f32 v63, v48;
	v58 =	vld [tilespmem:s22+$0xE6C0]  }
0x1c9: {  	s21 =	sand.u32 $0x7FFFFFE0, s21;
	v42 =	vld [tilespmem:s22+$0xE6D0];
	v6 =	vadd.f32 v7, v6;
	v8 =	vmul.f32 v36, v8;
	v7 =	vsub.f32 v38, v39  }
0x1ca: {  	v32 =	vld [tilespmem:s21+$0x13680];
	v25 =	vadd.f32 v45, v44;
	v52 =	vmul.f32 v41, v30;
	v10 =	vsub.f32 v10, v15  }
0x1cb: {  	v34 =	vld [tilespmem:s21+$0x13690];
	v61 =	vunpack.i.l.bf16.f32 v40;
	v21 =	vunpack.i.u.bf16.f32 v40;
	v18 =	vadd.f32 v23, v18  }
0x1cc: {  	v15 =	vld [tilespmem:s20+$0xE6F0];
	v7 =	vmul.f32 v7, v13;
	v17 =	vmul.f32 v25, v54;
	v25 =	vadd.f32 v52, v51  }
0x1cd: {  	v13 =	vld [tilespmem:s21+$0x12690];
	v6 =	vadd.f32 v6, v9;
	v11 =	vadd.f32 v11, v18;
	v18 =	vmul.f32 v59, v43  }
0x1ce: {  	v54 =	vld [tilespmem:s20+$0xE6E0];
	v60 =	vunpack.i.l.bf16.f32 v37;
	v17 =	vadd.f32 $0.0e+00, v17;
	v57 =	vmul.f32 v25, v49  }
0x1cf: {  	v9 =	vld [tilespmem:s20+$0xE6B0];
	v62 =	vmul.f32 v53, v60;
	v11 =	vadd.f32 v11, v16;
	v14 =	vsub.f32 v14, v18  }
0x1d0: {  	v16 =	vmul.f32 v41, v48;
	v38 =	vunpack.i.l.bf16.f32 v32;
	v18 =	vmul.f32 v53, v61  }
0x1d1: {  	v50 =	vld [tilespmem:s20+$0xA6D0];
	v45 =	vmul.f32 v15, v21;
	v48 =	vunpack.i.u.bf16.f32 v32;
	v35 =	vunpack.i.u.bf16.f32 v34  }
0x1d2: {  	v23 =	vld [tilespmem:s21+$0x12680];
	v41 =	vmul.f32 v58, v38;
	v51 =	vmul.f32 v42, v48;
	v8 =	vadd.f32 v8, v11  }
0x1d3: {  	(xrf2) =	vadd.scan.msk.f32 $0xffff, v2;
	v39 =	vld [tilespmem:s22+$0xE690];
	v11 =	vadd.f32 v47, v46;
	v14 =	vmul.f32 v14, v56;
	v12 =	vsub.f32 v16, v12  }
0x1d4: {  	(xrf2) =	vadd.scan.msk.f32 $0xffff, v3;
	v56 =	vld [tilespmem:s22+$0xE680];
	v36 =	vmul.f32 v54, v61;
	v3 =	vmul.f32 v9, v21;
	v33 =	vunpack.i.u.bf16.f32 v13  }
0x1d5: {  	v31 =	vld [tilespmem:s20+$0xA6A0];
	v7 =	vadd.f32 v8, v7;
	v55 =	vmul.f32 v11, v27;
	v14 =	vadd.f32 v17, v14  }
0x1d6: {  	v63 =	vld [tilespmem:s22+$0xA680];
	v8 =	vmul.f32 v10, v20;
	v12 =	vmul.f32 v12, v50;
	v17 =	vunpack.i.u.bf16.f32 v37  }
0x1d7: {  	v52 =	vld [tilespmem:s22+$0xE6A0];
	v37 =	vunpack.i.l.bf16.f32 v23;
	v23 =	vunpack.i.u.bf16.f32 v23;
	v44 =	vmul.f32 v9, v17  }
0x1d8: {  	v43 =	vld [tilespmem:s20+$0xA6E0];
	v20 =	vadd.f32 v36, v62;
	v16 =	vmul.f32 v58, v37;
	v50 =	vmul.f32 v39, v23  }
0x1d9: {  	v53 =	vld [tilespmem:s22+$0xE6E0];
	v58 =	vunpack.i.l.bf16.f32 v13;
	v2 =	vmul.f32 v15, v17;
	v40 =	vmul.f32 v56, v37  }
0x1da: {  	v46 =	vld [tilespmem:s22+$0xA6C0];
	v7 =	vadd.f32 v55, v7;
	v59 =	vadd.f32 v57, v14;
	v14 =	vmul.f32 v54, v60  }
0x1db: {  	v47 =	vld [tilespmem:s20+$0xA6B0];
	v20 =	vmul.f32 v20, v31;
	v11 =	vmul.f32 v56, v38;
	v29 =	vadd.f32 v41, v40  }
0x1dc: {  	v49 =	vld [tilespmem:s22+$0xA690];
	v55 =	vmul.f32 v42, v23;
	v61 =	vmul.f32 v52, v58;
	v19 =	vadd.f32 v45, v44  }
0x1dd: {  	v54 =	vld [tilespmem:s22+$0xA6D0];
	v56 =	vmul.f32 v39, v48;
	v11 =	vsub.f32 v16, v11;
	v22 =	vmul.f32 v29, v63  }
0x1de: {  	v57 =	vld [tilespmem:s22+$0xA6A0];
	v14 =	vsub.f32 v14, v18;
	v10 =	vadd.f32 v59, v12;
	v59 =	vunpack.i.l.bf16.f32 v34  }
0x1df: {  	v60 =	vld [tilespmem:s22+$0xE6B0];
	v16 =	vadd.f32 v51, v50;
	v11 =	vmul.f32 v11, v46;
	v22 =	vadd.f32 $0.0e+00, v22  }
0x1e0: {  	v18 =	vmul.f32 v19, v47;
	v12 =	vsub.f32 v55, v56;
	v62 =	vmul.f32 v53, v59;
	v63 =	vld [tilespmem:s22+$0xE6F0]  }
0x1e1: {  	v25 =	vld [tilespmem:s22+$0xA6E0];
	v30 =	vmul.f32 v52, v59;
	v16 =	vmul.f32 v16, v49;
	v11 =	vadd.f32 v22, v11  }
0x1e2: {  	v2 =	vsub.f32 v2, v3;
	v14 =	vmul.f32 v14, v43;
	v29 =	vmul.f32 v53, v58  }
0x1e3: {  	v31 =	vld [tilespmem:s20+$0xA6F0];
	v12 =	vmul.f32 v12, v54;
	v27 =	vadd.f32 v62, v61;
	v11 =	vadd.f32 v16, v11  }
0x1e4: {  	v38 =	vld [tilespmem:s22+$0xA6B0];
	v10 =	vadd.f32 v20, v10;
	v40 =	vmul.f32 v60, v33;
	v37 =	vsub.f32 v29, v30  }
0x1e5: {  	v36 =	vmul.f32 v27, v57;
	v41 =	vmul.f32 v63, v35;
	v32 =	vadd.f32 v11, v12  }
0x1e6: {  	(xrf2) =	vadd.scan.msk.f32 $0xffff, v5;
	v42 =	vld [tilespmem:s22+$0xA6F0];
	v46 =	vmul.f32 v60, v35;
	v39 =	vadd.f32 v10, v14;
	v43 =	vmul.f32 v37, v25  }
0x1e7: {  	v45 =	vmul.f32 v63, v33;
	v44 =	vadd.f32 v41, v40;
	v3 =	vadd.f32 v36, v32  }
0x1e8: {  	(xrf2) =	vadd.scan.msk.f32 $0xffff, v4;
	v7 =	vadd.f32 v7, v8;
	v2 =	vmul.f32 v2, v31;
	v5 =	vadd.f32 v18, v39  }
0x1e9: {  	(xrf2) =	vadd.scan.msk.f32 $0xffff, v6;
	v47 =	vsub.f32 v45, v46;
	v4 =	vmul.f32 v44, v38;
	v3 =	vadd.f32 v3, v43  }
0x1ea: {  	v48, _, _ =	vpop (xrf2);
	(xrf2) =	vadd.scan.msk.f32 $0xffff, v7  }
0x1eb: {  	v2 =	vadd.f32 v5, v2;
	v49 =	vmul.f32 v47, v42;
	v3 =	vadd.f32 v4, v3  }
0x1ec: {  	v50 =	vmov s12  }
0x1ed: {  	v51 =	vbroadcast v48, $0xF;
	v52, _, _ =	vpop (xrf2);
	(xrf2) =	vadd.scan.msk.f32 $0xffff, v2;
	v2 =	vadd.f32 v3, v49;
	v3 =	vmov s13  }
0x1ee: {  	vm0 =	veq.s32 v50, v0  }
0x1ef: {  	v53 =	vnsel vm0, $0x0, v51;
	v5 =	vbroadcast v52, $0xF  }
0x1f0: {  	v1 =	vadd.f32 v53, v1;
	vm9 =	veq.s32 v3, v0;
	v3, _, _ =	vpop (xrf2)  }
0x1f1: {  	v54 =	vnsel vm9, $0x0, v5;
	(xrf2) =	vadd.scan.msk.f32 $0xffff, v2;
	v2 =	vmov s14;
	v3 =	vbroadcast v3, $0xF  }
0x1f2: {  	v1 =	vadd.f32 v54, v1;
	v55, _, _ =	vpop (xrf2);
	vm10 =	veq.s32 v2, v0  }
0x1f3: {  	v2 =	vmov s15;
	v56 =	vbroadcast v55, $0xF;
	v57, _, _ =	vpop (xrf2);
	v3 =	vnsel vm10, $0x0, v3  }
0x1f4: {  	vm11 =	veq.s32 v2, v0;
	v58 =	vbroadcast v57, $0xF;
	v59, _, _ =	vpop (xrf2);
	v1 =	vadd.f32 v3, v1  }
0x1f5: {  	v2 =	vnsel vm11, $0x0, v56;
	v3 =	vmov s16;
	v60 =	vbroadcast v59, $0xF  }
0x1f6: {  	vm12 =	veq.s32 v3, v0;
	v3 =	vmov s17;
	v1 =	vadd.f32 v2, v1  }
0x1f7: {  	v2 =	vnsel vm12, $0x0, v58;
	vm13 =	veq.s32 v3, v0  }
0x1f8: {  	v1 =	vadd.f32 v2, v1;
	v2 =	vnsel vm13, $0x0, v60  }
0x1f9: {  	v61, _, _ =	vpop (xrf2)  }
0x1fa: {  	p1 =	por p0, p0;
	v62 =	vbroadcast v61, $0xF;
	v3 =	vmov s18  }
.Ltmp2:
0x1fb: {  	vm14 =	veq.s32 v3, v0;
	v1 =	vadd.f32 v2, v1;
	v2, _, _ =	vpop (xrf2);
	(pc) =	sbr.rel @p1 .LBB2_7-.Ltmp2, $4  }
0x1fc: {  	v63 =	vmov s19;
	v3 =	vnsel vm14, $0x0, v62;
	v2 =	vbroadcast v2, $0xF  }
0x1fd: {  	vm15 =	veq.s32 v63, v0;
	v1 =	vadd.f32 v3, v1  }
0x1fe: {  	v2 =	vnsel vm15, $0x0, v2  }
0x1ff: {  	p0 =	por $0x0, $0x0;
	s12 =	simm.s32 $0x8;
	v1 =	vadd.f32 v2, v1  }
0x200: {  	s10 =	sadd.s32 $0x1, s10  }
0x201: {  	p0 =	sne.s32 s10, $0x8  }
.Ltmp3:
0x202: {  	_ = 	snop;
	(pc) =	sbr.rel @p0 .LBB2_6-.Ltmp3, $2  }
0x203: {  	_ =	sdelay $0x2  }
0x204: {  	[tilespmem:s11+$0x14680] =	vst v1  }
0x205: {  	s10 =	simm.s32 $0x0;
	s11 =	rddreg [dreg:$0x14];
	s12 =	simm.s32 $0x14680  }
0x206: {  	[hbm4b:s11+s10] =	stream.linear.scatter [tilespmem:s12], [sflag:$0x6], $0x80, $0x38;
	[tilespmem:$0x14700] =	vst v63  }
0x207: {  	_ =	swait.ge [sflag:s6], $0x80  }
0x208: {  	[sflag:s6] =	ssyncset.done $0x0  }
0x209: {  	[sflag:s6] =	ssyncadd.s32 $0xFFFFFF80  }
0x20a: {  	_ =	swait.ge [sflag:s6], $0x80  }
0x20b: {  	[sflag:s6] =	ssyncset.done $0x0  }
0x20c: {  	[sflag:s6] =	ssyncadd.s32 $0xFFFFFF80  }
0x20d: {  	_ =	swait.ge [sflag:s6], $0x80  }
0x20e: {  	[sflag:s6] =	ssyncset.done $0x0  }
0x20f: {  	s17 =	simm.s32 $0x180;
	s18 =	simm.s32 $0xA680;
	[sflag:s6] =	ssyncadd.s32 $0xFFFFFF80  }
0x210: {  	[tilespmem:s18], [sflag:$0x8] =	stream.indirect.gather [hbm4b:s1+s25], $0x80, s17, s25, $0xb8;
	[tilespmem:$0x14700] =	vst v63  }
0x211: {  	s19 =	simm.s32 $0x380;
	s20 =	simm.s32 $0xE680  }
0x212: {  	[tilespmem:s20], [sflag:$0x8] =	stream.indirect.gather [hbm4b:s1+s25], $0x80, s19, s25, $0xb8;
	[tilespmem:$0x14700] =	vst v63  }
0x213: {  	s21 =	simm.s32 $0x12680  }
0x214: {  	[tilespmem:s21], [sflag:$0x8] =	stream.indirect.gather [hbm4b:s4+s25], $0x20, s23, s25, $0xb8;
	[tilespmem:$0x14700] =	vst v63  }
0x215: {  	s22 =	simm.s32 $0x13680  }
0x216: {  	[tilespmem:s22], [sflag:$0x8] =	stream.indirect.gather [hbm4b:s5+s25], $0x20, s23, s25, $0xb8;
	[tilespmem:$0x14700] =	vst v63  }
0x217: {  	_ =	swait.ge [sflag:s0], $0x4000  }
0x218: {  	[sflag:s0] =	ssyncset.done $0x0  }
0x219: {  	[sflag:s0] =	ssyncadd.s32 $0xFFFFC000  }
0x21a: {  	_ =	swait.ge [sflag:s0], $0x4000  }
0x21b: {  	[sflag:s0] =	ssyncset.done $0x0  }
0x21c: {  	[sflag:s0] =	ssyncadd.s32 $0xFFFFC000  }
0x21d: {  	_ =	swait.ge [sflag:s0], $0x1000  }
0x21e: {  	[sflag:s0] =	ssyncset.done $0x0  }
0x21f: {  	[sflag:s0] =	ssyncadd.s32 $0xFFFFF000  }
0x220: {  	_ =	swait.ge [sflag:s0], $0x1000  }
0x221: {  	[sflag:s0] =	ssyncset.done $0x0  }
0x222: {  	[sflag:s0] =	ssyncadd.s32 $0xFFFFF000  }
0x223: {  	_ =	swait.ge [sflag:s7], $0x80  }
0x224: {  	[sflag:s7] =	ssyncset.done $0x0  }
0x225: {  	[sflag:s7] =	ssyncadd.s32 $0xFFFFFF80  }
.LBB2_10:
0x226: {  	s11 =	sshll.u32 s10, $0x4;
	p0 =	por $0x1, $0x1;
	v1 =	vimm.f32 $0.0e+00;
	s12 =	simm.s32 $0x0  }
.LBB2_11:
0x227: {  	s13 =	sor.u32 s11, s12  }
0x228: {  	s15 =	sshll.u32 s13, $0x7  }
0x229: {  	v8 =	vld [tilespmem:s15+$0x600]  }
0x22a: {  	v9 =	vld [tilespmem:s15+$0x640]  }
0x22b: {  	v10 =	vld [tilespmem:s15+$0x4600]  }
0x22c: {  	v11 =	vld [tilespmem:s15+$0x4640]  }
0x22d: {  	v13 =	vld [tilespmem:s15+$0x610]  }
0x22e: {  	v14 =	vld [tilespmem:s15+$0x650]  }
0x22f: {  	v15 =	vld [tilespmem:s15+$0x4610]  }
0x230: {  	v16 =	vld [tilespmem:s15+$0x4650]  }
0x231: {  	v19 =	vld [tilespmem:s15+$0x620]  }
0x232: {  	v20 =	vld [tilespmem:s15+$0x660]  }
0x233: {  	v21 =	vld [tilespmem:s15+$0x4620]  }
0x234: {  	v22 =	vld [tilespmem:s15+$0x4660]  }
0x235: {  	v23 =	vld [tilespmem:s15+$0x630]  }
0x236: {  	v2 =	vld [tilespmem:s15+$0x670]  }
0x237: {  	s14 =	sshll.u32 s13, $0x5;
	v24 =	vld [tilespmem:s15+$0x4630]  }
0x238: {  	s14 =	sand.u32 $0x7FFFFFE0, s14;
	v25 =	vld [tilespmem:s15+$0x4670]  }
0x239: {  	v5 =	vld [tilespmem:s14+$0x8600]  }
0x23a: {  	s13 =	sor.u32 $0x1, s12;
	v6 =	vld [tilespmem:s14+$0x9600]  }
0x23b: {  	s17 =	sor.u32 s11, s13;
	v17 =	vld [tilespmem:s14+$0x8610]  }
0x23c: {  	v18 =	vld [tilespmem:s14+$0x9610];
	s19 =	sshll.u32 s17, $0x7  }
0x23d: {  	v28 =	vld [tilespmem:s19+$0x600]  }
0x23e: {  	v29 =	vld [tilespmem:s19+$0x640]  }
0x23f: {  	v30 =	vld [tilespmem:s19+$0x4600]  }
0x240: {  	v31 =	vld [tilespmem:s19+$0x4640]  }
0x241: {  	v32 =	vld [tilespmem:s19+$0x610]  }
0x242: {  	v33 =	vld [tilespmem:s19+$0x650]  }
0x243: {  	v34 =	vld [tilespmem:s19+$0x4610]  }
0x244: {  	v35 =	vld [tilespmem:s19+$0x4650]  }
0x245: {  	v38 =	vld [tilespmem:s19+$0x620]  }
0x246: {  	v7 =	vld [tilespmem:s19+$0x660]  }
0x247: {  	v40 =	vld [tilespmem:s19+$0x4620]  }
0x248: {  	s16 =	sshll.u32 s17, $0x5;
	v42 =	vld [tilespmem:s19+$0x4660]  }
0x249: {  	s18 =	sand.u32 $0x7FFFFFE0, s16;
	v3 =	vld [tilespmem:s19+$0x630]  }
0x24a: {  	v26 =	vld [tilespmem:s18+$0x8600]  }
0x24b: {  	s14 =	sor.u32 $0x2, s12;
	v27 =	vld [tilespmem:s18+$0x9600]  }
0x24c: {  	s20 =	sor.u32 s11, s14;
	v36 =	vld [tilespmem:s18+$0x8610]  }
0x24d: {  	v37 =	vld [tilespmem:s18+$0x9610];
	s21 =	sshll.u32 s20, $0x7  }
0x24e: {  	v46 =	vld [tilespmem:s21+$0x610]  }
0x24f: {  	s17 =	sshll.u32 s20, $0x5;
	v47 =	vld [tilespmem:s21+$0x4610];
	v12 =	vunpack.i.l.bf16.f32 v5;
	v39 =	vunpack.i.l.bf16.f32 v6  }
0x250: {  	s17 =	sand.u32 $0x7FFFFFE0, s17;
	v49 =	vld [tilespmem:s21+$0x4650];
	v5 =	vunpack.i.u.bf16.f32 v5;
	v4 =	vmul.f32 v10, v12;
	v41 =	vmul.f32 v11, v39  }
0x251: {  	v43 =	vld [tilespmem:s17+$0x8600];
	v6 =	vunpack.i.u.bf16.f32 v6;
	v11 =	vmul.f32 v11, v12;
	v10 =	vmul.f32 v10, v39  }
0x252: {  	v44 =	vld [tilespmem:s17+$0x9600];
	v57 =	vunpack.i.l.bf16.f32 v17;
	v54 =	vmul.f32 v15, v5;
	v55 =	vmul.f32 v16, v6  }
0x253: {  	v58 =	vunpack.i.l.bf16.f32 v18;
	v12 =	vld [tilespmem:s19+$0x4630];
	v5 =	vmul.f32 v16, v5;
	v6 =	vmul.f32 v15, v6  }
0x254: {  	v17 =	vunpack.i.u.bf16.f32 v17;
	v39 =	vld [tilespmem:s19+$0x4670];
	v59 =	vmul.f32 v21, v57;
	v45 =	vmul.f32 v22, v58  }
0x255: {  	v18 =	vunpack.i.u.bf16.f32 v18;
	v15 =	vld [tilespmem:s21+$0x640];
	v21 =	vmul.f32 v21, v58;
	v61 =	vmul.f32 v24, v17  }
0x256: {  	v16 =	vld [tilespmem:s21+$0x4640];
	v62 =	vmul.f32 v25, v18;
	v17 =	vmul.f32 v25, v17  }
0x257: {  	v18 =	vmul.f32 v24, v18;
	v63 =	vunpack.i.l.bf16.f32 v26;
	v41 =	vadd.f32 v41, v4;
	v4 =	vld [tilespmem:s19+$0x670]  }
0x258: {  	s15 =	sor.u32 $0x3, s12;
	v48 =	vunpack.i.l.bf16.f32 v27;
	v26 =	vunpack.i.u.bf16.f32 v26;
	v10 =	vsub.f32 v11, v10;
	v11 =	vld [tilespmem:s17+$0x8610]  }
0x259: {  	s22 =	sor.u32 s11, s15;
	v27 =	vunpack.i.u.bf16.f32 v27;
	v5 =	vsub.f32 v5, v6;
	v6 =	vmul.f32 v22, v57;
	v22 =	vld [tilespmem:s21+$0x620]  }
0x25a: {  	s18 =	sshll.u32 s22, $0x5;
	v60 =	vadd.f32 v45, v59;
	v50 =	vmul.f32 v30, v63;
	v57 =	vmul.f32 v30, v48;
	v30 =	vld [tilespmem:s21+$0x4620]  }
0x25b: {  	v45 =	vadd.f32 v62, v61;
	v58 =	vmul.f32 v34, v26;
	v61 =	vmul.f32 v35, v26;
	v26 =	vld [tilespmem:s21+$0x4630];
	s19 =	sand.u32 $0x7FFFFFE0, s18  }
0x25c: {  	v56 =	vadd.f32 v55, v54;
	v59 =	vmul.f32 v35, v27;
	v62 =	vmul.f32 v34, v27;
	v27 =	vld [tilespmem:s19+$0x8600]  }
0x25d: {  	v51 =	vmul.f32 v31, v48;
	v8 =	vmul.f32 v41, v8;
	v41 =	vld [tilespmem:s21+$0x600]  }
0x25e: {  	s16 =	sor.u32 $0x4, s12;
	v9 =	vmul.f32 v10, v9;
	v10 =	vmul.f32 v56, v13;
	v13 =	vld [tilespmem:s21+$0x4600]  }
0x25f: {  	s20 =	sor.u32 s11, s16;
	v17 =	vsub.f32 v17, v18;
	v34 =	vunpack.i.l.bf16.f32 v37;
	v54 =	vmul.f32 v45, v23;
	v23 =	vld [tilespmem:s21+$0x660]  }
0x260: {  	s18 =	sshll.u32 s20, $0x7;
	v48 =	vmul.f32 v42, v34;
	v6 =	vsub.f32 v6, v21;
	v5 =	vmul.f32 v5, v14;
	v45 =	vld [tilespmem:s21+$0x4660]  }
0x261: {  	v56 =	vmul.f32 v31, v63;
	v21 =	vadd.f32 v59, v58;
	v31 =	vld [tilespmem:s18+$0x610];
	v8 =	vadd.f32 $0.0e+00, v8  }
0x262: {  	v52 =	vmul.f32 v60, v19;
	v55 =	vadd.f32 v51, v50;
	v53 =	vmul.f32 v6, v20;
	v6 =	vld [tilespmem:s21+$0x630]  }
0x263: {  	v63 =	vmul.f32 v21, v32;
	v21 =	vld [tilespmem:s21+$0x4670];
	v32 =	vunpack.i.l.bf16.f32 v36;
	v9 =	vadd.f32 v8, v9  }
0x264: {  	v19 =	vsub.f32 v61, v62;
	v2 =	vmul.f32 v17, v2;
	v35 =	vmul.f32 v40, v32;
	v8 =	vld [tilespmem:s21+$0x650]  }
0x265: {  	v58 =	vunpack.i.l.bf16.f32 v43;
	v59 =	vunpack.i.l.bf16.f32 v44;
	v10 =	vadd.f32 v10, v9;
	v9 =	vld [tilespmem:s17+$0x9610];
	s17 =	sshll.u32 s22, $0x7  }
0x266: {  	v61 =	vmul.f32 v16, v59;
	v28 =	vmul.f32 v55, v28;
	v51 =	vadd.f32 v48, v35;
	v18 =	vld [tilespmem:s17+$0x600]  }
0x267: {  	v16 =	vmul.f32 v16, v58;
	v25 =	vld [tilespmem:s17+$0x640];
	v5 =	vadd.f32 v10, v5;
	v10 =	vsub.f32 v56, v57  }
0x268: {  	v50 =	vmul.f32 v19, v33;
	v55 =	vunpack.i.u.bf16.f32 v37;
	v60 =	vadd.f32 $0.0e+00, v28;
	v33 =	vld [tilespmem:s17+$0x4640]  }
0x269: {  	v19 =	vmul.f32 v51, v38;
	v37 =	vld [tilespmem:s17+$0x610];
	v14 =	vadd.f32 v52, v5;
	v10 =	vmul.f32 v10, v29  }
0x26a: {  	v24 =	vld [tilespmem:s17+$0x4650];
	v51 =	vunpack.i.l.bf16.f32 v11;
	v57 =	vmul.f32 v39, v55;
	v52 =	vmul.f32 v42, v32  }
0x26b: {  	v38 =	vld [tilespmem:s17+$0x620];
	v14 =	vadd.f32 v14, v53;
	v10 =	vadd.f32 v60, v10;
	v53 =	vmul.f32 v40, v34  }
0x26c: {  	v35 =	vld [tilespmem:s17+$0x4630];
	v11 =	vunpack.i.u.bf16.f32 v11;
	v60 =	vmul.f32 v13, v58;
	v13 =	vmul.f32 v13, v59  }
0x26d: {  	v5 =	vld [tilespmem:s21+$0x670];
	v40 =	vunpack.i.u.bf16.f32 v44;
	v14 =	vadd.f32 v54, v14;
	v10 =	vadd.f32 v63, v10  }
0x26e: {  	v29 =	vld [tilespmem:s19+$0x9600];
	v54 =	vunpack.i.u.bf16.f32 v36;
	v63 =	vunpack.i.u.bf16.f32 v43;
	v43 =	vmul.f32 v49, v40  }
0x26f: {  	v32 =	vld [tilespmem:s17+$0x4600];
	v20 =	vsub.f32 v52, v53;
	v53 =	vmul.f32 v30, v51;
	v56 =	vmul.f32 v12, v54  }
0x270: {  	v34 =	vld [tilespmem:s19+$0x8610];
	v13 =	vsub.f32 v16, v13;
	v28 =	vmul.f32 v39, v54;
	v12 =	vmul.f32 v12, v55  }
0x271: {  	v16 =	vld [tilespmem:s19+$0x9610];
	v52 =	vunpack.i.l.bf16.f32 v9;
	v42 =	vmul.f32 v47, v63;
	v48 =	vmul.f32 v49, v63  }
0x272: {  	v58 =	vunpack.i.l.bf16.f32 v27;
	v49 =	vmul.f32 v47, v40;
	v39 =	vld [tilespmem:s17+$0x630];
	v54 =	vmul.f32 v45, v52  }
0x273: {  	v9 =	vunpack.i.u.bf16.f32 v9;
	v55 =	vmul.f32 v45, v51;
	v30 =	vmul.f32 v30, v52;
	v40 =	vld [tilespmem:s18+$0x640]  }
0x274: {  	v59 =	vunpack.i.l.bf16.f32 v29;
	v63 =	vmul.f32 v21, v9;
	v17 =	vadd.f32 v10, v50;
	v10 =	vld [tilespmem:s17+$0x650]  }
0x275: {  	v9 =	vmul.f32 v26, v9;
	v29 =	vunpack.i.u.bf16.f32 v29;
	v7 =	vmul.f32 v20, v7;
	v20 =	vld [tilespmem:s17+$0x4610]  }
0x276: {  	v2 =	vadd.f32 v14, v2;
	v14 =	vadd.f32 v61, v60;
	v13 =	vmul.f32 v13, v15;
	v15 =	vld [tilespmem:s17+$0x660]  }
0x277: {  	v60 =	vmul.f32 v32, v58;
	v62 =	vadd.f32 v57, v56;
	v12 =	vsub.f32 v28, v12;
	v28 =	vld [tilespmem:s17+$0x4660]  }
0x278: {  	v61 =	vmul.f32 v33, v59;
	v44 =	vadd.f32 v43, v42;
	v56 =	vadd.f32 v54, v53;
	v42 =	vld [tilespmem:s18+$0x4600]  }
0x279: {  	v43 =	vmul.f32 v24, v29;
	v51 =	vunpack.i.l.bf16.f32 v34;
	v53 =	vunpack.i.u.bf16.f32 v34;
	v34 =	vld [tilespmem:s18+$0x630]  }
0x27a: {  	v17 =	vadd.f32 v19, v17;
	v14 =	vmul.f32 v14, v41;
	v19 =	vld [tilespmem:s17+$0x4670];
	v3 =	vmul.f32 v62, v3  }
0x27b: {  	v27 =	vunpack.i.u.bf16.f32 v27;
	v12 =	vmul.f32 v12, v4;
	v50 =	vmul.f32 v44, v46;
	v4 =	vld [tilespmem:s17+$0x670]  }
0x27c: {  	v36 =	vadd.f32 v61, v60;
	v57 =	vmul.f32 v56, v22;
	v62 =	vmul.f32 v26, v11;
	v26 =	vld [tilespmem:s18+$0x4640]  }
0x27d: {  	v11 =	vmul.f32 v21, v11;
	v22 =	vmul.f32 v33, v58;
	v21 =	vld [tilespmem:s18+$0x650];
	v52 =	vunpack.i.l.bf16.f32 v16  }
0x27e: {  	v33 =	vld [tilespmem:s18+$0x4610];
	v16 =	vunpack.i.u.bf16.f32 v16;
	v56 =	vmul.f32 v35, v53;
	v14 =	vadd.f32 $0.0e+00, v14  }
0x27f: {  	v7 =	vadd.f32 v17, v7;
	v17 =	vld [tilespmem:s17+$0x4620];
	v18 =	vmul.f32 v36, v18;
	v44 =	vsub.f32 v11, v9  }
0x280: {  	v41 =	vmul.f32 v20, v27;
	v9 =	vld [tilespmem:s18+$0x4650];
	v13 =	vadd.f32 v14, v13;
	v14 =	vsub.f32 v48, v49  }
0x281: {  	v20 =	vmul.f32 v20, v29;
	v11 =	vld [tilespmem:s18+$0x4670];
	v3 =	vadd.f32 v3, v7;
	v7 =	vsub.f32 v55, v30  }
0x282: {  	s19 =	sshll.u32 s20, $0x5;
	v30 =	vld [tilespmem:s18+$0x600];
	v45 =	vadd.f32 $0.0e+00, v18;
	v48 =	vmul.f32 v24, v27;
	v55 =	vmul.f32 v28, v52  }
0x283: {  	s21 =	sand.u32 $0x7FFFFFE0, s19;
	v24 =	vld [tilespmem:s18+$0x660];
	v18 =	vmul.f32 v28, v51;
	v5 =	vmul.f32 v44, v5;
	v13 =	vadd.f32 v50, v13  }
0x284: {  	s17 =	sor.u32 $0x5, s12;
	v8 =	vmul.f32 v14, v8;
	v3 =	vadd.f32 v3, v12;
	v12 =	vld [tilespmem:s21+$0x8600];
	v7 =	vmul.f32 v7, v23  }
0x285: {  	s22 =	sor.u32 s11, s17;
	v47 =	vadd.f32 v43, v41;
	v14 =	vld [tilespmem:s21+$0x9600];
	v23 =	vmul.f32 v32, v59;
	v54 =	vmul.f32 v17, v51  }
0x286: {  	s19 =	sshll.u32 s22, $0x7;
	v43 =	vld [tilespmem:s18+$0x4630];
	v17 =	vmul.f32 v17, v52;
	v8 =	vadd.f32 v13, v8;
	v13 =	vadd.f32 v63, v62  }
0x287: {  	v29 =	vld [tilespmem:s19+$0x600];
	v50 =	vmul.f32 v47, v37;
	v47 =	vmul.f32 v19, v53;
	v22 =	vsub.f32 v22, v23  }
0x288: {  	v36 =	vld [tilespmem:s19+$0x640];
	v27 =	vadd.f32 v55, v54;
	v17 =	vsub.f32 v18, v17;
	v6 =	vmul.f32 v13, v6  }
0x289: {  	v32 =	vld [tilespmem:s18+$0x4620];
	v8 =	vadd.f32 v57, v8;
	v46 =	vmul.f32 v22, v25;
	v57 =	vmul.f32 v19, v16  }
0x28a: {  	v37 =	vld [tilespmem:s18+$0x670];
	v16 =	vmul.f32 v35, v16;
	v58 =	vunpack.i.l.bf16.f32 v12;
	v59 =	vunpack.i.l.bf16.f32 v14  }
0x28b: {  	v23 =	vld [tilespmem:s21+$0x9610];
	v62 =	vmul.f32 v27, v38;
	v15 =	vmul.f32 v17, v15;
	v12 =	vunpack.i.u.bf16.f32 v12  }
0x28c: {  	v55 =	vld [tilespmem:s19+$0x4610];
	v14 =	vunpack.i.u.bf16.f32 v14;
	v60 =	vmul.f32 v42, v58;
	v61 =	vmul.f32 v26, v59  }
0x28d: {  	s20 =	sshll.u32 s22, $0x5;
	v22 =	vld [tilespmem:s21+$0x8610];
	v7 =	vadd.f32 v8, v7;
	v41 =	vmul.f32 v26, v58;
	v44 =	vmul.f32 v42, v59  }
0x28e: {  	v13 =	vld [tilespmem:s18+$0x620];
	s21 =	sand.u32 $0x7FFFFFE0, s20;
	v49 =	vadd.f32 v45, v46;
	v45 =	vmul.f32 v33, v12;
	v46 =	vmul.f32 v9, v14  }
0x28f: {  	v28 =	vadd.f32 v57, v56;
	v26 =	vld [tilespmem:s21+$0x9600];
	v9 =	vmul.f32 v9, v12;
	v51 =	vmul.f32 v33, v14  }
0x290: {  	v14 =	vld [tilespmem:s19+$0x610];
	v54 =	vunpack.i.l.bf16.f32 v23;
	v6 =	vadd.f32 v6, v7;
	v7 =	vsub.f32 v48, v20  }
0x291: {  	v58 =	vld [tilespmem:s19+$0x4650];
	v8 =	vadd.f32 v50, v49;
	v63 =	vmul.f32 v28, v39;
	v39 =	vadd.f32 v61, v60  }
0x292: {  	v42 =	vld [tilespmem:s19+$0x4660];
	v18 =	vadd.f32 v46, v45;
	v9 =	vsub.f32 v9, v51;
	v53 =	vunpack.i.l.bf16.f32 v22  }
0x293: {  	v20 =	vld [tilespmem:s18+$0x4660];
	v61 =	vunpack.i.u.bf16.f32 v22;
	v7 =	vmul.f32 v7, v10;
	v27 =	vmul.f32 v39, v30  }
0x294: {  	v50 =	vld [tilespmem:s19+$0x4640];
	v10 =	vsub.f32 v47, v16;
	v52 =	vmul.f32 v18, v31;
	v56 =	vmul.f32 v32, v53  }
0x295: {  	v48 =	vld [tilespmem:s19+$0x4600];
	v9 =	vmul.f32 v9, v21;
	v5 =	vadd.f32 v6, v5;
	v39 =	vunpack.i.u.bf16.f32 v23  }
0x296: {  	v28 =	vld [tilespmem:s21+$0x8600];
	v38 =	vunpack.i.l.bf16.f32 v26;
	v45 =	vmul.f32 v11, v39;
	v46 =	vmul.f32 v43, v39  }
0x297: {  	v16 =	vld [tilespmem:s19+$0x650];
	v26 =	vunpack.i.u.bf16.f32 v26;
	v7 =	vadd.f32 v8, v7;
	v4 =	vmul.f32 v10, v4  }
0x298: {  	v21 =	vld [tilespmem:s19+$0x4620];
	v8 =	vsub.f32 v41, v44;
	v44 =	vmul.f32 v43, v61;
	v57 =	vmul.f32 v20, v54  }
0x299: {  	s18 =	sor.u32 $0x6, s12;
	v49 =	vadd.f32 $0.0e+00, v27;
	v10 =	vld [tilespmem:s21+$0x8610];
	v12 =	vmul.f32 v20, v53;
	v41 =	vmul.f32 v50, v38  }
0x29a: {  	s22 =	sor.u32 s11, s18;
	v27 =	vld [tilespmem:s19+$0x630];
	v19 =	vmul.f32 v48, v38;
	v7 =	vadd.f32 v62, v7;
	v8 =	vmul.f32 v8, v40  }
0x29b: {  	s20 =	sshll.u32 s22, $0x7;
	v20 =	vld [tilespmem:s19+$0x670];
	v47 =	vunpack.i.u.bf16.f32 v28;
	v62 =	vmul.f32 v32, v54;
	v59 =	vadd.f32 v57, v56  }
0x29c: {  	v54 =	vld [tilespmem:s20+$0x600];
	v22 =	vmul.f32 v58, v47;
	v7 =	vadd.f32 v7, v15;
	v8 =	vadd.f32 v49, v8  }
0x29d: {  	v56 =	vld [tilespmem:s20+$0x640];
	v12 =	vsub.f32 v12, v62;
	v49 =	vmul.f32 v55, v47;
	v55 =	vmul.f32 v55, v26  }
0x29e: {  	v15 =	vld [tilespmem:s21+$0x9610];
	v6 =	vmul.f32 v59, v13;
	v57 =	vunpack.i.l.bf16.f32 v10;
	v10 =	vunpack.i.u.bf16.f32 v10  }
0x29f: {  	v62 =	vld [tilespmem:s20+$0x4640];
	v7 =	vadd.f32 v63, v7;
	v63 =	vunpack.i.l.bf16.f32 v28;
	v12 =	vmul.f32 v12, v24  }
0x2a0: {  	s21 =	sshll.u32 s22, $0x5;
	v13 =	vld [tilespmem:s19+$0x660];
	v8 =	vadd.f32 v52, v8;
	v38 =	vmul.f32 v42, v57;
	v40 =	vmul.f32 v48, v63  }
0x2a1: {  	s21 =	sand.u32 $0x7FFFFFE0, s21;
	v59 =	vld [tilespmem:s20+$0x4600];
	v22 =	vsub.f32 v22, v55;
	v18 =	vmul.f32 v50, v63;
	v50 =	vmul.f32 v58, v26  }
0x2a2: {  	v51 =	vld [tilespmem:s21+$0x8600];
	v4 =	vadd.f32 v7, v4;
	v60 =	vadd.f32 v8, v9;
	v9 =	vmul.f32 v11, v61  }
0x2a3: {  	v52 =	vld [tilespmem:s21+$0x9600];
	v7 =	vadd.f32 v45, v44;
	v16 =	vmul.f32 v22, v16;
	v23 =	vadd.f32 v41, v40  }
0x2a4: {  	v28 =	vld [tilespmem:s19+$0x4630];
	v18 =	vsub.f32 v18, v19;
	v53 =	vadd.f32 v50, v49;
	v58 =	vunpack.i.l.bf16.f32 v15  }
0x2a5: {  	v48 =	vld [tilespmem:s19+$0x4670];
	v6 =	vadd.f32 v6, v60;
	v60 =	vmul.f32 v21, v57;
	v61 =	vmul.f32 v42, v58  }
0x2a6: {  	v63 =	vld [tilespmem:s20+$0x4610];
	v15 =	vunpack.i.u.bf16.f32 v15;
	v7 =	vmul.f32 v7, v34;
	v39 =	vmul.f32 v21, v58  }
0x2a7: {  	v8 =	vld [tilespmem:s19+$0x620];
	v9 =	vsub.f32 v9, v46;
	v23 =	vmul.f32 v23, v29;
	v18 =	vmul.f32 v18, v36  }
0x2a8: {  	v40 =	vld [tilespmem:s21+$0x9610];
	v11 =	vmul.f32 v53, v14;
	v42 =	vunpack.i.l.bf16.f32 v51;
	v43 =	vunpack.i.l.bf16.f32 v52  }
0x2a9: {  	v41 =	vld [tilespmem:s20+$0x4650];
	v46 =	vmul.f32 v28, v10;
	v30 =	vunpack.i.u.bf16.f32 v52;
	v9 =	vmul.f32 v9, v37  }
0x2aa: {  	s19 =	sor.u32 $0x7, s12;
	v49 =	vld [tilespmem:s20+$0x610];
	v6 =	vadd.f32 v6, v12;
	v44 =	vmul.f32 v59, v42;
	v45 =	vmul.f32 v62, v43  }
0x2ab: {  	s22 =	sor.u32 s11, s19;
	v53 =	vld [tilespmem:s20+$0x4620];
	v36 =	vadd.f32 v61, v60;
	v14 =	vmul.f32 v62, v42;
	v47 =	vmul.f32 v48, v15  }
0x2ac: {  	v37 =	vld [tilespmem:s21+$0x8610];
	s21 =	sshll.u32 s22, $0x5;
	v10 =	vmul.f32 v48, v10;
	v48 =	vunpack.i.u.bf16.f32 v51;
	v15 =	vmul.f32 v28, v15;
	s22 =	sshll.u32 s22, $0x7  }
0x2ad: {  	v12 =	vmul.f32 v63, v30;
	v23 =	vadd.f32 $0.0e+00, v23;
	v51 =	vmul.f32 v63, v48;
	v58 =	vld [tilespmem:s22+$0x4640]  }
0x2ae: {  	s21 =	sand.u32 $0x7FFFFFE0, s21;
	v42 =	vld [tilespmem:s22+$0x4650];
	v6 =	vadd.f32 v7, v6;
	v8 =	vmul.f32 v36, v8;
	v7 =	vsub.f32 v38, v39  }
0x2af: {  	v32 =	vld [tilespmem:s21+$0x9600];
	v25 =	vadd.f32 v45, v44;
	v52 =	vmul.f32 v41, v30;
	v10 =	vsub.f32 v10, v15  }
0x2b0: {  	v34 =	vld [tilespmem:s21+$0x9610];
	v61 =	vunpack.i.l.bf16.f32 v40;
	v21 =	vunpack.i.u.bf16.f32 v40;
	v18 =	vadd.f32 v23, v18  }
0x2b1: {  	v15 =	vld [tilespmem:s20+$0x4670];
	v7 =	vmul.f32 v7, v13;
	v17 =	vmul.f32 v25, v54;
	v25 =	vadd.f32 v52, v51  }
0x2b2: {  	v13 =	vld [tilespmem:s21+$0x8610];
	v6 =	vadd.f32 v6, v9;
	v11 =	vadd.f32 v11, v18;
	v18 =	vmul.f32 v59, v43  }
0x2b3: {  	v54 =	vld [tilespmem:s20+$0x4660];
	v60 =	vunpack.i.l.bf16.f32 v37;
	v17 =	vadd.f32 $0.0e+00, v17;
	v57 =	vmul.f32 v25, v49  }
0x2b4: {  	v9 =	vld [tilespmem:s20+$0x4630];
	v62 =	vmul.f32 v53, v60;
	v11 =	vadd.f32 v11, v16;
	v14 =	vsub.f32 v14, v18  }
0x2b5: {  	v16 =	vmul.f32 v41, v48;
	v38 =	vunpack.i.l.bf16.f32 v32;
	v18 =	vmul.f32 v53, v61  }
0x2b6: {  	v50 =	vld [tilespmem:s20+$0x650];
	v45 =	vmul.f32 v15, v21;
	v48 =	vunpack.i.u.bf16.f32 v32;
	v35 =	vunpack.i.u.bf16.f32 v34  }
0x2b7: {  	v23 =	vld [tilespmem:s21+$0x8600];
	v41 =	vmul.f32 v58, v38;
	v51 =	vmul.f32 v42, v48;
	v8 =	vadd.f32 v8, v11  }
0x2b8: {  	(xrf2) =	vadd.scan.msk.f32 $0xffff, v2;
	v39 =	vld [tilespmem:s22+$0x4610];
	v11 =	vadd.f32 v47, v46;
	v14 =	vmul.f32 v14, v56;
	v12 =	vsub.f32 v16, v12  }
0x2b9: {  	(xrf2) =	vadd.scan.msk.f32 $0xffff, v3;
	v56 =	vld [tilespmem:s22+$0x4600];
	v36 =	vmul.f32 v54, v61;
	v3 =	vmul.f32 v9, v21;
	v33 =	vunpack.i.u.bf16.f32 v13  }
0x2ba: {  	v31 =	vld [tilespmem:s20+$0x620];
	v7 =	vadd.f32 v8, v7;
	v55 =	vmul.f32 v11, v27;
	v14 =	vadd.f32 v17, v14  }
0x2bb: {  	v63 =	vld [tilespmem:s22+$0x600];
	v8 =	vmul.f32 v10, v20;
	v12 =	vmul.f32 v12, v50;
	v17 =	vunpack.i.u.bf16.f32 v37  }
0x2bc: {  	v52 =	vld [tilespmem:s22+$0x4620];
	v37 =	vunpack.i.l.bf16.f32 v23;
	v23 =	vunpack.i.u.bf16.f32 v23;
	v44 =	vmul.f32 v9, v17  }
0x2bd: {  	v43 =	vld [tilespmem:s20+$0x660];
	v20 =	vadd.f32 v36, v62;
	v16 =	vmul.f32 v58, v37;
	v50 =	vmul.f32 v39, v23  }
0x2be: {  	v53 =	vld [tilespmem:s22+$0x4660];
	v58 =	vunpack.i.l.bf16.f32 v13;
	v2 =	vmul.f32 v15, v17;
	v40 =	vmul.f32 v56, v37  }
0x2bf: {  	v46 =	vld [tilespmem:s22+$0x640];
	v7 =	vadd.f32 v55, v7;
	v59 =	vadd.f32 v57, v14;
	v14 =	vmul.f32 v54, v60  }
0x2c0: {  	v47 =	vld [tilespmem:s20+$0x630];
	v20 =	vmul.f32 v20, v31;
	v11 =	vmul.f32 v56, v38;
	v29 =	vadd.f32 v41, v40  }
0x2c1: {  	v49 =	vld [tilespmem:s22+$0x610];
	v55 =	vmul.f32 v42, v23;
	v61 =	vmul.f32 v52, v58;
	v19 =	vadd.f32 v45, v44  }
0x2c2: {  	v54 =	vld [tilespmem:s22+$0x650];
	v56 =	vmul.f32 v39, v48;
	v11 =	vsub.f32 v16, v11;
	v22 =	vmul.f32 v29, v63  }
0x2c3: {  	v57 =	vld [tilespmem:s22+$0x620];
	v14 =	vsub.f32 v14, v18;
	v10 =	vadd.f32 v59, v12;
	v59 =	vunpack.i.l.bf16.f32 v34  }
0x2c4: {  	v60 =	vld [tilespmem:s22+$0x4630];
	v16 =	vadd.f32 v51, v50;
	v11 =	vmul.f32 v11, v46;
	v22 =	vadd.f32 $0.0e+00, v22  }
0x2c5: {  	v18 =	vmul.f32 v19, v47;
	v12 =	vsub.f32 v55, v56;
	v62 =	vmul.f32 v53, v59;
	v63 =	vld [tilespmem:s22+$0x4670]  }
0x2c6: {  	v25 =	vld [tilespmem:s22+$0x660];
	v30 =	vmul.f32 v52, v59;
	v16 =	vmul.f32 v16, v49;
	v11 =	vadd.f32 v22, v11  }
0x2c7: {  	v2 =	vsub.f32 v2, v3;
	v14 =	vmul.f32 v14, v43;
	v29 =	vmul.f32 v53, v58  }
0x2c8: {  	v31 =	vld [tilespmem:s20+$0x670];
	v12 =	vmul.f32 v12, v54;
	v27 =	vadd.f32 v62, v61;
	v11 =	vadd.f32 v16, v11  }
0x2c9: {  	v38 =	vld [tilespmem:s22+$0x630];
	v10 =	vadd.f32 v20, v10;
	v40 =	vmul.f32 v60, v33;
	v37 =	vsub.f32 v29, v30  }
0x2ca: {  	v36 =	vmul.f32 v27, v57;
	v41 =	vmul.f32 v63, v35;
	v32 =	vadd.f32 v11, v12  }
0x2cb: {  	(xrf2) =	vadd.scan.msk.f32 $0xffff, v5;
	v42 =	vld [tilespmem:s22+$0x670];
	v46 =	vmul.f32 v60, v35;
	v39 =	vadd.f32 v10, v14;
	v43 =	vmul.f32 v37, v25  }
0x2cc: {  	v45 =	vmul.f32 v63, v33;
	v44 =	vadd.f32 v41, v40;
	v3 =	vadd.f32 v36, v32  }
0x2cd: {  	(xrf2) =	vadd.scan.msk.f32 $0xffff, v4;
	v7 =	vadd.f32 v7, v8;
	v2 =	vmul.f32 v2, v31;
	v5 =	vadd.f32 v18, v39  }
0x2ce: {  	(xrf2) =	vadd.scan.msk.f32 $0xffff, v6;
	v47 =	vsub.f32 v45, v46;
	v4 =	vmul.f32 v44, v38;
	v3 =	vadd.f32 v3, v43  }
0x2cf: {  	v48, _, _ =	vpop (xrf2);
	(xrf2) =	vadd.scan.msk.f32 $0xffff, v7  }
0x2d0: {  	v2 =	vadd.f32 v5, v2;
	v49 =	vmul.f32 v47, v42;
	v3 =	vadd.f32 v4, v3  }
0x2d1: {  	v50 =	vmov s12  }
0x2d2: {  	v51 =	vbroadcast v48, $0xF;
	v52, _, _ =	vpop (xrf2);
	(xrf2) =	vadd.scan.msk.f32 $0xffff, v2;
	v2 =	vadd.f32 v3, v49;
	v3 =	vmov s13  }
0x2d3: {  	vm0 =	veq.s32 v50, v0  }
0x2d4: {  	v53 =	vnsel vm0, $0x0, v51;
	v5 =	vbroadcast v52, $0xF  }
0x2d5: {  	v1 =	vadd.f32 v53, v1;
	vm9 =	veq.s32 v3, v0;
	v3, _, _ =	vpop (xrf2)  }
0x2d6: {  	v54 =	vnsel vm9, $0x0, v5;
	(xrf2) =	vadd.scan.msk.f32 $0xffff, v2;
	v2 =	vmov s14;
	v3 =	vbroadcast v3, $0xF  }
0x2d7: {  	v1 =	vadd.f32 v54, v1;
	v55, _, _ =	vpop (xrf2);
	vm10 =	veq.s32 v2, v0  }
0x2d8: {  	v2 =	vmov s15;
	v56 =	vbroadcast v55, $0xF;
	v57, _, _ =	vpop (xrf2);
	v3 =	vnsel vm10, $0x0, v3  }
0x2d9: {  	vm11 =	veq.s32 v2, v0;
	v58 =	vbroadcast v57, $0xF;
	v59, _, _ =	vpop (xrf2);
	v1 =	vadd.f32 v3, v1  }
0x2da: {  	v2 =	vnsel vm11, $0x0, v56;
	v3 =	vmov s16;
	v60 =	vbroadcast v59, $0xF  }
0x2db: {  	vm12 =	veq.s32 v3, v0;
	v3 =	vmov s17;
	v1 =	vadd.f32 v2, v1  }
0x2dc: {  	v2 =	vnsel vm12, $0x0, v58;
	vm13 =	veq.s32 v3, v0  }
0x2dd: {  	v1 =	vadd.f32 v2, v1;
	v2 =	vnsel vm13, $0x0, v60  }
0x2de: {  	v61, _, _ =	vpop (xrf2)  }
0x2df: {  	p1 =	por p0, p0;
	v62 =	vbroadcast v61, $0xF;
	v3 =	vmov s18  }
.Ltmp4:
0x2e0: {  	vm14 =	veq.s32 v3, v0;
	v1 =	vadd.f32 v2, v1;
	v2, _, _ =	vpop (xrf2);
	(pc) =	sbr.rel @p1 .LBB2_11-.Ltmp4, $4  }
0x2e1: {  	v63 =	vmov s19;
	v3 =	vnsel vm14, $0x0, v62;
	v2 =	vbroadcast v2, $0xF  }
0x2e2: {  	vm15 =	veq.s32 v63, v0;
	v1 =	vadd.f32 v3, v1  }
0x2e3: {  	v2 =	vnsel vm15, $0x0, v2  }
0x2e4: {  	p0 =	por $0x0, $0x0;
	s12 =	simm.s32 $0x8;
	v1 =	vadd.f32 v2, v1  }
0x2e5: {  	s10 =	sadd.s32 $0x1, s10  }
0x2e6: {  	p0 =	sne.s32 s10, $0x8  }
.Ltmp5:
0x2e7: {  	_ = 	snop;
	(pc) =	sbr.rel @p0 .LBB2_10-.Ltmp5, $2  }
0x2e8: {  	_ =	sdelay $0x2  }
0x2e9: {  	[tilespmem:s11+$0xA600] =	vst v1  }
0x2ea: {  	s10 =	simm.s32 $0x0;
	s11 =	rddreg [dreg:$0x15];
	s12 =	simm.s32 $0xA600  }
0x2eb: {  	[hbm4b:s11+s10] =	stream.linear.scatter [tilespmem:s12], [sflag:$0x5], $0x80, $0x38;
	[tilespmem:$0x14700] =	vst v63  }
0x2ec: {  	_ =	swait.ge [sflag:s3], $0x4000  }
0x2ed: {  	[sflag:s3] =	ssyncset.done $0x0  }
0x2ee: {  	[sflag:s3] =	ssyncadd.s32 $0xFFFFC000  }
0x2ef: {  	_ =	swait.ge [sflag:s3], $0x4000  }
0x2f0: {  	[sflag:s3] =	ssyncset.done $0x0  }
0x2f1: {  	[sflag:s3] =	ssyncadd.s32 $0xFFFFC000  }
0x2f2: {  	_ =	swait.ge [sflag:s3], $0x1000  }
0x2f3: {  	[sflag:s3] =	ssyncset.done $0x0  }
0x2f4: {  	[sflag:s3] =	ssyncadd.s32 $0xFFFFF000  }
0x2f5: {  	_ =	swait.ge [sflag:s3], $0x1000  }
0x2f6: {  	[sflag:s3] =	ssyncset.done $0x0  }
0x2f7: {  	[sflag:s3] =	ssyncadd.s32 $0xFFFFF000  }
0x2f8: {  	_ =	swait.ge [sflag:s8], $0x80  }
0x2f9: {  	[sflag:s8] =	ssyncset.done $0x0  }
0x2fa: {  	[sflag:s8] =	ssyncadd.s32 $0xFFFFFF80  }
.LBB2_14:
0x2fb: {  	s11 =	sshll.u32 s10, $0x4;
	p0 =	por $0x1, $0x1;
	v1 =	vimm.f32 $0.0e+00;
	s12 =	simm.s32 $0x0  }
.LBB2_15:
0x2fc: {  	s13 =	sor.u32 s11, s12  }
0x2fd: {  	s15 =	sshll.u32 s13, $0x7  }
0x2fe: {  	v8 =	vld [tilespmem:s15+$0xA680]  }
0x2ff: {  	v9 =	vld [tilespmem:s15+$0xA6C0]  }
0x300: {  	v10 =	vld [tilespmem:s15+$0xE680]  }
0x301: {  	v11 =	vld [tilespmem:s15+$0xE6C0]  }
0x302: {  	v13 =	vld [tilespmem:s15+$0xA690]  }
0x303: {  	v14 =	vld [tilespmem:s15+$0xA6D0]  }
0x304: {  	v15 =	vld [tilespmem:s15+$0xE690]  }
0x305: {  	v16 =	vld [tilespmem:s15+$0xE6D0]  }
0x306: {  	v19 =	vld [tilespmem:s15+$0xA6A0]  }
0x307: {  	v20 =	vld [tilespmem:s15+$0xA6E0]  }
0x308: {  	v21 =	vld [tilespmem:s15+$0xE6A0]  }
0x309: {  	v22 =	vld [tilespmem:s15+$0xE6E0]  }
0x30a: {  	v23 =	vld [tilespmem:s15+$0xA6B0]  }
0x30b: {  	v2 =	vld [tilespmem:s15+$0xA6F0]  }
0x30c: {  	s14 =	sshll.u32 s13, $0x5;
	v24 =	vld [tilespmem:s15+$0xE6B0]  }
0x30d: {  	s14 =	sand.u32 $0x7FFFFFE0, s14;
	v25 =	vld [tilespmem:s15+$0xE6F0]  }
0x30e: {  	v5 =	vld [tilespmem:s14+$0x12680]  }
0x30f: {  	s13 =	sor.u32 $0x1, s12;
	v6 =	vld [tilespmem:s14+$0x13680]  }
0x310: {  	s17 =	sor.u32 s11, s13;
	v17 =	vld [tilespmem:s14+$0x12690]  }
0x311: {  	v18 =	vld [tilespmem:s14+$0x13690];
	s19 =	sshll.u32 s17, $0x7  }
0x312: {  	v28 =	vld [tilespmem:s19+$0xA680]  }
0x313: {  	v29 =	vld [tilespmem:s19+$0xA6C0]  }
0x314: {  	v30 =	vld [tilespmem:s19+$0xE680]  }
0x315: {  	v31 =	vld [tilespmem:s19+$0xE6C0]  }
0x316: {  	v32 =	vld [tilespmem:s19+$0xA690]  }
0x317: {  	v33 =	vld [tilespmem:s19+$0xA6D0]  }
0x318: {  	v34 =	vld [tilespmem:s19+$0xE690]  }
0x319: {  	v35 =	vld [tilespmem:s19+$0xE6D0]  }
0x31a: {  	v38 =	vld [tilespmem:s19+$0xA6A0]  }
0x31b: {  	v7 =	vld [tilespmem:s19+$0xA6E0]  }
0x31c: {  	v40 =	vld [tilespmem:s19+$0xE6A0]  }
0x31d: {  	s16 =	sshll.u32 s17, $0x5;
	v42 =	vld [tilespmem:s19+$0xE6E0]  }
0x31e: {  	s18 =	sand.u32 $0x7FFFFFE0, s16;
	v3 =	vld [tilespmem:s19+$0xA6B0]  }
0x31f: {  	v26 =	vld [tilespmem:s18+$0x12680]  }
0x320: {  	s14 =	sor.u32 $0x2, s12;
	v27 =	vld [tilespmem:s18+$0x13680]  }
0x321: {  	s20 =	sor.u32 s11, s14;
	v36 =	vld [tilespmem:s18+$0x12690]  }
0x322: {  	v37 =	vld [tilespmem:s18+$0x13690];
	s21 =	sshll.u32 s20, $0x7  }
0x323: {  	v46 =	vld [tilespmem:s21+$0xA690]  }
0x324: {  	s17 =	sshll.u32 s20, $0x5;
	v47 =	vld [tilespmem:s21+$0xE690];
	v12 =	vunpack.i.l.bf16.f32 v5;
	v39 =	vunpack.i.l.bf16.f32 v6  }
0x325: {  	s17 =	sand.u32 $0x7FFFFFE0, s17;
	v49 =	vld [tilespmem:s21+$0xE6D0];
	v5 =	vunpack.i.u.bf16.f32 v5;
	v4 =	vmul.f32 v10, v12;
	v41 =	vmul.f32 v11, v39  }
0x326: {  	v43 =	vld [tilespmem:s17+$0x12680];
	v6 =	vunpack.i.u.bf16.f32 v6;
	v11 =	vmul.f32 v11, v12;
	v10 =	vmul.f32 v10, v39  }
0x327: {  	v44 =	vld [tilespmem:s17+$0x13680];
	v57 =	vunpack.i.l.bf16.f32 v17;
	v54 =	vmul.f32 v15, v5;
	v55 =	vmul.f32 v16, v6  }
0x328: {  	v58 =	vunpack.i.l.bf16.f32 v18;
	v12 =	vld [tilespmem:s19+$0xE6B0];
	v5 =	vmul.f32 v16, v5;
	v6 =	vmul.f32 v15, v6  }
0x329: {  	v17 =	vunpack.i.u.bf16.f32 v17;
	v39 =	vld [tilespmem:s19+$0xE6F0];
	v59 =	vmul.f32 v21, v57;
	v45 =	vmul.f32 v22, v58  }
0x32a: {  	v18 =	vunpack.i.u.bf16.f32 v18;
	v15 =	vld [tilespmem:s21+$0xA6C0];
	v21 =	vmul.f32 v21, v58;
	v61 =	vmul.f32 v24, v17  }
0x32b: {  	v16 =	vld [tilespmem:s21+$0xE6C0];
	v62 =	vmul.f32 v25, v18;
	v17 =	vmul.f32 v25, v17  }
0x32c: {  	v18 =	vmul.f32 v24, v18;
	v63 =	vunpack.i.l.bf16.f32 v26;
	v41 =	vadd.f32 v41, v4;
	v4 =	vld [tilespmem:s19+$0xA6F0]  }
0x32d: {  	s15 =	sor.u32 $0x3, s12;
	v48 =	vunpack.i.l.bf16.f32 v27;
	v26 =	vunpack.i.u.bf16.f32 v26;
	v10 =	vsub.f32 v11, v10;
	v11 =	vld [tilespmem:s17+$0x12690]  }
0x32e: {  	s22 =	sor.u32 s11, s15;
	v27 =	vunpack.i.u.bf16.f32 v27;
	v5 =	vsub.f32 v5, v6;
	v6 =	vmul.f32 v22, v57;
	v22 =	vld [tilespmem:s21+$0xA6A0]  }
0x32f: {  	s18 =	sshll.u32 s22, $0x5;
	v60 =	vadd.f32 v45, v59;
	v50 =	vmul.f32 v30, v63;
	v57 =	vmul.f32 v30, v48;
	v30 =	vld [tilespmem:s21+$0xE6A0]  }
0x330: {  	v45 =	vadd.f32 v62, v61;
	v58 =	vmul.f32 v34, v26;
	v61 =	vmul.f32 v35, v26;
	v26 =	vld [tilespmem:s21+$0xE6B0];
	s19 =	sand.u32 $0x7FFFFFE0, s18  }
0x331: {  	v56 =	vadd.f32 v55, v54;
	v59 =	vmul.f32 v35, v27;
	v62 =	vmul.f32 v34, v27;
	v27 =	vld [tilespmem:s19+$0x12680]  }
0x332: {  	v51 =	vmul.f32 v31, v48;
	v8 =	vmul.f32 v41, v8;
	v41 =	vld [tilespmem:s21+$0xA680]  }
0x333: {  	s16 =	sor.u32 $0x4, s12;
	v9 =	vmul.f32 v10, v9;
	v10 =	vmul.f32 v56, v13;
	v13 =	vld [tilespmem:s21+$0xE680]  }
0x334: {  	s20 =	sor.u32 s11, s16;
	v17 =	vsub.f32 v17, v18;
	v34 =	vunpack.i.l.bf16.f32 v37;
	v54 =	vmul.f32 v45, v23;
	v23 =	vld [tilespmem:s21+$0xA6E0]  }
0x335: {  	s18 =	sshll.u32 s20, $0x7;
	v48 =	vmul.f32 v42, v34;
	v6 =	vsub.f32 v6, v21;
	v5 =	vmul.f32 v5, v14;
	v45 =	vld [tilespmem:s21+$0xE6E0]  }
0x336: {  	v56 =	vmul.f32 v31, v63;
	v21 =	vadd.f32 v59, v58;
	v31 =	vld [tilespmem:s18+$0xA690];
	v8 =	vadd.f32 $0.0e+00, v8  }
0x337: {  	v52 =	vmul.f32 v60, v19;
	v55 =	vadd.f32 v51, v50;
	v53 =	vmul.f32 v6, v20;
	v6 =	vld [tilespmem:s21+$0xA6B0]  }
0x338: {  	v63 =	vmul.f32 v21, v32;
	v21 =	vld [tilespmem:s21+$0xE6F0];
	v32 =	vunpack.i.l.bf16.f32 v36;
	v9 =	vadd.f32 v8, v9  }
0x339: {  	v19 =	vsub.f32 v61, v62;
	v2 =	vmul.f32 v17, v2;
	v35 =	vmul.f32 v40, v32;
	v8 =	vld [tilespmem:s21+$0xA6D0]  }
0x33a: {  	v58 =	vunpack.i.l.bf16.f32 v43;
	v59 =	vunpack.i.l.bf16.f32 v44;
	v10 =	vadd.f32 v10, v9;
	v9 =	vld [tilespmem:s17+$0x13690];
	s17 =	sshll.u32 s22, $0x7  }
0x33b: {  	v61 =	vmul.f32 v16, v59;
	v28 =	vmul.f32 v55, v28;
	v51 =	vadd.f32 v48, v35;
	v18 =	vld [tilespmem:s17+$0xA680]  }
0x33c: {  	v16 =	vmul.f32 v16, v58;
	v25 =	vld [tilespmem:s17+$0xA6C0];
	v5 =	vadd.f32 v10, v5;
	v10 =	vsub.f32 v56, v57  }
0x33d: {  	v50 =	vmul.f32 v19, v33;
	v55 =	vunpack.i.u.bf16.f32 v37;
	v60 =	vadd.f32 $0.0e+00, v28;
	v33 =	vld [tilespmem:s17+$0xE6C0]  }
0x33e: {  	v19 =	vmul.f32 v51, v38;
	v37 =	vld [tilespmem:s17+$0xA690];
	v14 =	vadd.f32 v52, v5;
	v10 =	vmul.f32 v10, v29  }
0x33f: {  	v24 =	vld [tilespmem:s17+$0xE6D0];
	v51 =	vunpack.i.l.bf16.f32 v11;
	v57 =	vmul.f32 v39, v55;
	v52 =	vmul.f32 v42, v32  }
0x340: {  	v38 =	vld [tilespmem:s17+$0xA6A0];
	v14 =	vadd.f32 v14, v53;
	v10 =	vadd.f32 v60, v10;
	v53 =	vmul.f32 v40, v34  }
0x341: {  	v35 =	vld [tilespmem:s17+$0xE6B0];
	v11 =	vunpack.i.u.bf16.f32 v11;
	v60 =	vmul.f32 v13, v58;
	v13 =	vmul.f32 v13, v59  }
0x342: {  	v5 =	vld [tilespmem:s21+$0xA6F0];
	v40 =	vunpack.i.u.bf16.f32 v44;
	v14 =	vadd.f32 v54, v14;
	v10 =	vadd.f32 v63, v10  }
0x343: {  	v29 =	vld [tilespmem:s19+$0x13680];
	v54 =	vunpack.i.u.bf16.f32 v36;
	v63 =	vunpack.i.u.bf16.f32 v43;
	v43 =	vmul.f32 v49, v40  }
0x344: {  	v32 =	vld [tilespmem:s17+$0xE680];
	v20 =	vsub.f32 v52, v53;
	v53 =	vmul.f32 v30, v51;
	v56 =	vmul.f32 v12, v54  }
0x345: {  	v34 =	vld [tilespmem:s19+$0x12690];
	v13 =	vsub.f32 v16, v13;
	v28 =	vmul.f32 v39, v54;
	v12 =	vmul.f32 v12, v55  }
0x346: {  	v16 =	vld [tilespmem:s19+$0x13690];
	v52 =	vunpack.i.l.bf16.f32 v9;
	v42 =	vmul.f32 v47, v63;
	v48 =	vmul.f32 v49, v63  }
0x347: {  	v58 =	vunpack.i.l.bf16.f32 v27;
	v49 =	vmul.f32 v47, v40;
	v39 =	vld [tilespmem:s17+$0xA6B0];
	v54 =	vmul.f32 v45, v52  }
0x348: {  	v9 =	vunpack.i.u.bf16.f32 v9;
	v55 =	vmul.f32 v45, v51;
	v30 =	vmul.f32 v30, v52;
	v40 =	vld [tilespmem:s18+$0xA6C0]  }
0x349: {  	v59 =	vunpack.i.l.bf16.f32 v29;
	v63 =	vmul.f32 v21, v9;
	v17 =	vadd.f32 v10, v50;
	v10 =	vld [tilespmem:s17+$0xA6D0]  }
0x34a: {  	v9 =	vmul.f32 v26, v9;
	v29 =	vunpack.i.u.bf16.f32 v29;
	v7 =	vmul.f32 v20, v7;
	v20 =	vld [tilespmem:s17+$0xE690]  }
0x34b: {  	v2 =	vadd.f32 v14, v2;
	v14 =	vadd.f32 v61, v60;
	v13 =	vmul.f32 v13, v15;
	v15 =	vld [tilespmem:s17+$0xA6E0]  }
0x34c: {  	v60 =	vmul.f32 v32, v58;
	v62 =	vadd.f32 v57, v56;
	v12 =	vsub.f32 v28, v12;
	v28 =	vld [tilespmem:s17+$0xE6E0]  }
0x34d: {  	v61 =	vmul.f32 v33, v59;
	v44 =	vadd.f32 v43, v42;
	v56 =	vadd.f32 v54, v53;
	v42 =	vld [tilespmem:s18+$0xE680]  }
0x34e: {  	v43 =	vmul.f32 v24, v29;
	v51 =	vunpack.i.l.bf16.f32 v34;
	v53 =	vunpack.i.u.bf16.f32 v34;
	v34 =	vld [tilespmem:s18+$0xA6B0]  }
0x34f: {  	v17 =	vadd.f32 v19, v17;
	v14 =	vmul.f32 v14, v41;
	v19 =	vld [tilespmem:s17+$0xE6F0];
	v3 =	vmul.f32 v62, v3  }
0x350: {  	v27 =	vunpack.i.u.bf16.f32 v27;
	v12 =	vmul.f32 v12, v4;
	v50 =	vmul.f32 v44, v46;
	v4 =	vld [tilespmem:s17+$0xA6F0]  }
0x351: {  	v36 =	vadd.f32 v61, v60;
	v57 =	vmul.f32 v56, v22;
	v62 =	vmul.f32 v26, v11;
	v26 =	vld [tilespmem:s18+$0xE6C0]  }
0x352: {  	v11 =	vmul.f32 v21, v11;
	v22 =	vmul.f32 v33, v58;
	v21 =	vld [tilespmem:s18+$0xA6D0];
	v52 =	vunpack.i.l.bf16.f32 v16  }
0x353: {  	v33 =	vld [tilespmem:s18+$0xE690];
	v16 =	vunpack.i.u.bf16.f32 v16;
	v56 =	vmul.f32 v35, v53;
	v14 =	vadd.f32 $0.0e+00, v14  }
0x354: {  	v7 =	vadd.f32 v17, v7;
	v17 =	vld [tilespmem:s17+$0xE6A0];
	v18 =	vmul.f32 v36, v18;
	v44 =	vsub.f32 v11, v9  }
0x355: {  	v41 =	vmul.f32 v20, v27;
	v9 =	vld [tilespmem:s18+$0xE6D0];
	v13 =	vadd.f32 v14, v13;
	v14 =	vsub.f32 v48, v49  }
0x356: {  	v20 =	vmul.f32 v20, v29;
	v11 =	vld [tilespmem:s18+$0xE6F0];
	v3 =	vadd.f32 v3, v7;
	v7 =	vsub.f32 v55, v30  }
0x357: {  	s19 =	sshll.u32 s20, $0x5;
	v30 =	vld [tilespmem:s18+$0xA680];
	v45 =	vadd.f32 $0.0e+00, v18;
	v48 =	vmul.f32 v24, v27;
	v55 =	vmul.f32 v28, v52  }
0x358: {  	s21 =	sand.u32 $0x7FFFFFE0, s19;
	v24 =	vld [tilespmem:s18+$0xA6E0];
	v18 =	vmul.f32 v28, v51;
	v5 =	vmul.f32 v44, v5;
	v13 =	vadd.f32 v50, v13  }
0x359: {  	s17 =	sor.u32 $0x5, s12;
	v8 =	vmul.f32 v14, v8;
	v3 =	vadd.f32 v3, v12;
	v12 =	vld [tilespmem:s21+$0x12680];
	v7 =	vmul.f32 v7, v23  }
0x35a: {  	s22 =	sor.u32 s11, s17;
	v47 =	vadd.f32 v43, v41;
	v14 =	vld [tilespmem:s21+$0x13680];
	v23 =	vmul.f32 v32, v59;
	v54 =	vmul.f32 v17, v51  }
0x35b: {  	s19 =	sshll.u32 s22, $0x7;
	v43 =	vld [tilespmem:s18+$0xE6B0];
	v17 =	vmul.f32 v17, v52;
	v8 =	vadd.f32 v13, v8;
	v13 =	vadd.f32 v63, v62  }
0x35c: {  	v29 =	vld [tilespmem:s19+$0xA680];
	v50 =	vmul.f32 v47, v37;
	v47 =	vmul.f32 v19, v53;
	v22 =	vsub.f32 v22, v23  }
0x35d: {  	v36 =	vld [tilespmem:s19+$0xA6C0];
	v27 =	vadd.f32 v55, v54;
	v17 =	vsub.f32 v18, v17;
	v6 =	vmul.f32 v13, v6  }
0x35e: {  	v32 =	vld [tilespmem:s18+$0xE6A0];
	v8 =	vadd.f32 v57, v8;
	v46 =	vmul.f32 v22, v25;
	v57 =	vmul.f32 v19, v16  }
0x35f: {  	v37 =	vld [tilespmem:s18+$0xA6F0];
	v16 =	vmul.f32 v35, v16;
	v58 =	vunpack.i.l.bf16.f32 v12;
	v59 =	vunpack.i.l.bf16.f32 v14  }
0x360: {  	v23 =	vld [tilespmem:s21+$0x13690];
	v62 =	vmul.f32 v27, v38;
	v15 =	vmul.f32 v17, v15;
	v12 =	vunpack.i.u.bf16.f32 v12  }
0x361: {  	v55 =	vld [tilespmem:s19+$0xE690];
	v14 =	vunpack.i.u.bf16.f32 v14;
	v60 =	vmul.f32 v42, v58;
	v61 =	vmul.f32 v26, v59  }
0x362: {  	s20 =	sshll.u32 s22, $0x5;
	v22 =	vld [tilespmem:s21+$0x12690];
	v7 =	vadd.f32 v8, v7;
	v41 =	vmul.f32 v26, v58;
	v44 =	vmul.f32 v42, v59  }
0x363: {  	v13 =	vld [tilespmem:s18+$0xA6A0];
	s21 =	sand.u32 $0x7FFFFFE0, s20;
	v49 =	vadd.f32 v45, v46;
	v45 =	vmul.f32 v33, v12;
	v46 =	vmul.f32 v9, v14  }
0x364: {  	v28 =	vadd.f32 v57, v56;
	v26 =	vld [tilespmem:s21+$0x13680];
	v9 =	vmul.f32 v9, v12;
	v51 =	vmul.f32 v33, v14  }
0x365: {  	v14 =	vld [tilespmem:s19+$0xA690];
	v54 =	vunpack.i.l.bf16.f32 v23;
	v6 =	vadd.f32 v6, v7;
	v7 =	vsub.f32 v48, v20  }
0x366: {  	v58 =	vld [tilespmem:s19+$0xE6D0];
	v8 =	vadd.f32 v50, v49;
	v63 =	vmul.f32 v28, v39;
	v39 =	vadd.f32 v61, v60  }
0x367: {  	v42 =	vld [tilespmem:s19+$0xE6E0];
	v18 =	vadd.f32 v46, v45;
	v9 =	vsub.f32 v9, v51;
	v53 =	vunpack.i.l.bf16.f32 v22  }
0x368: {  	v20 =	vld [tilespmem:s18+$0xE6E0];
	v61 =	vunpack.i.u.bf16.f32 v22;
	v7 =	vmul.f32 v7, v10;
	v27 =	vmul.f32 v39, v30  }
0x369: {  	v50 =	vld [tilespmem:s19+$0xE6C0];
	v10 =	vsub.f32 v47, v16;
	v52 =	vmul.f32 v18, v31;
	v56 =	vmul.f32 v32, v53  }
0x36a: {  	v48 =	vld [tilespmem:s19+$0xE680];
	v9 =	vmul.f32 v9, v21;
	v5 =	vadd.f32 v6, v5;
	v39 =	vunpack.i.u.bf16.f32 v23  }
0x36b: {  	v28 =	vld [tilespmem:s21+$0x12680];
	v38 =	vunpack.i.l.bf16.f32 v26;
	v45 =	vmul.f32 v11, v39;
	v46 =	vmul.f32 v43, v39  }
0x36c: {  	v16 =	vld [tilespmem:s19+$0xA6D0];
	v26 =	vunpack.i.u.bf16.f32 v26;
	v7 =	vadd.f32 v8, v7;
	v4 =	vmul.f32 v10, v4  }
0x36d: {  	v21 =	vld [tilespmem:s19+$0xE6A0];
	v8 =	vsub.f32 v41, v44;
	v44 =	vmul.f32 v43, v61;
	v57 =	vmul.f32 v20, v54  }
0x36e: {  	s18 =	sor.u32 $0x6, s12;
	v49 =	vadd.f32 $0.0e+00, v27;
	v10 =	vld [tilespmem:s21+$0x12690];
	v12 =	vmul.f32 v20, v53;
	v41 =	vmul.f32 v50, v38  }
0x36f: {  	s22 =	sor.u32 s11, s18;
	v27 =	vld [tilespmem:s19+$0xA6B0];
	v19 =	vmul.f32 v48, v38;
	v7 =	vadd.f32 v62, v7;
	v8 =	vmul.f32 v8, v40  }
0x370: {  	s20 =	sshll.u32 s22, $0x7;
	v20 =	vld [tilespmem:s19+$0xA6F0];
	v47 =	vunpack.i.u.bf16.f32 v28;
	v62 =	vmul.f32 v32, v54;
	v59 =	vadd.f32 v57, v56  }
0x371: {  	v54 =	vld [tilespmem:s20+$0xA680];
	v22 =	vmul.f32 v58, v47;
	v7 =	vadd.f32 v7, v15;
	v8 =	vadd.f32 v49, v8  }
0x372: {  	v56 =	vld [tilespmem:s20+$0xA6C0];
	v12 =	vsub.f32 v12, v62;
	v49 =	vmul.f32 v55, v47;
	v55 =	vmul.f32 v55, v26  }
0x373: {  	v15 =	vld [tilespmem:s21+$0x13690];
	v6 =	vmul.f32 v59, v13;
	v57 =	vunpack.i.l.bf16.f32 v10;
	v10 =	vunpack.i.u.bf16.f32 v10  }
0x374: {  	v62 =	vld [tilespmem:s20+$0xE6C0];
	v7 =	vadd.f32 v63, v7;
	v63 =	vunpack.i.l.bf16.f32 v28;
	v12 =	vmul.f32 v12, v24  }
0x375: {  	s21 =	sshll.u32 s22, $0x5;
	v13 =	vld [tilespmem:s19+$0xA6E0];
	v8 =	vadd.f32 v52, v8;
	v38 =	vmul.f32 v42, v57;
	v40 =	vmul.f32 v48, v63  }
0x376: {  	s21 =	sand.u32 $0x7FFFFFE0, s21;
	v59 =	vld [tilespmem:s20+$0xE680];
	v22 =	vsub.f32 v22, v55;
	v18 =	vmul.f32 v50, v63;
	v50 =	vmul.f32 v58, v26  }
0x377: {  	v51 =	vld [tilespmem:s21+$0x12680];
	v4 =	vadd.f32 v7, v4;
	v60 =	vadd.f32 v8, v9;
	v9 =	vmul.f32 v11, v61  }
0x378: {  	v52 =	vld [tilespmem:s21+$0x13680];
	v7 =	vadd.f32 v45, v44;
	v16 =	vmul.f32 v22, v16;
	v23 =	vadd.f32 v41, v40  }
0x379: {  	v28 =	vld [tilespmem:s19+$0xE6B0];
	v18 =	vsub.f32 v18, v19;
	v53 =	vadd.f32 v50, v49;
	v58 =	vunpack.i.l.bf16.f32 v15  }
0x37a: {  	v48 =	vld [tilespmem:s19+$0xE6F0];
	v6 =	vadd.f32 v6, v60;
	v60 =	vmul.f32 v21, v57;
	v61 =	vmul.f32 v42, v58  }
0x37b: {  	v63 =	vld [tilespmem:s20+$0xE690];
	v15 =	vunpack.i.u.bf16.f32 v15;
	v7 =	vmul.f32 v7, v34;
	v39 =	vmul.f32 v21, v58  }
0x37c: {  	v8 =	vld [tilespmem:s19+$0xA6A0];
	v9 =	vsub.f32 v9, v46;
	v23 =	vmul.f32 v23, v29;
	v18 =	vmul.f32 v18, v36  }
0x37d: {  	v40 =	vld [tilespmem:s21+$0x13690];
	v11 =	vmul.f32 v53, v14;
	v42 =	vunpack.i.l.bf16.f32 v51;
	v43 =	vunpack.i.l.bf16.f32 v52  }
0x37e: {  	v41 =	vld [tilespmem:s20+$0xE6D0];
	v46 =	vmul.f32 v28, v10;
	v30 =	vunpack.i.u.bf16.f32 v52;
	v9 =	vmul.f32 v9, v37  }
0x37f: {  	s19 =	sor.u32 $0x7, s12;
	v49 =	vld [tilespmem:s20+$0xA690];
	v6 =	vadd.f32 v6, v12;
	v44 =	vmul.f32 v59, v42;
	v45 =	vmul.f32 v62, v43  }
0x380: {  	s22 =	sor.u32 s11, s19;
	v53 =	vld [tilespmem:s20+$0xE6A0];
	v36 =	vadd.f32 v61, v60;
	v14 =	vmul.f32 v62, v42;
	v47 =	vmul.f32 v48, v15  }
0x381: {  	v37 =	vld [tilespmem:s21+$0x12690];
	s21 =	sshll.u32 s22, $0x5;
	v10 =	vmul.f32 v48, v10;
	v48 =	vunpack.i.u.bf16.f32 v51;
	v15 =	vmul.f32 v28, v15;
	s22 =	sshll.u32 s22, $0x7  }
0x382: {  	v12 =	vmul.f32 v63, v30;
	v23 =	vadd.f32 $0.0e+00, v23;
	v51 =	vmul.f32 v63, v48;
	v58 =	vld [tilespmem:s22+$0xE6C0]  }
0x383: {  	s21 =	sand.u32 $0x7FFFFFE0, s21;
	v42 =	vld [tilespmem:s22+$0xE6D0];
	v6 =	vadd.f32 v7, v6;
	v8 =	vmul.f32 v36, v8;
	v7 =	vsub.f32 v38, v39  }
0x384: {  	v32 =	vld [tilespmem:s21+$0x13680];
	v25 =	vadd.f32 v45, v44;
	v52 =	vmul.f32 v41, v30;
	v10 =	vsub.f32 v10, v15  }
0x385: {  	v34 =	vld [tilespmem:s21+$0x13690];
	v61 =	vunpack.i.l.bf16.f32 v40;
	v21 =	vunpack.i.u.bf16.f32 v40;
	v18 =	vadd.f32 v23, v18  }
0x386: {  	v15 =	vld [tilespmem:s20+$0xE6F0];
	v7 =	vmul.f32 v7, v13;
	v17 =	vmul.f32 v25, v54;
	v25 =	vadd.f32 v52, v51  }
0x387: {  	v13 =	vld [tilespmem:s21+$0x12690];
	v6 =	vadd.f32 v6, v9;
	v11 =	vadd.f32 v11, v18;
	v18 =	vmul.f32 v59, v43  }
0x388: {  	v54 =	vld [tilespmem:s20+$0xE6E0];
	v60 =	vunpack.i.l.bf16.f32 v37;
	v17 =	vadd.f32 $0.0e+00, v17;
	v57 =	vmul.f32 v25, v49  }
0x389: {  	v9 =	vld [tilespmem:s20+$0xE6B0];
	v62 =	vmul.f32 v53, v60;
	v11 =	vadd.f32 v11, v16;
	v14 =	vsub.f32 v14, v18  }
0x38a: {  	v16 =	vmul.f32 v41, v48;
	v38 =	vunpack.i.l.bf16.f32 v32;
	v18 =	vmul.f32 v53, v61  }
0x38b: {  	v50 =	vld [tilespmem:s20+$0xA6D0];
	v45 =	vmul.f32 v15, v21;
	v48 =	vunpack.i.u.bf16.f32 v32;
	v35 =	vunpack.i.u.bf16.f32 v34  }
0x38c: {  	v23 =	vld [tilespmem:s21+$0x12680];
	v41 =	vmul.f32 v58, v38;
	v51 =	vmul.f32 v42, v48;
	v8 =	vadd.f32 v8, v11  }
0x38d: {  	(xrf2) =	vadd.scan.msk.f32 $0xffff, v2;
	v39 =	vld [tilespmem:s22+$0xE690];
	v11 =	vadd.f32 v47, v46;
	v14 =	vmul.f32 v14, v56;
	v12 =	vsub.f32 v16, v12  }
0x38e: {  	(xrf2) =	vadd.scan.msk.f32 $0xffff, v3;
	v56 =	vld [tilespmem:s22+$0xE680];
	v36 =	vmul.f32 v54, v61;
	v3 =	vmul.f32 v9, v21;
	v33 =	vunpack.i.u.bf16.f32 v13  }
0x38f: {  	v31 =	vld [tilespmem:s20+$0xA6A0];
	v7 =	vadd.f32 v8, v7;
	v55 =	vmul.f32 v11, v27;
	v14 =	vadd.f32 v17, v14  }
0x390: {  	v63 =	vld [tilespmem:s22+$0xA680];
	v8 =	vmul.f32 v10, v20;
	v12 =	vmul.f32 v12, v50;
	v17 =	vunpack.i.u.bf16.f32 v37  }
0x391: {  	v52 =	vld [tilespmem:s22+$0xE6A0];
	v37 =	vunpack.i.l.bf16.f32 v23;
	v23 =	vunpack.i.u.bf16.f32 v23;
	v44 =	vmul.f32 v9, v17  }
0x392: {  	v43 =	vld [tilespmem:s20+$0xA6E0];
	v20 =	vadd.f32 v36, v62;
	v16 =	vmul.f32 v58, v37;
	v50 =	vmul.f32 v39, v23  }
0x393: {  	v53 =	vld [tilespmem:s22+$0xE6E0];
	v58 =	vunpack.i.l.bf16.f32 v13;
	v2 =	vmul.f32 v15, v17;
	v40 =	vmul.f32 v56, v37  }
0x394: {  	v46 =	vld [tilespmem:s22+$0xA6C0];
	v7 =	vadd.f32 v55, v7;
	v59 =	vadd.f32 v57, v14;
	v14 =	vmul.f32 v54, v60  }
0x395: {  	v47 =	vld [tilespmem:s20+$0xA6B0];
	v20 =	vmul.f32 v20, v31;
	v11 =	vmul.f32 v56, v38;
	v29 =	vadd.f32 v41, v40  }
0x396: {  	v49 =	vld [tilespmem:s22+$0xA690];
	v55 =	vmul.f32 v42, v23;
	v61 =	vmul.f32 v52, v58;
	v19 =	vadd.f32 v45, v44  }
0x397: {  	v54 =	vld [tilespmem:s22+$0xA6D0];
	v56 =	vmul.f32 v39, v48;
	v11 =	vsub.f32 v16, v11;
	v22 =	vmul.f32 v29, v63  }
0x398: {  	v57 =	vld [tilespmem:s22+$0xA6A0];
	v14 =	vsub.f32 v14, v18;
	v10 =	vadd.f32 v59, v12;
	v59 =	vunpack.i.l.bf16.f32 v34  }
0x399: {  	v60 =	vld [tilespmem:s22+$0xE6B0];
	v16 =	vadd.f32 v51, v50;
	v11 =	vmul.f32 v11, v46;
	v22 =	vadd.f32 $0.0e+00, v22  }
0x39a: {  	v18 =	vmul.f32 v19, v47;
	v12 =	vsub.f32 v55, v56;
	v62 =	vmul.f32 v53, v59;
	v63 =	vld [tilespmem:s22+$0xE6F0]  }
0x39b: {  	v25 =	vld [tilespmem:s22+$0xA6E0];
	v30 =	vmul.f32 v52, v59;
	v16 =	vmul.f32 v16, v49;
	v11 =	vadd.f32 v22, v11  }
0x39c: {  	v2 =	vsub.f32 v2, v3;
	v14 =	vmul.f32 v14, v43;
	v29 =	vmul.f32 v53, v58  }
0x39d: {  	v31 =	vld [tilespmem:s20+$0xA6F0];
	v12 =	vmul.f32 v12, v54;
	v27 =	vadd.f32 v62, v61;
	v11 =	vadd.f32 v16, v11  }
0x39e: {  	v38 =	vld [tilespmem:s22+$0xA6B0];
	v10 =	vadd.f32 v20, v10;
	v40 =	vmul.f32 v60, v33;
	v37 =	vsub.f32 v29, v30  }
0x39f: {  	v36 =	vmul.f32 v27, v57;
	v41 =	vmul.f32 v63, v35;
	v32 =	vadd.f32 v11, v12  }
0x3a0: {  	(xrf2) =	vadd.scan.msk.f32 $0xffff, v5;
	v42 =	vld [tilespmem:s22+$0xA6F0];
	v46 =	vmul.f32 v60, v35;
	v39 =	vadd.f32 v10, v14;
	v43 =	vmul.f32 v37, v25  }
0x3a1: {  	v45 =	vmul.f32 v63, v33;
	v44 =	vadd.f32 v41, v40;
	v3 =	vadd.f32 v36, v32  }
0x3a2: {  	(xrf2) =	vadd.scan.msk.f32 $0xffff, v4;
	v7 =	vadd.f32 v7, v8;
	v2 =	vmul.f32 v2, v31;
	v5 =	vadd.f32 v18, v39  }
0x3a3: {  	(xrf2) =	vadd.scan.msk.f32 $0xffff, v6;
	v47 =	vsub.f32 v45, v46;
	v4 =	vmul.f32 v44, v38;
	v3 =	vadd.f32 v3, v43  }
0x3a4: {  	v48, _, _ =	vpop (xrf2);
	(xrf2) =	vadd.scan.msk.f32 $0xffff, v7  }
0x3a5: {  	v2 =	vadd.f32 v5, v2;
	v49 =	vmul.f32 v47, v42;
	v3 =	vadd.f32 v4, v3  }
0x3a6: {  	v50 =	vmov s12  }
0x3a7: {  	v51 =	vbroadcast v48, $0xF;
	v52, _, _ =	vpop (xrf2);
	(xrf2) =	vadd.scan.msk.f32 $0xffff, v2;
	v2 =	vadd.f32 v3, v49;
	v3 =	vmov s13  }
0x3a8: {  	vm0 =	veq.s32 v50, v0  }
0x3a9: {  	v53 =	vnsel vm0, $0x0, v51;
	v5 =	vbroadcast v52, $0xF  }
0x3aa: {  	v1 =	vadd.f32 v53, v1;
	vm9 =	veq.s32 v3, v0;
	v3, _, _ =	vpop (xrf2)  }
0x3ab: {  	v54 =	vnsel vm9, $0x0, v5;
	(xrf2) =	vadd.scan.msk.f32 $0xffff, v2;
	v2 =	vmov s14;
	v3 =	vbroadcast v3, $0xF  }
0x3ac: {  	v1 =	vadd.f32 v54, v1;
	v55, _, _ =	vpop (xrf2);
	vm10 =	veq.s32 v2, v0  }
0x3ad: {  	v2 =	vmov s15;
	v56 =	vbroadcast v55, $0xF;
	v57, _, _ =	vpop (xrf2);
	v3 =	vnsel vm10, $0x0, v3  }
0x3ae: {  	vm11 =	veq.s32 v2, v0;
	v58 =	vbroadcast v57, $0xF;
	v59, _, _ =	vpop (xrf2);
	v1 =	vadd.f32 v3, v1  }
0x3af: {  	v2 =	vnsel vm11, $0x0, v56;
	v3 =	vmov s16;
	v60 =	vbroadcast v59, $0xF  }
0x3b0: {  	vm12 =	veq.s32 v3, v0;
	v3 =	vmov s17;
	v1 =	vadd.f32 v2, v1  }
0x3b1: {  	v2 =	vnsel vm12, $0x0, v58;
	vm13 =	veq.s32 v3, v0  }
0x3b2: {  	v1 =	vadd.f32 v2, v1;
	v2 =	vnsel vm13, $0x0, v60  }
0x3b3: {  	v61, _, _ =	vpop (xrf2)  }
0x3b4: {  	p1 =	por p0, p0;
	v62 =	vbroadcast v61, $0xF;
	v3 =	vmov s18  }
.Ltmp6:
0x3b5: {  	vm14 =	veq.s32 v3, v0;
	v1 =	vadd.f32 v2, v1;
	v2, _, _ =	vpop (xrf2);
	(pc) =	sbr.rel @p1 .LBB2_15-.Ltmp6, $4  }
0x3b6: {  	v63 =	vmov s19;
	v3 =	vnsel vm14, $0x0, v62;
	v2 =	vbroadcast v2, $0xF  }
0x3b7: {  	vm15 =	veq.s32 v63, v0;
	v1 =	vadd.f32 v3, v1  }
0x3b8: {  	v2 =	vnsel vm15, $0x0, v2  }
0x3b9: {  	p0 =	por $0x0, $0x0;
	s12 =	simm.s32 $0x8;
	v1 =	vadd.f32 v2, v1  }
0x3ba: {  	s10 =	sadd.s32 $0x1, s10  }
0x3bb: {  	p0 =	sne.s32 s10, $0x8  }
.Ltmp7:
0x3bc: {  	_ = 	snop;
	(pc) =	sbr.rel @p0 .LBB2_14-.Ltmp7, $2  }
0x3bd: {  	_ =	sdelay $0x2  }
0x3be: {  	[tilespmem:s11+$0x14680] =	vst v1  }
0x3bf: {  	s10 =	rddreg [dreg:$0x16];
	s11 =	simm.s32 $0x14680  }
0x3c0: {  	[hbm4b:s10+s2] =	stream.linear.scatter [tilespmem:s11], [sflag:$0x6], $0x80, $0x38;
	[tilespmem:$0x14700] =	vst v63  }
0x3c1: {  	_ =	swait.ge [sflag:s7], $0x80  }
0x3c2: {  	[sflag:s7] =	ssyncset.done $0x0  }
0x3c3: {  	[sflag:s7] =	ssyncadd.s32 $0xFFFFFF80  }
0x3c4: {  	_ =	swait.ge [sflag:s8], $0x80  }
0x3c5: {  	s9 =	sadd.s32 $0x1, s9;
	s22 =	rddreg [dreg:$0x17]  }
0x3c6: {  	p0 =	sne.s32 s9, s22  }
.Ltmp8:
0x3c7: {  	_ = 	snop;
	(pc) =	sbr.rel @p0 .LBB2_1-.Ltmp8, $3  }
0x3c8: {  	_ =	sdelay $0x1  }
0x3c9: {  	[sflag:s8] =	ssyncset.done $0x0  }
0x3ca: {  	[sflag:s8] =	ssyncadd.s32 $0xFFFFFF80  }
0x3cb: {  	_ =	sfence.sel $0x180000  }
0x3cc: {  	[bflag:$0x0] =	sbarrier.arrive $0xFFFF  }
0x3cd: {  	_ =	strace $0x90000047  }
0x3ce: {  	s0 =	stileid.u32;
	[bflag:$0x2] =	sbarrier.arrive $0xFFFF  }
0x3cf: {  	p0 =	sne.s32 s0, $0x0;
	s0 =	rddreg [dreg:$0x6]  }
0x3d0: {  	s0 =	sadd.s32 @!p0 $0x100000, s0  }
0x3d1: {  	[sflag:s0] =	ssyncadd.tile.s32 @!p0 $0x1;
	_ =	shalt  }
.Lfunc_end2:
_tile_overlayer_lowered:
.L_overlay_start_2:
0x3d2: {  	(tag) =	ssettag $0x2  }
0x3d3: {  	s0 =	rddreg [dreg:$0x0];
	s2 =	stileid.u32  }
0x3d4: {  	s1 =	rddreg [dreg:$0x1];
	p0 =	sne.s32 s2, $0x0  }
0x3d5: {  	s3 =	rddreg [dreg:$0x2];
	[bflag:$0x3] =	sbarrier.arrive $0xFFFF;
	s2 =	simm.s32 @!p0 $0x1C09  }
0x3d6: {  	[timem:s3], [sflag:s2] =	dma.local @!p0 [hbm:s0], s1  }
0x3d7: {  	s0 =	simm.s32 @!p0 $0x9  }
0x3d8: {  	_ =	swait.ge @!p0 [sflag:s0], s1  }
0x3d9: {  	s1 =	ssub.s32 @!p0 $0x0, s1;
	[sflag:s0] =	ssyncset.done @!p0 $0x0  }
0x3da: {  	[sflag:s0] =	ssyncadd.s32 @!p0 s1  }
0x3db: {  	[bflag:$0x3] =	sbarrier.arrive $0xFFFF  }
0x3dc: {  	_ =	shalt  }

</sc_bundles>
